<compile_context>
chip_gen: v7x
topology: tpu7x:2x2x1
jax: 0.10.2.dev20260603
libtpu: 0.0.44.dev20260713+nightly
codegen_flags: <defaults>
</compile_context>

<pallas_src>
import functools
import math

import jax
import jax.numpy as jnp
from jax import lax
from jax.experimental import pallas as pl
from jax.experimental.pallas import tpu as pltpu
from jax.experimental.pallas import tpu_sc as plsc

NC, NS, LANES = 2, 16, 16
NW = NC * NS
CHUNK = 128


def _sinusoidal_pe(seq_len, d_model):
    position = jnp.arange(seq_len, dtype=jnp.float32)[:, None]
    div_term = jnp.exp(
        jnp.arange(0, d_model, 2, dtype=jnp.float32)
        * -(math.log(10000.0) / d_model))
    angles = position * div_term[None, :]
    pe = jnp.zeros((seq_len, d_model), dtype=jnp.float32)
    pe = pe.at[:, 0::2].set(jnp.sin(angles))
    pe = pe.at[:, 1::2].set(jnp.cos(angles))
    return pe


def _make_sc_kernel(N, D, rows_per_w, SEQ_LEN):
    n_chunks = rows_per_w // CHUNK
    assert n_chunks % 2 == 0
    mesh = plsc.VectorSubcoreMesh(core_axis_name="c", subcore_axis_name="s")

    @functools.partial(
        pl.kernel,
        mesh=mesh,
        out_type=jax.ShapeDtypeStruct((N, D), jnp.float32),
        scratch_types=[
            pltpu.VMEM((rows_per_w,), jnp.int32),
            pltpu.VMEM((rows_per_w,), jnp.int32),
            pltpu.VMEM((CHUNK, D), jnp.float32),
            pltpu.VMEM((CHUNK, D), jnp.float32),
            pltpu.VMEM((CHUNK, D), jnp.float32),
            pltpu.VMEM((CHUNK, D), jnp.float32),
            pltpu.VMEM((CHUNK, D), jnp.float32),
            pltpu.VMEM((CHUNK, D), jnp.float32),
            pltpu.SemaphoreType.DMA,
            pltpu.SemaphoreType.DMA,
            pltpu.SemaphoreType.DMA,
            pltpu.SemaphoreType.DMA,
            pltpu.SemaphoreType.DMA,
            pltpu.SemaphoreType.DMA,
            pltpu.VMEM_SHARED((3 * SEQ_LEN, D), jnp.float32),
        ],
    )
    def sc_kernel(tok_hbm, combo_hbm, seq_hbm, seg_hbm, out_hbm,
                  seq_all, cidx_all, tok0, tok1, comb0, comb1,
                  out0, out1, st0, st1, sc0, sc1, sw0, sw1, combo_sh):
        tok_v = (tok0, tok1)
        comb_v = (comb0, comb1)
        out_v = (out0, out1)
        sem_t = (st0, st1)
        sem_c = (sc0, sc1)
        sem_w = (sw0, sw1)

        wid = lax.axis_index("s") * NC + lax.axis_index("c")
        w_base = wid * rows_per_w

        pltpu.async_copy(seq_hbm.at[pl.ds(w_base, rows_per_w)], seq_all,
                         sem_t[0])
        pltpu.async_copy(seg_hbm.at[pl.ds(w_base, rows_per_w)], cidx_all,
                         sem_t[1])

        @pl.when(lax.axis_index("s") == 0)
        def _():
            pltpu.sync_copy(combo_hbm, combo_sh)

        pltpu.make_async_copy(seq_hbm.at[pl.ds(w_base, rows_per_w)], seq_all,
                              sem_t[0]).wait()
        pltpu.make_async_copy(seg_hbm.at[pl.ds(w_base, rows_per_w)], cidx_all,
                              sem_t[1]).wait()
        plsc.subcore_barrier()

        iota16 = jax.lax.iota(jnp.int32, LANES)
        H = CHUNK // 2

        def fetch(b, ci):
            sl = pl.ds(ci * CHUNK, CHUNK)
            lo = pl.ds(ci * CHUNK, H)
            hi = pl.ds(ci * CHUNK + H, H)
            pltpu.async_copy(tok_hbm.at[seq_all.at[lo]],
                             tok_v[b].at[pl.ds(0, H)], sem_t[b])
            pltpu.async_copy(tok_hbm.at[seq_all.at[hi]],
                             tok_v[b].at[pl.ds(H, H)], sem_t[b])
            for q in range(CHUNK // LANES):
                qsl = pl.ds(ci * CHUNK + q * LANES, LANES)
                pos = ((w_base + ci * CHUNK + q * LANES) + iota16) % SEQ_LEN
                cidx_all[qsl] = pos * 3 + cidx_all[qsl]
            pltpu.async_copy(combo_sh.at[cidx_all.at[sl]], comb_v[b],
                             sem_c[b])

        def wait_gathers(b, ci):
            sl = pl.ds(ci * CHUNK, CHUNK)
            lo = pl.ds(ci * CHUNK, H)
            hi = pl.ds(ci * CHUNK + H, H)
            pltpu.make_async_copy(tok_hbm.at[seq_all.at[lo]],
                                  tok_v[b].at[pl.ds(0, H)], sem_t[b]).wait()
            pltpu.make_async_copy(tok_hbm.at[seq_all.at[hi]],
                                  tok_v[b].at[pl.ds(H, H)], sem_t[b]).wait()
            pltpu.make_async_copy(combo_sh.at[cidx_all.at[sl]], comb_v[b],
                                  sem_c[b]).wait()

        def wait_wb(b, base):
            pltpu.make_async_copy(out_v[b], out_hbm.at[pl.ds(base, CHUNK)],
                                  sem_w[b]).wait()

        def add_rows(b, lo, hi):
            @plsc.parallel_loop(lo, hi)
            def row_body(r):
                for j in range(D // LANES):
                    sl = pl.ds(j * LANES, LANES)
                    out_v[b][r, sl] = tok_v[b][r, sl] + comb_v[b][r, sl]

        fetch(0, 0)
        fetch(1, 1)

        def group_body(g, _):
            for b in range(2):
                c = 2 * g + b
                base = w_base + c * CHUNK
                wait_gathers(b, c)

                @pl.when(c >= 2)
                def _():
                    wait_wb(b, base - 2 * CHUNK)

                for h in range(2):
                    add_rows(b, h * H, (h + 1) * H)
                    pltpu.async_copy(
                        out_v[b].at[pl.ds(h * H, H)],
                        out_hbm.at[pl.ds(base + h * H, H)], sem_w[b])

                @pl.when(c + 2 < n_chunks)
                def _():
                    fetch(b, c + 2)
            return 0

        lax.fori_loop(0, n_chunks // 2, group_body, 0, unroll=False)

        wait_wb(0, w_base + (n_chunks - 2) * CHUNK)
        wait_wb(1, w_base + (n_chunks - 1) * CHUNK)

    return sc_kernel


def kernel(sequence, segment_label, token_table, segment_table):
    B, L = sequence.shape
    V, D = token_table.shape
    N = B * L
    rows_per_w = N // NW

    pe = _sinusoidal_pe(L, D)
    combo = (pe[:, None, :] + segment_table[None, :, :]).reshape(L * 3, D)
    seq_flat = sequence.reshape(-1).astype(jnp.int32)
    seg_flat = segment_label.reshape(-1).astype(jnp.int32)

    out = _make_sc_kernel(N, D, rows_per_w, L)(
        token_table, combo, seq_flat, seg_flat)
    return out.reshape(B, L, D)

# --- scband reference (transcript-rebuilt; emitter-appended) ---
"""Pipeline reference for scband-bertembedding-10754598109510 (READ-ONLY COPY).

The authoritative reference and input builder live on the scoring server;
editing this copy changes nothing except your own understanding.
"""

import math
import jax, jax.numpy as jnp
import numpy as np


def _sinusoidal_pe(seq_len, d_model):
    position = jnp.arange(seq_len, dtype=jnp.float32)[:, None]
    div_term = jnp.exp(jnp.arange(0, d_model, 2, dtype=jnp.float32) * -(math.log(10000.0) / d_model))
    angles = position * div_term[None, :]
    pe = jnp.zeros((seq_len, d_model), dtype=jnp.float32)
    pe = pe.at[:, 0::2].set(jnp.sin(angles))
    pe = pe.at[:, 1::2].set(jnp.cos(angles))
    return pe


def setup_inputs(seed: int = 0) -> dict:
    key = jax.random.key(seed)
    k1, k2, k3, k4 = jax.random.split(key, 4)
    B, L = 1024, 200
    vocab, d = 100000, 128
    sequence = jax.random.randint(k1, (B, L), 0, vocab, dtype=jnp.int64 if jax.config.jax_enable_x64 else jnp.int32)
    segment_label = jax.random.randint(k2, (B, L), 0, 3, dtype=jnp.int64 if jax.config.jax_enable_x64 else jnp.int32)
    token_table = jax.random.normal(k3, (vocab, d), dtype=jnp.float32)
    token_table = token_table.at[0].set(0.0)  # padding_idx=0
    segment_table = jax.random.normal(k4, (3, d), dtype=jnp.float32)
    segment_table = segment_table.at[0].set(0.0)  # padding_idx=0
    return {"sequence": sequence, "segment_label": segment_label, "token_table": token_table, "segment_table": segment_table}


def reference(sequence, segment_label, token_table, segment_table):
    # BERTEmbedding forward (eval mode => dropout is identity)
    L = sequence.shape[1]
    d = token_table.shape[1]
    tok = jnp.take(token_table, sequence, axis=0)          # TokenEmbedding gather
    pe = _sinusoidal_pe(L, d)[None, :, :]                   # PositionalEmbedding (buffer, no grad)
    seg = jnp.take(segment_table, segment_label, axis=0)    # SegmentEmbedding gather
    return tok + pe + seg

if __name__ == "__main__":
    import jax
    _d = setup_inputs()
    print(jax.jit(kernel)(*tuple(_d.values())))

</pallas_src>

<mosaic_0001>
#map = affine_map<(d0, d1) -> (0, 0)>
#map1 = affine_map<(d0, d1) -> (0)>
module attributes {stable_mosaic.version = 14 : i64} {
  func.func @sc_kernel(%arg0: i32, %arg1: i32, %arg2: memref<100000x128xf32, #tpu.memory_space<hbm>>, %arg3: memref<600x128xf32, #tpu.memory_space<hbm>>, %arg4: memref<204800xi32, #tpu.memory_space<hbm>>, %arg5: memref<204800xi32, #tpu.memory_space<hbm>>, %arg6: memref<204800x128xf32, #tpu.memory_space<hbm>>, %arg7: memref<6400xi32, #tpu.memory_space<vmem>>, %arg8: memref<6400xi32, #tpu.memory_space<vmem>>, %arg9: memref<128x128xf32, #tpu.memory_space<vmem>>, %arg10: memref<128x128xf32, #tpu.memory_space<vmem>>, %arg11: memref<128x128xf32, #tpu.memory_space<vmem>>, %arg12: memref<128x128xf32, #tpu.memory_space<vmem>>, %arg13: memref<128x128xf32, #tpu.memory_space<vmem>>, %arg14: memref<128x128xf32, #tpu.memory_space<vmem>>, %arg15: memref<!tpu.dma_semaphore, #tpu.memory_space<semaphore_mem>>, %arg16: memref<!tpu.dma_semaphore, #tpu.memory_space<semaphore_mem>>, %arg17: memref<!tpu.dma_semaphore, #tpu.memory_space<semaphore_mem>>, %arg18: memref<!tpu.dma_semaphore, #tpu.memory_space<semaphore_mem>>, %arg19: memref<!tpu.dma_semaphore, #tpu.memory_space<semaphore_mem>>, %arg20: memref<!tpu.dma_semaphore, #tpu.memory_space<semaphore_mem>>, %arg21: memref<600x128xf32, #tpu.memory_space<vmem_shared>>) attributes {dimension_semantics = [#tpu.dimension_semantics<core_parallel>, #tpu.dimension_semantics<subcore_parallel>], iteration_bounds = array<i64: 2, 16>, scalar_prefetch = 0 : i64, scratch_operands = 15 : i64, tpu.core_type = #tpu.core_type<sc_vector_subcore>, window_params = [{transform_indices = #map}, {transform_indices = #map}, {transform_indices = #map1}, {transform_indices = #map1}, {transform_indices = #map}]} {
    %mul3A = arith.constant 2 : i32
    %mul3A_0 = arith.muli %arg1, %mul3A : i32
    %add3A = arith.addi %mul3A_0, %arg0 : i32
    %mul3A_1 = arith.constant 6400 : i32
    %mul3A_2 = arith.muli %add3A, %mul3A_1 : i32
    %dma_start3A = tpu.memref_slice %arg4[%mul3A_2] : memref<204800xi32, #tpu.memory_space<hbm>> -> memref<6400xi32, #tpu.memory_space<hbm>>
    %dma_start3A_3 = tpu.memref_slice %arg4[%mul3A_2] : memref<204800xi32, #tpu.memory_space<hbm>> -> memref<6400xi32, #tpu.memory_space<hbm>>
    tpu.enqueue_dma source(%dma_start3A_3 : memref<6400xi32, #tpu.memory_space<hbm>>) target(%arg7 : memref<6400xi32, #tpu.memory_space<vmem>>) target_semaphore(%arg15 : memref<!tpu.dma_semaphore, #tpu.memory_space<semaphore_mem>>)
    %dma_start3A_4 = tpu.memref_slice %arg5[%mul3A_2] : memref<204800xi32, #tpu.memory_space<hbm>> -> memref<6400xi32, #tpu.memory_space<hbm>>
    %dma_start3A_5 = tpu.memref_slice %arg5[%mul3A_2] : memref<204800xi32, #tpu.memory_space<hbm>> -> memref<6400xi32, #tpu.memory_space<hbm>>
    tpu.enqueue_dma source(%dma_start3A_5 : memref<6400xi32, #tpu.memory_space<hbm>>) target(%arg8 : memref<6400xi32, #tpu.memory_space<vmem>>) target_semaphore(%arg16 : memref<!tpu.dma_semaphore, #tpu.memory_space<semaphore_mem>>)
    %eq3A = arith.constant 0 : i32
    %eq3A_6 = arith.cmpi eq, %arg1, %eq3A : i32
    %convert_element_type3A = arith.extui %eq3A_6 : i1 to i32
    %cond3A = arith.constant 0 : i32
    %cond3A_7 = arith.cmpi ne, %convert_element_type3A, %cond3A : i32
    scf.if %cond3A_7 {
      "tpu.region"() ({
        %run_scoped3A = tpu.sem_alloc : memref<!tpu.dma_semaphore, #tpu.memory_space<semaphore_mem>>
        tpu.enqueue_dma source(%arg3 : memref<600x128xf32, #tpu.memory_space<hbm>>) target(%arg21 : memref<600x128xf32, #tpu.memory_space<vmem_shared>>) target_semaphore(%run_scoped3A : memref<!tpu.dma_semaphore, #tpu.memory_space<semaphore_mem>>)
        tpu.wait_dma2 semaphore(%run_scoped3A : memref<!tpu.dma_semaphore, #tpu.memory_space<semaphore_mem>>) src(%arg3 : memref<600x128xf32, #tpu.memory_space<hbm>>) dst(%arg21 : memref<600x128xf32, #tpu.memory_space<vmem_shared>>)
        tpu.yield
      }) : () -> ()
    } else {
    }
    %dma_wait3A = tpu.memref_slice %arg4[%mul3A_2] : memref<204800xi32, #tpu.memory_space<hbm>> -> memref<6400xi32, #tpu.memory_space<hbm>>
    %dma_wait3A_8 = tpu.memref_slice %arg4[%mul3A_2] : memref<204800xi32, #tpu.memory_space<hbm>> -> memref<6400xi32, #tpu.memory_space<hbm>>
    tpu.wait_dma2 semaphore(%arg15 : memref<!tpu.dma_semaphore, #tpu.memory_space<semaphore_mem>>) src(%dma_wait3A_8 : memref<6400xi32, #tpu.memory_space<hbm>>) dst(%arg7 : memref<6400xi32, #tpu.memory_space<vmem>>)
    %dma_wait3A_9 = tpu.memref_slice %arg5[%mul3A_2] : memref<204800xi32, #tpu.memory_space<hbm>> -> memref<6400xi32, #tpu.memory_space<hbm>>
    %dma_wait3A_10 = tpu.memref_slice %arg5[%mul3A_2] : memref<204800xi32, #tpu.memory_space<hbm>> -> memref<6400xi32, #tpu.memory_space<hbm>>
    tpu.wait_dma2 semaphore(%arg16 : memref<!tpu.dma_semaphore, #tpu.memory_space<semaphore_mem>>) src(%dma_wait3A_10 : memref<6400xi32, #tpu.memory_space<hbm>>) dst(%arg8 : memref<6400xi32, #tpu.memory_space<vmem>>)
    %barrier3A = arith.constant 0 : index
    tpu.barrier barrier_id(%barrier3A)
    %iota3A = tpu.iota {dimensions = array<i32: 0>} : vector<16xi32>
    %dma_start3A_11 = arith.constant 0 : i32
    %dma_start3A_12 = arith.constant 0 : i32
    %dma_start3A_13 = tpu.memref_slice %arg9[%dma_start3A_11, %dma_start3A_12] : memref<128x128xf32, #tpu.memory_space<vmem>> -> memref<64x128xf32, #tpu.memory_space<vmem>>
    %dma_start3A_14 = arith.constant 0 : i32
    %dma_start3A_15 = tpu.memref_slice %arg7[%dma_start3A_14] : memref<6400xi32, #tpu.memory_space<vmem>> -> memref<64xi32, #tpu.memory_space<vmem>>
    %dma_start3A_16 = arith.constant 0 : i32
    %dma_start3A_17 = arith.constant 0 : i32
    %dma_start3A_18 = tpu.memref_slice %arg2[%dma_start3A_16, %dma_start3A_17] : memref<100000x128xf32, #tpu.memory_space<hbm>> -> memref<100000x128xf32, #tpu.memory_space<hbm>>
    tpu.enqueue_indirect_dma source(%dma_start3A_18 : memref<100000x128xf32, #tpu.memory_space<hbm>>) target(%dma_start3A_13 : memref<64x128xf32, #tpu.memory_space<vmem>>) offsets(%dma_start3A_15 : memref<64xi32, #tpu.memory_space<vmem>>) semaphore(%arg15 : memref<!tpu.dma_semaphore, #tpu.memory_space<semaphore_mem>>)
    %dma_start3A_19 = arith.constant 64 : i32
    %dma_start3A_20 = arith.constant 0 : i32
    %dma_start3A_21 = tpu.memref_slice %arg9[%dma_start3A_19, %dma_start3A_20] : memref<128x128xf32, #tpu.memory_space<vmem>> -> memref<64x128xf32, #tpu.memory_space<vmem>>
    %dma_start3A_22 = arith.constant 64 : i32
    %dma_start3A_23 = tpu.memref_slice %arg7[%dma_start3A_22] : memref<6400xi32, #tpu.memory_space<vmem>> -> memref<64xi32, #tpu.memory_space<vmem>>
    %dma_start3A_24 = arith.constant 0 : i32
    %dma_start3A_25 = arith.constant 0 : i32
    %dma_start3A_26 = tpu.memref_slice %arg2[%dma_start3A_24, %dma_start3A_25] : memref<100000x128xf32, #tpu.memory_space<hbm>> -> memref<100000x128xf32, #tpu.memory_space<hbm>>
    tpu.enqueue_indirect_dma source(%dma_start3A_26 : memref<100000x128xf32, #tpu.memory_space<hbm>>) target(%dma_start3A_21 : memref<64x128xf32, #tpu.memory_space<vmem>>) offsets(%dma_start3A_23 : memref<64xi32, #tpu.memory_space<vmem>>) semaphore(%arg15 : memref<!tpu.dma_semaphore, #tpu.memory_space<semaphore_mem>>)
    %add3A_27 = arith.constant 0 : i32
    %add3A_28 = arith.addi %mul3A_2, %add3A_27 : i32
    %add3A_29 = arith.constant 0 : i32
    %add3A_30 = arith.addi %add3A_28, %add3A_29 : i32
    %add3A_31 = vector.broadcast %add3A_30 : i32 to vector<16xi32>
    %add3A_32 = arith.addi %add3A_31, %iota3A : vector<16xi32>
    %jit3A = arith.constant 200 : i32
    %eq3A_33 = arith.constant 0 : i32
    %eq3A_34 = arith.cmpi eq, %jit3A, %eq3A_33 : i32
    %jit3A_35 = arith.constant 1 : i32
    %select_n3A = arith.select %eq3A_34, %jit3A_35, %jit3A : i32
    %rem3A = vector.broadcast %select_n3A : i32 to vector<16xi32>
    %rem3A_36 = arith.remsi %add3A_32, %rem3A : vector<16xi32>
    %ne3A = arith.constant 0 : i32
    %ne3A_37 = vector.broadcast %ne3A : i32 to vector<16xi32>
    %ne3A_38 = arith.cmpi ne, %rem3A_36, %ne3A_37 : vector<16xi32>
    %lt3A = arith.constant 0 : i32
    %lt3A_39 = vector.broadcast %lt3A : i32 to vector<16xi32>
    %lt3A_40 = arith.cmpi slt, %rem3A_36, %lt3A_39 : vector<16xi32>
    %lt3A_41 = arith.constant 0 : i32
    %lt3A_42 = arith.cmpi slt, %select_n3A, %lt3A_41 : i32
    %ne3A_43 = vector.broadcast %lt3A_42 : i1 to vector<16xi1>
    %ne3A_44 = vector.broadcast %ne3A_43 : vector<16xi1> to vector<16xi1>
    %ne3A_45 = arith.xori %lt3A_40, %ne3A_44 : vector<16xi1>
    %and3A = arith.andi %ne3A_45, %ne3A_38 : vector<16xi1>
    %add3A_46 = vector.broadcast %select_n3A : i32 to vector<16xi32>
    %add3A_47 = arith.addi %rem3A_36, %add3A_46 : vector<16xi32>
    %select_n3A_48 = arith.select %and3A, %add3A_47, %rem3A_36 : vector<16xi1>, vector<16xi32>
    %mul3A_49 = arith.constant 3 : i32
    %mul3A_50 = vector.broadcast %mul3A_49 : i32 to vector<16xi32>
    %mul3A_51 = arith.muli %select_n3A_48, %mul3A_50 : vector<16xi32>
    %get3A = arith.constant 0 : index
    %get3A_52 = tpu.vector_load %arg8[%get3A] {strides = array<i32>} : memref<6400xi32, #tpu.memory_space<vmem>>, vector<16xi32>,
    %get3A_53 = vector.shape_cast %get3A_52 : vector<16xi32> to vector<16xi32>
    %add3A_54 = arith.addi %mul3A_51, %get3A_53 : vector<16xi32>
    %swap3A = arith.constant 0 : index
    %swap3A_55 = tpu.vector_load %arg8[%swap3A] {strides = array<i32>} : memref<6400xi32, #tpu.memory_space<vmem>>, vector<16xi32>,
    %swap3A_56 = vector.shape_cast %swap3A_55 : vector<16xi32> to vector<16xi32>
    %swap3A_57 = vector.shape_cast %add3A_54 : vector<16xi32> to vector<16xi32>
    tpu.vector_store %arg8[%swap3A], %swap3A_57 {strides = array<i32>} : memref<6400xi32, #tpu.memory_space<vmem>>, vector<16xi32>,
    %add3A_58 = arith.constant 0 : i32
    %add3A_59 = arith.addi %mul3A_2, %add3A_58 : i32
    %add3A_60 = arith.constant 16 : i32
    %add3A_61 = arith.addi %add3A_59, %add3A_60 : i32
    %add3A_62 = vector.broadcast %add3A_61 : i32 to vector<16xi32>
    %add3A_63 = arith.addi %add3A_62, %iota3A : vector<16xi32>
    %jit3A_64 = arith.constant 200 : i32
    %eq3A_65 = arith.constant 0 : i32
    %eq3A_66 = arith.cmpi eq, %jit3A_64, %eq3A_65 : i32
    %jit3A_67 = arith.constant 1 : i32
    %select_n3A_68 = arith.select %eq3A_66, %jit3A_67, %jit3A_64 : i32
    %rem3A_69 = vector.broadcast %select_n3A_68 : i32 to vector<16xi32>
    %rem3A_70 = arith.remsi %add3A_63, %rem3A_69 : vector<16xi32>
    %ne3A_71 = arith.constant 0 : i32
    %ne3A_72 = vector.broadcast %ne3A_71 : i32 to vector<16xi32>
    %ne3A_73 = arith.cmpi ne, %rem3A_70, %ne3A_72 : vector<16xi32>
    %lt3A_74 = arith.constant 0 : i32
    %lt3A_75 = vector.broadcast %lt3A_74 : i32 to vector<16xi32>
    %lt3A_76 = arith.cmpi slt, %rem3A_70, %lt3A_75 : vector<16xi32>
    %lt3A_77 = arith.constant 0 : i32
    %lt3A_78 = arith.cmpi slt, %select_n3A_68, %lt3A_77 : i32
    %ne3A_79 = vector.broadcast %lt3A_78 : i1 to vector<16xi1>
    %ne3A_80 = vector.broadcast %ne3A_79 : vector<16xi1> to vector<16xi1>
    %ne3A_81 = arith.xori %lt3A_76, %ne3A_80 : vector<16xi1>
    %and3A_82 = arith.andi %ne3A_81, %ne3A_73 : vector<16xi1>
    %add3A_83 = vector.broadcast %select_n3A_68 : i32 to vector<16xi32>
    %add3A_84 = arith.addi %rem3A_70, %add3A_83 : vector<16xi32>
    %select_n3A_85 = arith.select %and3A_82, %add3A_84, %rem3A_70 : vector<16xi1>, vector<16xi32>
    %mul3A_86 = arith.constant 3 : i32
    %mul3A_87 = vector.broadcast %mul3A_86 : i32 to vector<16xi32>
    %mul3A_88 = arith.muli %select_n3A_85, %mul3A_87 : vector<16xi32>
    %get3A_89 = arith.constant 16 : index
    %get3A_90 = tpu.vector_load %arg8[%get3A_89] {strides = array<i32>} : memref<6400xi32, #tpu.memory_space<vmem>>, vector<16xi32>,
    %get3A_91 = vector.shape_cast %get3A_90 : vector<16xi32> to vector<16xi32>
    %add3A_92 = arith.addi %mul3A_88, %get3A_91 : vector<16xi32>
    %swap3A_93 = arith.constant 16 : index
    %swap3A_94 = tpu.vector_load %arg8[%swap3A_93] {strides = array<i32>} : memref<6400xi32, #tpu.memory_space<vmem>>, vector<16xi32>,
    %swap3A_95 = vector.shape_cast %swap3A_94 : vector<16xi32> to vector<16xi32>
    %swap3A_96 = vector.shape_cast %add3A_92 : vector<16xi32> to vector<16xi32>
    tpu.vector_store %arg8[%swap3A_93], %swap3A_96 {strides = array<i32>} : memref<6400xi32, #tpu.memory_space<vmem>>, vector<16xi32>,
    %add3A_97 = arith.constant 0 : i32
    %add3A_98 = arith.addi %mul3A_2, %add3A_97 : i32
    %add3A_99 = arith.constant 32 : i32
    %add3A_100 = arith.addi %add3A_98, %add3A_99 : i32
    %add3A_101 = vector.broadcast %add3A_100 : i32 to vector<16xi32>
    %add3A_102 = arith.addi %add3A_101, %iota3A : vector<16xi32>
    %jit3A_103 = arith.constant 200 : i32
    %eq3A_104 = arith.constant 0 : i32
    %eq3A_105 = arith.cmpi eq, %jit3A_103, %eq3A_104 : i32
    %jit3A_106 = arith.constant 1 : i32
    %select_n3A_107 = arith.select %eq3A_105, %jit3A_106, %jit3A_103 : i32
    %rem3A_108 = vector.broadcast %select_n3A_107 : i32 to vector<16xi32>
    %rem3A_109 = arith.remsi %add3A_102, %rem3A_108 : vector<16xi32>
    %ne3A_110 = arith.constant 0 : i32
    %ne3A_111 = vector.broadcast %ne3A_110 : i32 to vector<16xi32>
    %ne3A_112 = arith.cmpi ne, %rem3A_109, %ne3A_111 : vector<16xi32>
    %lt3A_113 = arith.constant 0 : i32
    %lt3A_114 = vector.broadcast %lt3A_113 : i32 to vector<16xi32>
    %lt3A_115 = arith.cmpi slt, %rem3A_109, %lt3A_114 : vector<16xi32>
    %lt3A_116 = arith.constant 0 : i32
    %lt3A_117 = arith.cmpi slt, %select_n3A_107, %lt3A_116 : i32
    %ne3A_118 = vector.broadcast %lt3A_117 : i1 to vector<16xi1>
    %ne3A_119 = vector.broadcast %ne3A_118 : vector<16xi1> to vector<16xi1>
    %ne3A_120 = arith.xori %lt3A_115, %ne3A_119 : vector<16xi1>
    %and3A_121 = arith.andi %ne3A_120, %ne3A_112 : vector<16xi1>
    %add3A_122 = vector.broadcast %select_n3A_107 : i32 to vector<16xi32>
    %add3A_123 = arith.addi %rem3A_109, %add3A_122 : vector<16xi32>
    %select_n3A_124 = arith.select %and3A_121, %add3A_123, %rem3A_109 : vector<16xi1>, vector<16xi32>
    %mul3A_125 = arith.constant 3 : i32
    %mul3A_126 = vector.broadcast %mul3A_125 : i32 to vector<16xi32>
    %mul3A_127 = arith.muli %select_n3A_124, %mul3A_126 : vector<16xi32>
    %get3A_128 = arith.constant 32 : index
    %get3A_129 = tpu.vector_load %arg8[%get3A_128] {strides = array<i32>} : memref<6400xi32, #tpu.memory_space<vmem>>, vector<16xi32>,
    %get3A_130 = vector.shape_cast %get3A_129 : vector<16xi32> to vector<16xi32>
    %add3A_131 = arith.addi %mul3A_127, %get3A_130 : vector<16xi32>
    %swap3A_132 = arith.constant 32 : index
    %swap3A_133 = tpu.vector_load %arg8[%swap3A_132] {strides = array<i32>} : memref<6400xi32, #tpu.memory_space<vmem>>, vector<16xi32>,
    %swap3A_134 = vector.shape_cast %swap3A_133 : vector<16xi32> to vector<16xi32>
    %swap3A_135 = vector.shape_cast %add3A_131 : vector<16xi32> to vector<16xi32>
    tpu.vector_store %arg8[%swap3A_132], %swap3A_135 {strides = array<i32>} : memref<6400xi32, #tpu.memory_space<vmem>>, vector<16xi32>,
    %add3A_136 = arith.constant 0 : i32
    %add3A_137 = arith.addi %mul3A_2, %add3A_136 : i32
    %add3A_138 = arith.constant 48 : i32
    %add3A_139 = arith.addi %add3A_137, %add3A_138 : i32
    %add3A_140 = vector.broadcast %add3A_139 : i32 to vector<16xi32>
    %add3A_141 = arith.addi %add3A_140, %iota3A : vector<16xi32>
    %jit3A_142 = arith.constant 200 : i32
    %eq3A_143 = arith.constant 0 : i32
    %eq3A_144 = arith.cmpi eq, %jit3A_142, %eq3A_143 : i32
    %jit3A_145 = arith.constant 1 : i32
    %select_n3A_146 = arith.select %eq3A_144, %jit3A_145, %jit3A_142 : i32
    %rem3A_147 = vector.broadcast %select_n3A_146 : i32 to vector<16xi32>
    %rem3A_148 = arith.remsi %add3A_141, %rem3A_147 : vector<16xi32>
    %ne3A_149 = arith.constant 0 : i32
    %ne3A_150 = vector.broadcast %ne3A_149 : i32 to vector<16xi32>
    %ne3A_151 = arith.cmpi ne, %rem3A_148, %ne3A_150 : vector<16xi32>
    %lt3A_152 = arith.constant 0 : i32
    %lt3A_153 = vector.broadcast %lt3A_152 : i32 to vector<16xi32>
    %lt3A_154 = arith.cmpi slt, %rem3A_148, %lt3A_153 : vector<16xi32>
    %lt3A_155 = arith.constant 0 : i32
    %lt3A_156 = arith.cmpi slt, %select_n3A_146, %lt3A_155 : i32
    %ne3A_157 = vector.broadcast %lt3A_156 : i1 to vector<16xi1>
    %ne3A_158 = vector.broadcast %ne3A_157 : vector<16xi1> to vector<16xi1>
    %ne3A_159 = arith.xori %lt3A_154, %ne3A_158 : vector<16xi1>
    %and3A_160 = arith.andi %ne3A_159, %ne3A_151 : vector<16xi1>
    %add3A_161 = vector.broadcast %select_n3A_146 : i32 to vector<16xi32>
    %add3A_162 = arith.addi %rem3A_148, %add3A_161 : vector<16xi32>
    %select_n3A_163 = arith.select %and3A_160, %add3A_162, %rem3A_148 : vector<16xi1>, vector<16xi32>
    %mul3A_164 = arith.constant 3 : i32
    %mul3A_165 = vector.broadcast %mul3A_164 : i32 to vector<16xi32>
    %mul3A_166 = arith.muli %select_n3A_163, %mul3A_165 : vector<16xi32>
    %get3A_167 = arith.constant 48 : index
    %get3A_168 = tpu.vector_load %arg8[%get3A_167] {strides = array<i32>} : memref<6400xi32, #tpu.memory_space<vmem>>, vector<16xi32>,
    %get3A_169 = vector.shape_cast %get3A_168 : vector<16xi32> to vector<16xi32>
    %add3A_170 = arith.addi %mul3A_166, %get3A_169 : vector<16xi32>
    %swap3A_171 = arith.constant 48 : index
    %swap3A_172 = tpu.vector_load %arg8[%swap3A_171] {strides = array<i32>} : memref<6400xi32, #tpu.memory_space<vmem>>, vector<16xi32>,
    %swap3A_173 = vector.shape_cast %swap3A_172 : vector<16xi32> to vector<16xi32>
    %swap3A_174 = vector.shape_cast %add3A_170 : vector<16xi32> to vector<16xi32>
    tpu.vector_store %arg8[%swap3A_171], %swap3A_174 {strides = array<i32>} : memref<6400xi32, #tpu.memory_space<vmem>>, vector<16xi32>,
    %add3A_175 = arith.constant 0 : i32
    %add3A_176 = arith.addi %mul3A_2, %add3A_175 : i32
    %add3A_177 = arith.constant 64 : i32
    %add3A_178 = arith.addi %add3A_176, %add3A_177 : i32
    %add3A_179 = vector.broadcast %add3A_178 : i32 to vector<16xi32>
    %add3A_180 = arith.addi %add3A_179, %iota3A : vector<16xi32>
    %jit3A_181 = arith.constant 200 : i32
    %eq3A_182 = arith.constant 0 : i32
    %eq3A_183 = arith.cmpi eq, %jit3A_181, %eq3A_182 : i32
    %jit3A_184 = arith.constant 1 : i32
    %select_n3A_185 = arith.select %eq3A_183, %jit3A_184, %jit3A_181 : i32
    %rem3A_186 = vector.broadcast %select_n3A_185 : i32 to vector<16xi32>
    %rem3A_187 = arith.remsi %add3A_180, %rem3A_186 : vector<16xi32>
    %ne3A_188 = arith.constant 0 : i32
    %ne3A_189 = vector.broadcast %ne3A_188 : i32 to vector<16xi32>
    %ne3A_190 = arith.cmpi ne, %rem3A_187, %ne3A_189 : vector<16xi32>
    %lt3A_191 = arith.constant 0 : i32
    %lt3A_192 = vector.broadcast %lt3A_191 : i32 to vector<16xi32>
    %lt3A_193 = arith.cmpi slt, %rem3A_187, %lt3A_192 : vector<16xi32>
    %lt3A_194 = arith.constant 0 : i32
    %lt3A_195 = arith.cmpi slt, %select_n3A_185, %lt3A_194 : i32
    %ne3A_196 = vector.broadcast %lt3A_195 : i1 to vector<16xi1>
    %ne3A_197 = vector.broadcast %ne3A_196 : vector<16xi1> to vector<16xi1>
    %ne3A_198 = arith.xori %lt3A_193, %ne3A_197 : vector<16xi1>
    %and3A_199 = arith.andi %ne3A_198, %ne3A_190 : vector<16xi1>
    %add3A_200 = vector.broadcast %select_n3A_185 : i32 to vector<16xi32>
    %add3A_201 = arith.addi %rem3A_187, %add3A_200 : vector<16xi32>
    %select_n3A_202 = arith.select %and3A_199, %add3A_201, %rem3A_187 : vector<16xi1>, vector<16xi32>
    %mul3A_203 = arith.constant 3 : i32
    %mul3A_204 = vector.broadcast %mul3A_203 : i32 to vector<16xi32>
    %mul3A_205 = arith.muli %select_n3A_202, %mul3A_204 : vector<16xi32>
    %get3A_206 = arith.constant 64 : index
    %get3A_207 = tpu.vector_load %arg8[%get3A_206] {strides = array<i32>} : memref<6400xi32, #tpu.memory_space<vmem>>, vector<16xi32>,
    %get3A_208 = vector.shape_cast %get3A_207 : vector<16xi32> to vector<16xi32>
    %add3A_209 = arith.addi %mul3A_205, %get3A_208 : vector<16xi32>
    %swap3A_210 = arith.constant 64 : index
    %swap3A_211 = tpu.vector_load %arg8[%swap3A_210] {strides = array<i32>} : memref<6400xi32, #tpu.memory_space<vmem>>, vector<16xi32>,
    %swap3A_212 = vector.shape_cast %swap3A_211 : vector<16xi32> to vector<16xi32>
    %swap3A_213 = vector.shape_cast %add3A_209 : vector<16xi32> to vector<16xi32>
    tpu.vector_store %arg8[%swap3A_210], %swap3A_213 {strides = array<i32>} : memref<6400xi32, #tpu.memory_space<vmem>>, vector<16xi32>,
    %add3A_214 = arith.constant 0 : i32
    %add3A_215 = arith.addi %mul3A_2, %add3A_214 : i32
    %add3A_216 = arith.constant 80 : i32
    %add3A_217 = arith.addi %add3A_215, %add3A_216 : i32
    %add3A_218 = vector.broadcast %add3A_217 : i32 to vector<16xi32>
    %add3A_219 = arith.addi %add3A_218, %iota3A : vector<16xi32>
    %jit3A_220 = arith.constant 200 : i32
    %eq3A_221 = arith.constant 0 : i32
    %eq3A_222 = arith.cmpi eq, %jit3A_220, %eq3A_221 : i32
    %jit3A_223 = arith.constant 1 : i32
    %select_n3A_224 = arith.select %eq3A_222, %jit3A_223, %jit3A_220 : i32
    %rem3A_225 = vector.broadcast %select_n3A_224 : i32 to vector<16xi32>
    %rem3A_226 = arith.remsi %add3A_219, %rem3A_225 : vector<16xi32>
    %ne3A_227 = arith.constant 0 : i32
    %ne3A_228 = vector.broadcast %ne3A_227 : i32 to vector<16xi32>
    %ne3A_229 = arith.cmpi ne, %rem3A_226, %ne3A_228 : vector<16xi32>
    %lt3A_230 = arith.constant 0 : i32
    %lt3A_231 = vector.broadcast %lt3A_230 : i32 to vector<16xi32>
    %lt3A_232 = arith.cmpi slt, %rem3A_226, %lt3A_231 : vector<16xi32>
    %lt3A_233 = arith.constant 0 : i32
    %lt3A_234 = arith.cmpi slt, %select_n3A_224, %lt3A_233 : i32
    %ne3A_235 = vector.broadcast %lt3A_234 : i1 to vector<16xi1>
    %ne3A_236 = vector.broadcast %ne3A_235 : vector<16xi1> to vector<16xi1>
    %ne3A_237 = arith.xori %lt3A_232, %ne3A_236 : vector<16xi1>
    %and3A_238 = arith.andi %ne3A_237, %ne3A_229 : vector<16xi1>
    %add3A_239 = vector.broadcast %select_n3A_224 : i32 to vector<16xi32>
    %add3A_240 = arith.addi %rem3A_226, %add3A_239 : vector<16xi32>
    %select_n3A_241 = arith.select %and3A_238, %add3A_240, %rem3A_226 : vector<16xi1>, vector<16xi32>
    %mul3A_242 = arith.constant 3 : i32
    %mul3A_243 = vector.broadcast %mul3A_242 : i32 to vector<16xi32>
    %mul3A_244 = arith.muli %select_n3A_241, %mul3A_243 : vector<16xi32>
    %get3A_245 = arith.constant 80 : index
    %get3A_246 = tpu.vector_load %arg8[%get3A_245] {strides = array<i32>} : memref<6400xi32, #tpu.memory_space<vmem>>, vector<16xi32>,
    %get3A_247 = vector.shape_cast %get3A_246 : vector<16xi32> to vector<16xi32>
    %add3A_248 = arith.addi %mul3A_244, %get3A_247 : vector<16xi32>
    %swap3A_249 = arith.constant 80 : index
    %swap3A_250 = tpu.vector_load %arg8[%swap3A_249] {strides = array<i32>} : memref<6400xi32, #tpu.memory_space<vmem>>, vector<16xi32>,
    %swap3A_251 = vector.shape_cast %swap3A_250 : vector<16xi32> to vector<16xi32>
    %swap3A_252 = vector.shape_cast %add3A_248 : vector<16xi32> to vector<16xi32>
    tpu.vector_store %arg8[%swap3A_249], %swap3A_252 {strides = array<i32>} : memref<6400xi32, #tpu.memory_space<vmem>>, vector<16xi32>,
    %add3A_253 = arith.constant 0 : i32
    %add3A_254 = arith.addi %mul3A_2, %add3A_253 : i32
    %add3A_255 = arith.constant 96 : i32
    %add3A_256 = arith.addi %add3A_254, %add3A_255 : i32
    %add3A_257 = vector.broadcast %add3A_256 : i32 to vector<16xi32>
    %add3A_258 = arith.addi %add3A_257, %iota3A : vector<16xi32>
    %jit3A_259 = arith.constant 200 : i32
    %eq3A_260 = arith.constant 0 : i32
    %eq3A_261 = arith.cmpi eq, %jit3A_259, %eq3A_260 : i32
    %jit3A_262 = arith.constant 1 : i32
    %select_n3A_263 = arith.select %eq3A_261, %jit3A_262, %jit3A_259 : i32
    %rem3A_264 = vector.broadcast %select_n3A_263 : i32 to vector<16xi32>
    %rem3A_265 = arith.remsi %add3A_258, %rem3A_264 : vector<16xi32>
    %ne3A_266 = arith.constant 0 : i32
    %ne3A_267 = vector.broadcast %ne3A_266 : i32 to vector<16xi32>
    %ne3A_268 = arith.cmpi ne, %rem3A_265, %ne3A_267 : vector<16xi32>
    %lt3A_269 = arith.constant 0 : i32
    %lt3A_270 = vector.broadcast %lt3A_269 : i32 to vector<16xi32>
    %lt3A_271 = arith.cmpi slt, %rem3A_265, %lt3A_270 : vector<16xi32>
    %lt3A_272 = arith.constant 0 : i32
    %lt3A_273 = arith.cmpi slt, %select_n3A_263, %lt3A_272 : i32
    %ne3A_274 = vector.broadcast %lt3A_273 : i1 to vector<16xi1>
    %ne3A_275 = vector.broadcast %ne3A_274 : vector<16xi1> to vector<16xi1>
    %ne3A_276 = arith.xori %lt3A_271, %ne3A_275 : vector<16xi1>
    %and3A_277 = arith.andi %ne3A_276, %ne3A_268 : vector<16xi1>
    %add3A_278 = vector.broadcast %select_n3A_263 : i32 to vector<16xi32>
    %add3A_279 = arith.addi %rem3A_265, %add3A_278 : vector<16xi32>
    %select_n3A_280 = arith.select %and3A_277, %add3A_279, %rem3A_265 : vector<16xi1>, vector<16xi32>
    %mul3A_281 = arith.constant 3 : i32
    %mul3A_282 = vector.broadcast %mul3A_281 : i32 to vector<16xi32>
    %mul3A_283 = arith.muli %select_n3A_280, %mul3A_282 : vector<16xi32>
    %get3A_284 = arith.constant 96 : index
    %get3A_285 = tpu.vector_load %arg8[%get3A_284] {strides = array<i32>} : memref<6400xi32, #tpu.memory_space<vmem>>, vector<16xi32>,
    %get3A_286 = vector.shape_cast %get3A_285 : vector<16xi32> to vector<16xi32>
    %add3A_287 = arith.addi %mul3A_283, %get3A_286 : vector<16xi32>
    %swap3A_288 = arith.constant 96 : index
    %swap3A_289 = tpu.vector_load %arg8[%swap3A_288] {strides = array<i32>} : memref<6400xi32, #tpu.memory_space<vmem>>, vector<16xi32>,
    %swap3A_290 = vector.shape_cast %swap3A_289 : vector<16xi32> to vector<16xi32>
    %swap3A_291 = vector.shape_cast %add3A_287 : vector<16xi32> to vector<16xi32>
    tpu.vector_store %arg8[%swap3A_288], %swap3A_291 {strides = array<i32>} : memref<6400xi32, #tpu.memory_space<vmem>>, vector<16xi32>,
    %add3A_292 = arith.constant 0 : i32
    %add3A_293 = arith.addi %mul3A_2, %add3A_292 : i32
    %add3A_294 = arith.constant 112 : i32
    %add3A_295 = arith.addi %add3A_293, %add3A_294 : i32
    %add3A_296 = vector.broadcast %add3A_295 : i32 to vector<16xi32>
    %add3A_297 = arith.addi %add3A_296, %iota3A : vector<16xi32>
    %jit3A_298 = arith.constant 200 : i32
    %eq3A_299 = arith.constant 0 : i32
    %eq3A_300 = arith.cmpi eq, %jit3A_298, %eq3A_299 : i32
    %jit3A_301 = arith.constant 1 : i32
    %select_n3A_302 = arith.select %eq3A_300, %jit3A_301, %jit3A_298 : i32
    %rem3A_303 = vector.broadcast %select_n3A_302 : i32 to vector<16xi32>
    %rem3A_304 = arith.remsi %add3A_297, %rem3A_303 : vector<16xi32>
    %ne3A_305 = arith.constant 0 : i32
    %ne3A_306 = vector.broadcast %ne3A_305 : i32 to vector<16xi32>
    %ne3A_307 = arith.cmpi ne, %rem3A_304, %ne3A_306 : vector<16xi32>
    %lt3A_308 = arith.constant 0 : i32
    %lt3A_309 = vector.broadcast %lt3A_308 : i32 to vector<16xi32>
    %lt3A_310 = arith.cmpi slt, %rem3A_304, %lt3A_309 : vector<16xi32>
    %lt3A_311 = arith.constant 0 : i32
    %lt3A_312 = arith.cmpi slt, %select_n3A_302, %lt3A_311 : i32
    %ne3A_313 = vector.broadcast %lt3A_312 : i1 to vector<16xi1>
    %ne3A_314 = vector.broadcast %ne3A_313 : vector<16xi1> to vector<16xi1>
    %ne3A_315 = arith.xori %lt3A_310, %ne3A_314 : vector<16xi1>
    %and3A_316 = arith.andi %ne3A_315, %ne3A_307 : vector<16xi1>
    %add3A_317 = vector.broadcast %select_n3A_302 : i32 to vector<16xi32>
    %add3A_318 = arith.addi %rem3A_304, %add3A_317 : vector<16xi32>
    %select_n3A_319 = arith.select %and3A_316, %add3A_318, %rem3A_304 : vector<16xi1>, vector<16xi32>
    %mul3A_320 = arith.constant 3 : i32
    %mul3A_321 = vector.broadcast %mul3A_320 : i32 to vector<16xi32>
    %mul3A_322 = arith.muli %select_n3A_319, %mul3A_321 : vector<16xi32>
    %get3A_323 = arith.constant 112 : index
    %get3A_324 = tpu.vector_load %arg8[%get3A_323] {strides = array<i32>} : memref<6400xi32, #tpu.memory_space<vmem>>, vector<16xi32>,
    %get3A_325 = vector.shape_cast %get3A_324 : vector<16xi32> to vector<16xi32>
    %add3A_326 = arith.addi %mul3A_322, %get3A_325 : vector<16xi32>
    %swap3A_327 = arith.constant 112 : index
    %swap3A_328 = tpu.vector_load %arg8[%swap3A_327] {strides = array<i32>} : memref<6400xi32, #tpu.memory_space<vmem>>, vector<16xi32>,
    %swap3A_329 = vector.shape_cast %swap3A_328 : vector<16xi32> to vector<16xi32>
    %swap3A_330 = vector.shape_cast %add3A_326 : vector<16xi32> to vector<16xi32>
    tpu.vector_store %arg8[%swap3A_327], %swap3A_330 {strides = array<i32>} : memref<6400xi32, #tpu.memory_space<vmem>>, vector<16xi32>,
    %dma_start3A_331 = arith.constant 0 : i32
    %dma_start3A_332 = tpu.memref_slice %arg8[%dma_start3A_331] : memref<6400xi32, #tpu.memory_space<vmem>> -> memref<128xi32, #tpu.memory_space<vmem>>
    %dma_start3A_333 = arith.constant 0 : i32
    %dma_start3A_334 = arith.constant 0 : i32
    %dma_start3A_335 = tpu.memref_slice %arg21[%dma_start3A_333, %dma_start3A_334] : memref<600x128xf32, #tpu.memory_space<vmem_shared>> -> memref<600x128xf32, #tpu.memory_space<vmem_shared>>
    tpu.enqueue_indirect_dma source(%dma_start3A_335 : memref<600x128xf32, #tpu.memory_space<vmem_shared>>) target(%arg11 : memref<128x128xf32, #tpu.memory_space<vmem>>) offsets(%dma_start3A_332 : memref<128xi32, #tpu.memory_space<vmem>>) semaphore(%arg17 : memref<!tpu.dma_semaphore, #tpu.memory_space<semaphore_mem>>)
    %dma_start3A_336 = arith.constant 0 : i32
    %dma_start3A_337 = arith.constant 0 : i32
    %dma_start3A_338 = tpu.memref_slice %arg10[%dma_start3A_336, %dma_start3A_337] : memref<128x128xf32, #tpu.memory_space<vmem>> -> memref<64x128xf32, #tpu.memory_space<vmem>>
    %dma_start3A_339 = arith.constant 128 : i32
    %dma_start3A_340 = tpu.memref_slice %arg7[%dma_start3A_339] : memref<6400xi32, #tpu.memory_space<vmem>> -> memref<64xi32, #tpu.memory_space<vmem>>
    %dma_start3A_341 = arith.constant 0 : i32
    %dma_start3A_342 = arith.constant 0 : i32
    %dma_start3A_343 = tpu.memref_slice %arg2[%dma_start3A_341, %dma_start3A_342] : memref<100000x128xf32, #tpu.memory_space<hbm>> -> memref<100000x128xf32, #tpu.memory_space<hbm>>
    tpu.enqueue_indirect_dma source(%dma_start3A_343 : memref<100000x128xf32, #tpu.memory_space<hbm>>) target(%dma_start3A_338 : memref<64x128xf32, #tpu.memory_space<vmem>>) offsets(%dma_start3A_340 : memref<64xi32, #tpu.memory_space<vmem>>) semaphore(%arg16 : memref<!tpu.dma_semaphore, #tpu.memory_space<semaphore_mem>>)
    %dma_start3A_344 = arith.constant 64 : i32
    %dma_start3A_345 = arith.constant 0 : i32
    %dma_start3A_346 = tpu.memref_slice %arg10[%dma_start3A_344, %dma_start3A_345] : memref<128x128xf32, #tpu.memory_space<vmem>> -> memref<64x128xf32, #tpu.memory_space<vmem>>
    %dma_start3A_347 = arith.constant 192 : i32
    %dma_start3A_348 = tpu.memref_slice %arg7[%dma_start3A_347] : memref<6400xi32, #tpu.memory_space<vmem>> -> memref<64xi32, #tpu.memory_space<vmem>>
    %dma_start3A_349 = arith.constant 0 : i32
    %dma_start3A_350 = arith.constant 0 : i32
    %dma_start3A_351 = tpu.memref_slice %arg2[%dma_start3A_349, %dma_start3A_350] : memref<100000x128xf32, #tpu.memory_space<hbm>> -> memref<100000x128xf32, #tpu.memory_space<hbm>>
    tpu.enqueue_indirect_dma source(%dma_start3A_351 : memref<100000x128xf32, #tpu.memory_space<hbm>>) target(%dma_start3A_346 : memref<64x128xf32, #tpu.memory_space<vmem>>) offsets(%dma_start3A_348 : memref<64xi32, #tpu.memory_space<vmem>>) semaphore(%arg16 : memref<!tpu.dma_semaphore, #tpu.memory_space<semaphore_mem>>)
    %add3A_352 = arith.constant 128 : i32
    %add3A_353 = arith.addi %mul3A_2, %add3A_352 : i32
    %add3A_354 = arith.constant 0 : i32
    %add3A_355 = arith.addi %add3A_353, %add3A_354 : i32
    %add3A_356 = vector.broadcast %add3A_355 : i32 to vector<16xi32>
    %add3A_357 = arith.addi %add3A_356, %iota3A : vector<16xi32>
    %jit3A_358 = arith.constant 200 : i32
    %eq3A_359 = arith.constant 0 : i32
    %eq3A_360 = arith.cmpi eq, %jit3A_358, %eq3A_359 : i32
    %jit3A_361 = arith.constant 1 : i32
    %select_n3A_362 = arith.select %eq3A_360, %jit3A_361, %jit3A_358 : i32
    %rem3A_363 = vector.broadcast %select_n3A_362 : i32 to vector<16xi32>
    %rem3A_364 = arith.remsi %add3A_357, %rem3A_363 : vector<16xi32>
    %ne3A_365 = arith.constant 0 : i32
    %ne3A_366 = vector.broadcast %ne3A_365 : i32 to vector<16xi32>
    %ne3A_367 = arith.cmpi ne, %rem3A_364, %ne3A_366 : vector<16xi32>
    %lt3A_368 = arith.constant 0 : i32
    %lt3A_369 = vector.broadcast %lt3A_368 : i32 to vector<16xi32>
    %lt3A_370 = arith.cmpi slt, %rem3A_364, %lt3A_369 : vector<16xi32>
    %lt3A_371 = arith.constant 0 : i32
    %lt3A_372 = arith.cmpi slt, %select_n3A_362, %lt3A_371 : i32
    %ne3A_373 = vector.broadcast %lt3A_372 : i1 to vector<16xi1>
    %ne3A_374 = vector.broadcast %ne3A_373 : vector<16xi1> to vector<16xi1>
    %ne3A_375 = arith.xori %lt3A_370, %ne3A_374 : vector<16xi1>
    %and3A_376 = arith.andi %ne3A_375, %ne3A_367 : vector<16xi1>
    %add3A_377 = vector.broadcast %select_n3A_362 : i32 to vector<16xi32>
    %add3A_378 = arith.addi %rem3A_364, %add3A_377 : vector<16xi32>
    %select_n3A_379 = arith.select %and3A_376, %add3A_378, %rem3A_364 : vector<16xi1>, vector<16xi32>
    %mul3A_380 = arith.constant 3 : i32
    %mul3A_381 = vector.broadcast %mul3A_380 : i32 to vector<16xi32>
    %mul3A_382 = arith.muli %select_n3A_379, %mul3A_381 : vector<16xi32>
    %get3A_383 = arith.constant 128 : index
    %get3A_384 = tpu.vector_load %arg8[%get3A_383] {strides = array<i32>} : memref<6400xi32, #tpu.memory_space<vmem>>, vector<16xi32>,
    %get3A_385 = vector.shape_cast %get3A_384 : vector<16xi32> to vector<16xi32>
    %add3A_386 = arith.addi %mul3A_382, %get3A_385 : vector<16xi32>
    %swap3A_387 = arith.constant 128 : index
    %swap3A_388 = tpu.vector_load %arg8[%swap3A_387] {strides = array<i32>} : memref<6400xi32, #tpu.memory_space<vmem>>, vector<16xi32>,
    %swap3A_389 = vector.shape_cast %swap3A_388 : vector<16xi32> to vector<16xi32>
    %swap3A_390 = vector.shape_cast %add3A_386 : vector<16xi32> to vector<16xi32>
    tpu.vector_store %arg8[%swap3A_387], %swap3A_390 {strides = array<i32>} : memref<6400xi32, #tpu.memory_space<vmem>>, vector<16xi32>,
    %add3A_391 = arith.constant 128 : i32
    %add3A_392 = arith.addi %mul3A_2, %add3A_391 : i32
    %add3A_393 = arith.constant 16 : i32
    %add3A_394 = arith.addi %add3A_392, %add3A_393 : i32
    %add3A_395 = vector.broadcast %add3A_394 : i32 to vector<16xi32>
    %add3A_396 = arith.addi %add3A_395, %iota3A : vector<16xi32>
    %jit3A_397 = arith.constant 200 : i32
    %eq3A_398 = arith.constant 0 : i32
    %eq3A_399 = arith.cmpi eq, %jit3A_397, %eq3A_398 : i32
    %jit3A_400 = arith.constant 1 : i32
    %select_n3A_401 = arith.select %eq3A_399, %jit3A_400, %jit3A_397 : i32
    %rem3A_402 = vector.broadcast %select_n3A_401 : i32 to vector<16xi32>
    %rem3A_403 = arith.remsi %add3A_396, %rem3A_402 : vector<16xi32>
    %ne3A_404 = arith.constant 0 : i32
    %ne3A_405 = vector.broadcast %ne3A_404 : i32 to vector<16xi32>
    %ne3A_406 = arith.cmpi ne, %rem3A_403, %ne3A_405 : vector<16xi32>
    %lt3A_407 = arith.constant 0 : i32
    %lt3A_408 = vector.broadcast %lt3A_407 : i32 to vector<16xi32>
    %lt3A_409 = arith.cmpi slt, %rem3A_403, %lt3A_408 : vector<16xi32>
    %lt3A_410 = arith.constant 0 : i32
    %lt3A_411 = arith.cmpi slt, %select_n3A_401, %lt3A_410 : i32
    %ne3A_412 = vector.broadcast %lt3A_411 : i1 to vector<16xi1>
    %ne3A_413 = vector.broadcast %ne3A_412 : vector<16xi1> to vector<16xi1>
    %ne3A_414 = arith.xori %lt3A_409, %ne3A_413 : vector<16xi1>
    %and3A_415 = arith.andi %ne3A_414, %ne3A_406 : vector<16xi1>
    %add3A_416 = vector.broadcast %select_n3A_401 : i32 to vector<16xi32>
    %add3A_417 = arith.addi %rem3A_403, %add3A_416 : vector<16xi32>
    %select_n3A_418 = arith.select %and3A_415, %add3A_417, %rem3A_403 : vector<16xi1>, vector<16xi32>
    %mul3A_419 = arith.constant 3 : i32
    %mul3A_420 = vector.broadcast %mul3A_419 : i32 to vector<16xi32>
    %mul3A_421 = arith.muli %select_n3A_418, %mul3A_420 : vector<16xi32>
    %get3A_422 = arith.constant 144 : index
    %get3A_423 = tpu.vector_load %arg8[%get3A_422] {strides = array<i32>} : memref<6400xi32, #tpu.memory_space<vmem>>, vector<16xi32>,
    %get3A_424 = vector.shape_cast %get3A_423 : vector<16xi32> to vector<16xi32>
    %add3A_425 = arith.addi %mul3A_421, %get3A_424 : vector<16xi32>
    %swap3A_426 = arith.constant 144 : index
    %swap3A_427 = tpu.vector_load %arg8[%swap3A_426] {strides = array<i32>} : memref<6400xi32, #tpu.memory_space<vmem>>, vector<16xi32>,
    %swap3A_428 = vector.shape_cast %swap3A_427 : vector<16xi32> to vector<16xi32>
    %swap3A_429 = vector.shape_cast %add3A_425 : vector<16xi32> to vector<16xi32>
    tpu.vector_store %arg8[%swap3A_426], %swap3A_429 {strides = array<i32>} : memref<6400xi32, #tpu.memory_space<vmem>>, vector<16xi32>,
    %add3A_430 = arith.constant 128 : i32
    %add3A_431 = arith.addi %mul3A_2, %add3A_430 : i32
    %add3A_432 = arith.constant 32 : i32
    %add3A_433 = arith.addi %add3A_431, %add3A_432 : i32
    %add3A_434 = vector.broadcast %add3A_433 : i32 to vector<16xi32>
    %add3A_435 = arith.addi %add3A_434, %iota3A : vector<16xi32>
    %jit3A_436 = arith.constant 200 : i32
    %eq3A_437 = arith.constant 0 : i32
    %eq3A_438 = arith.cmpi eq, %jit3A_436, %eq3A_437 : i32
    %jit3A_439 = arith.constant 1 : i32
    %select_n3A_440 = arith.select %eq3A_438, %jit3A_439, %jit3A_436 : i32
    %rem3A_441 = vector.broadcast %select_n3A_440 : i32 to vector<16xi32>
    %rem3A_442 = arith.remsi %add3A_435, %rem3A_441 : vector<16xi32>
    %ne3A_443 = arith.constant 0 : i32
    %ne3A_444 = vector.broadcast %ne3A_443 : i32 to vector<16xi32>
    %ne3A_445 = arith.cmpi ne, %rem3A_442, %ne3A_444 : vector<16xi32>
    %lt3A_446 = arith.constant 0 : i32
    %lt3A_447 = vector.broadcast %lt3A_446 : i32 to vector<16xi32>
    %lt3A_448 = arith.cmpi slt, %rem3A_442, %lt3A_447 : vector<16xi32>
    %lt3A_449 = arith.constant 0 : i32
    %lt3A_450 = arith.cmpi slt, %select_n3A_440, %lt3A_449 : i32
    %ne3A_451 = vector.broadcast %lt3A_450 : i1 to vector<16xi1>
    %ne3A_452 = vector.broadcast %ne3A_451 : vector<16xi1> to vector<16xi1>
    %ne3A_453 = arith.xori %lt3A_448, %ne3A_452 : vector<16xi1>
    %and3A_454 = arith.andi %ne3A_453, %ne3A_445 : vector<16xi1>
    %add3A_455 = vector.broadcast %select_n3A_440 : i32 to vector<16xi32>
    %add3A_456 = arith.addi %rem3A_442, %add3A_455 : vector<16xi32>
    %select_n3A_457 = arith.select %and3A_454, %add3A_456, %rem3A_442 : vector<16xi1>, vector<16xi32>
    %mul3A_458 = arith.constant 3 : i32
    %mul3A_459 = vector.broadcast %mul3A_458 : i32 to vector<16xi32>
    %mul3A_460 = arith.muli %select_n3A_457, %mul3A_459 : vector<16xi32>
    %get3A_461 = arith.constant 160 : index
    %get3A_462 = tpu.vector_load %arg8[%get3A_461] {strides = array<i32>} : memref<6400xi32, #tpu.memory_space<vmem>>, vector<16xi32>,
    %get3A_463 = vector.shape_cast %get3A_462 : vector<16xi32> to vector<16xi32>
    %add3A_464 = arith.addi %mul3A_460, %get3A_463 : vector<16xi32>
    %swap3A_465 = arith.constant 160 : index
    %swap3A_466 = tpu.vector_load %arg8[%swap3A_465] {strides = array<i32>} : memref<6400xi32, #tpu.memory_space<vmem>>, vector<16xi32>,
    %swap3A_467 = vector.shape_cast %swap3A_466 : vector<16xi32> to vector<16xi32>
    %swap3A_468 = vector.shape_cast %add3A_464 : vector<16xi32> to vector<16xi32>
    tpu.vector_store %arg8[%swap3A_465], %swap3A_468 {strides = array<i32>} : memref<6400xi32, #tpu.memory_space<vmem>>, vector<16xi32>,
    %add3A_469 = arith.constant 128 : i32
    %add3A_470 = arith.addi %mul3A_2, %add3A_469 : i32
    %add3A_471 = arith.constant 48 : i32
    %add3A_472 = arith.addi %add3A_470, %add3A_471 : i32
    %add3A_473 = vector.broadcast %add3A_472 : i32 to vector<16xi32>
    %add3A_474 = arith.addi %add3A_473, %iota3A : vector<16xi32>
    %jit3A_475 = arith.constant 200 : i32
    %eq3A_476 = arith.constant 0 : i32
    %eq3A_477 = arith.cmpi eq, %jit3A_475, %eq3A_476 : i32
    %jit3A_478 = arith.constant 1 : i32
    %select_n3A_479 = arith.select %eq3A_477, %jit3A_478, %jit3A_475 : i32
    %rem3A_480 = vector.broadcast %select_n3A_479 : i32 to vector<16xi32>
    %rem3A_481 = arith.remsi %add3A_474, %rem3A_480 : vector<16xi32>
    %ne3A_482 = arith.constant 0 : i32
    %ne3A_483 = vector.broadcast %ne3A_482 : i32 to vector<16xi32>
    %ne3A_484 = arith.cmpi ne, %rem3A_481, %ne3A_483 : vector<16xi32>
    %lt3A_485 = arith.constant 0 : i32
    %lt3A_486 = vector.broadcast %lt3A_485 : i32 to vector<16xi32>
    %lt3A_487 = arith.cmpi slt, %rem3A_481, %lt3A_486 : vector<16xi32>
    %lt3A_488 = arith.constant 0 : i32
    %lt3A_489 = arith.cmpi slt, %select_n3A_479, %lt3A_488 : i32
    %ne3A_490 = vector.broadcast %lt3A_489 : i1 to vector<16xi1>
    %ne3A_491 = vector.broadcast %ne3A_490 : vector<16xi1> to vector<16xi1>
    %ne3A_492 = arith.xori %lt3A_487, %ne3A_491 : vector<16xi1>
    %and3A_493 = arith.andi %ne3A_492, %ne3A_484 : vector<16xi1>
    %add3A_494 = vector.broadcast %select_n3A_479 : i32 to vector<16xi32>
    %add3A_495 = arith.addi %rem3A_481, %add3A_494 : vector<16xi32>
    %select_n3A_496 = arith.select %and3A_493, %add3A_495, %rem3A_481 : vector<16xi1>, vector<16xi32>
    %mul3A_497 = arith.constant 3 : i32
    %mul3A_498 = vector.broadcast %mul3A_497 : i32 to vector<16xi32>
    %mul3A_499 = arith.muli %select_n3A_496, %mul3A_498 : vector<16xi32>
    %get3A_500 = arith.constant 176 : index
    %get3A_501 = tpu.vector_load %arg8[%get3A_500] {strides = array<i32>} : memref<6400xi32, #tpu.memory_space<vmem>>, vector<16xi32>,
    %get3A_502 = vector.shape_cast %get3A_501 : vector<16xi32> to vector<16xi32>
    %add3A_503 = arith.addi %mul3A_499, %get3A_502 : vector<16xi32>
    %swap3A_504 = arith.constant 176 : index
    %swap3A_505 = tpu.vector_load %arg8[%swap3A_504] {strides = array<i32>} : memref<6400xi32, #tpu.memory_space<vmem>>, vector<16xi32>,
    %swap3A_506 = vector.shape_cast %swap3A_505 : vector<16xi32> to vector<16xi32>
    %swap3A_507 = vector.shape_cast %add3A_503 : vector<16xi32> to vector<16xi32>
    tpu.vector_store %arg8[%swap3A_504], %swap3A_507 {strides = array<i32>} : memref<6400xi32, #tpu.memory_space<vmem>>, vector<16xi32>,
    %add3A_508 = arith.constant 128 : i32
    %add3A_509 = arith.addi %mul3A_2, %add3A_508 : i32
    %add3A_510 = arith.constant 64 : i32
    %add3A_511 = arith.addi %add3A_509, %add3A_510 : i32
    %add3A_512 = vector.broadcast %add3A_511 : i32 to vector<16xi32>
    %add3A_513 = arith.addi %add3A_512, %iota3A : vector<16xi32>
    %jit3A_514 = arith.constant 200 : i32
    %eq3A_515 = arith.constant 0 : i32
    %eq3A_516 = arith.cmpi eq, %jit3A_514, %eq3A_515 : i32
    %jit3A_517 = arith.constant 1 : i32
    %select_n3A_518 = arith.select %eq3A_516, %jit3A_517, %jit3A_514 : i32
    %rem3A_519 = vector.broadcast %select_n3A_518 : i32 to vector<16xi32>
    %rem3A_520 = arith.remsi %add3A_513, %rem3A_519 : vector<16xi32>
    %ne3A_521 = arith.constant 0 : i32
    %ne3A_522 = vector.broadcast %ne3A_521 : i32 to vector<16xi32>
    %ne3A_523 = arith.cmpi ne, %rem3A_520, %ne3A_522 : vector<16xi32>
    %lt3A_524 = arith.constant 0 : i32
    %lt3A_525 = vector.broadcast %lt3A_524 : i32 to vector<16xi32>
    %lt3A_526 = arith.cmpi slt, %rem3A_520, %lt3A_525 : vector<16xi32>
    %lt3A_527 = arith.constant 0 : i32
    %lt3A_528 = arith.cmpi slt, %select_n3A_518, %lt3A_527 : i32
    %ne3A_529 = vector.broadcast %lt3A_528 : i1 to vector<16xi1>
    %ne3A_530 = vector.broadcast %ne3A_529 : vector<16xi1> to vector<16xi1>
    %ne3A_531 = arith.xori %lt3A_526, %ne3A_530 : vector<16xi1>
    %and3A_532 = arith.andi %ne3A_531, %ne3A_523 : vector<16xi1>
    %add3A_533 = vector.broadcast %select_n3A_518 : i32 to vector<16xi32>
    %add3A_534 = arith.addi %rem3A_520, %add3A_533 : vector<16xi32>
    %select_n3A_535 = arith.select %and3A_532, %add3A_534, %rem3A_520 : vector<16xi1>, vector<16xi32>
    %mul3A_536 = arith.constant 3 : i32
    %mul3A_537 = vector.broadcast %mul3A_536 : i32 to vector<16xi32>
    %mul3A_538 = arith.muli %select_n3A_535, %mul3A_537 : vector<16xi32>
    %get3A_539 = arith.constant 192 : index
    %get3A_540 = tpu.vector_load %arg8[%get3A_539] {strides = array<i32>} : memref<6400xi32, #tpu.memory_space<vmem>>, vector<16xi32>,
    %get3A_541 = vector.shape_cast %get3A_540 : vector<16xi32> to vector<16xi32>
    %add3A_542 = arith.addi %mul3A_538, %get3A_541 : vector<16xi32>
    %swap3A_543 = arith.constant 192 : index
    %swap3A_544 = tpu.vector_load %arg8[%swap3A_543] {strides = array<i32>} : memref<6400xi32, #tpu.memory_space<vmem>>, vector<16xi32>,
    %swap3A_545 = vector.shape_cast %swap3A_544 : vector<16xi32> to vector<16xi32>
    %swap3A_546 = vector.shape_cast %add3A_542 : vector<16xi32> to vector<16xi32>
    tpu.vector_store %arg8[%swap3A_543], %swap3A_546 {strides = array<i32>} : memref<6400xi32, #tpu.memory_space<vmem>>, vector<16xi32>,
    %add3A_547 = arith.constant 128 : i32
    %add3A_548 = arith.addi %mul3A_2, %add3A_547 : i32
    %add3A_549 = arith.constant 80 : i32
    %add3A_550 = arith.addi %add3A_548, %add3A_549 : i32
    %add3A_551 = vector.broadcast %add3A_550 : i32 to vector<16xi32>
    %add3A_552 = arith.addi %add3A_551, %iota3A : vector<16xi32>
    %jit3A_553 = arith.constant 200 : i32
    %eq3A_554 = arith.constant 0 : i32
    %eq3A_555 = arith.cmpi eq, %jit3A_553, %eq3A_554 : i32
    %jit3A_556 = arith.constant 1 : i32
    %select_n3A_557 = arith.select %eq3A_555, %jit3A_556, %jit3A_553 : i32
    %rem3A_558 = vector.broadcast %select_n3A_557 : i32 to vector<16xi32>
    %rem3A_559 = arith.remsi %add3A_552, %rem3A_558 : vector<16xi32>
    %ne3A_560 = arith.constant 0 : i32
    %ne3A_561 = vector.broadcast %ne3A_560 : i32 to vector<16xi32>
    %ne3A_562 = arith.cmpi ne, %rem3A_559, %ne3A_561 : vector<16xi32>
    %lt3A_563 = arith.constant 0 : i32
    %lt3A_564 = vector.broadcast %lt3A_563 : i32 to vector<16xi32>
    %lt3A_565 = arith.cmpi slt, %rem3A_559, %lt3A_564 : vector<16xi32>
    %lt3A_566 = arith.constant 0 : i32
    %lt3A_567 = arith.cmpi slt, %select_n3A_557, %lt3A_566 : i32
    %ne3A_568 = vector.broadcast %lt3A_567 : i1 to vector<16xi1>
    %ne3A_569 = vector.broadcast %ne3A_568 : vector<16xi1> to vector<16xi1>
    %ne3A_570 = arith.xori %lt3A_565, %ne3A_569 : vector<16xi1>
    %and3A_571 = arith.andi %ne3A_570, %ne3A_562 : vector<16xi1>
    %add3A_572 = vector.broadcast %select_n3A_557 : i32 to vector<16xi32>
    %add3A_573 = arith.addi %rem3A_559, %add3A_572 : vector<16xi32>
    %select_n3A_574 = arith.select %and3A_571, %add3A_573, %rem3A_559 : vector<16xi1>, vector<16xi32>
    %mul3A_575 = arith.constant 3 : i32
    %mul3A_576 = vector.broadcast %mul3A_575 : i32 to vector<16xi32>
    %mul3A_577 = arith.muli %select_n3A_574, %mul3A_576 : vector<16xi32>
    %get3A_578 = arith.constant 208 : index
    %get3A_579 = tpu.vector_load %arg8[%get3A_578] {strides = array<i32>} : memref<6400xi32, #tpu.memory_space<vmem>>, vector<16xi32>,
    %get3A_580 = vector.shape_cast %get3A_579 : vector<16xi32> to vector<16xi32>
    %add3A_581 = arith.addi %mul3A_577, %get3A_580 : vector<16xi32>
    %swap3A_582 = arith.constant 208 : index
    %swap3A_583 = tpu.vector_load %arg8[%swap3A_582] {strides = array<i32>} : memref<6400xi32, #tpu.memory_space<vmem>>, vector<16xi32>,
    %swap3A_584 = vector.shape_cast %swap3A_583 : vector<16xi32> to vector<16xi32>
    %swap3A_585 = vector.shape_cast %add3A_581 : vector<16xi32> to vector<16xi32>
    tpu.vector_store %arg8[%swap3A_582], %swap3A_585 {strides = array<i32>} : memref<6400xi32, #tpu.memory_space<vmem>>, vector<16xi32>,
    %add3A_586 = arith.constant 128 : i32
    %add3A_587 = arith.addi %mul3A_2, %add3A_586 : i32
    %add3A_588 = arith.constant 96 : i32
    %add3A_589 = arith.addi %add3A_587, %add3A_588 : i32
    %add3A_590 = vector.broadcast %add3A_589 : i32 to vector<16xi32>
    %add3A_591 = arith.addi %add3A_590, %iota3A : vector<16xi32>
    %jit3A_592 = arith.constant 200 : i32
    %eq3A_593 = arith.constant 0 : i32
    %eq3A_594 = arith.cmpi eq, %jit3A_592, %eq3A_593 : i32
    %jit3A_595 = arith.constant 1 : i32
    %select_n3A_596 = arith.select %eq3A_594, %jit3A_595, %jit3A_592 : i32
    %rem3A_597 = vector.broadcast %select_n3A_596 : i32 to vector<16xi32>
    %rem3A_598 = arith.remsi %add3A_591, %rem3A_597 : vector<16xi32>
    %ne3A_599 = arith.constant 0 : i32
    %ne3A_600 = vector.broadcast %ne3A_599 : i32 to vector<16xi32>
    %ne3A_601 = arith.cmpi ne, %rem3A_598, %ne3A_600 : vector<16xi32>
    %lt3A_602 = arith.constant 0 : i32
    %lt3A_603 = vector.broadcast %lt3A_602 : i32 to vector<16xi32>
    %lt3A_604 = arith.cmpi slt, %rem3A_598, %lt3A_603 : vector<16xi32>
    %lt3A_605 = arith.constant 0 : i32
    %lt3A_606 = arith.cmpi slt, %select_n3A_596, %lt3A_605 : i32
    %ne3A_607 = vector.broadcast %lt3A_606 : i1 to vector<16xi1>
    %ne3A_608 = vector.broadcast %ne3A_607 : vector<16xi1> to vector<16xi1>
    %ne3A_609 = arith.xori %lt3A_604, %ne3A_608 : vector<16xi1>
    %and3A_610 = arith.andi %ne3A_609, %ne3A_601 : vector<16xi1>
    %add3A_611 = vector.broadcast %select_n3A_596 : i32 to vector<16xi32>
    %add3A_612 = arith.addi %rem3A_598, %add3A_611 : vector<16xi32>
    %select_n3A_613 = arith.select %and3A_610, %add3A_612, %rem3A_598 : vector<16xi1>, vector<16xi32>
    %mul3A_614 = arith.constant 3 : i32
    %mul3A_615 = vector.broadcast %mul3A_614 : i32 to vector<16xi32>
    %mul3A_616 = arith.muli %select_n3A_613, %mul3A_615 : vector<16xi32>
    %get3A_617 = arith.constant 224 : index
    %get3A_618 = tpu.vector_load %arg8[%get3A_617] {strides = array<i32>} : memref<6400xi32, #tpu.memory_space<vmem>>, vector<16xi32>,
    %get3A_619 = vector.shape_cast %get3A_618 : vector<16xi32> to vector<16xi32>
    %add3A_620 = arith.addi %mul3A_616, %get3A_619 : vector<16xi32>
    %swap3A_621 = arith.constant 224 : index
    %swap3A_622 = tpu.vector_load %arg8[%swap3A_621] {strides = array<i32>} : memref<6400xi32, #tpu.memory_space<vmem>>, vector<16xi32>,
    %swap3A_623 = vector.shape_cast %swap3A_622 : vector<16xi32> to vector<16xi32>
    %swap3A_624 = vector.shape_cast %add3A_620 : vector<16xi32> to vector<16xi32>
    tpu.vector_store %arg8[%swap3A_621], %swap3A_624 {strides = array<i32>} : memref<6400xi32, #tpu.memory_space<vmem>>, vector<16xi32>,
    %add3A_625 = arith.constant 128 : i32
    %add3A_626 = arith.addi %mul3A_2, %add3A_625 : i32
    %add3A_627 = arith.constant 112 : i32
    %add3A_628 = arith.addi %add3A_626, %add3A_627 : i32
    %add3A_629 = vector.broadcast %add3A_628 : i32 to vector<16xi32>
    %add3A_630 = arith.addi %add3A_629, %iota3A : vector<16xi32>
    %jit3A_631 = arith.constant 200 : i32
    %eq3A_632 = arith.constant 0 : i32
    %eq3A_633 = arith.cmpi eq, %jit3A_631, %eq3A_632 : i32
    %jit3A_634 = arith.constant 1 : i32
    %select_n3A_635 = arith.select %eq3A_633, %jit3A_634, %jit3A_631 : i32
    %rem3A_636 = vector.broadcast %select_n3A_635 : i32 to vector<16xi32>
    %rem3A_637 = arith.remsi %add3A_630, %rem3A_636 : vector<16xi32>
    %ne3A_638 = arith.constant 0 : i32
    %ne3A_639 = vector.broadcast %ne3A_638 : i32 to vector<16xi32>
    %ne3A_640 = arith.cmpi ne, %rem3A_637, %ne3A_639 : vector<16xi32>
    %lt3A_641 = arith.constant 0 : i32
    %lt3A_642 = vector.broadcast %lt3A_641 : i32 to vector<16xi32>
    %lt3A_643 = arith.cmpi slt, %rem3A_637, %lt3A_642 : vector<16xi32>
    %lt3A_644 = arith.constant 0 : i32
    %lt3A_645 = arith.cmpi slt, %select_n3A_635, %lt3A_644 : i32
    %ne3A_646 = vector.broadcast %lt3A_645 : i1 to vector<16xi1>
    %ne3A_647 = vector.broadcast %ne3A_646 : vector<16xi1> to vector<16xi1>
    %ne3A_648 = arith.xori %lt3A_643, %ne3A_647 : vector<16xi1>
    %and3A_649 = arith.andi %ne3A_648, %ne3A_640 : vector<16xi1>
    %add3A_650 = vector.broadcast %select_n3A_635 : i32 to vector<16xi32>
    %add3A_651 = arith.addi %rem3A_637, %add3A_650 : vector<16xi32>
    %select_n3A_652 = arith.select %and3A_649, %add3A_651, %rem3A_637 : vector<16xi1>, vector<16xi32>
    %mul3A_653 = arith.constant 3 : i32
    %mul3A_654 = vector.broadcast %mul3A_653 : i32 to vector<16xi32>
    %mul3A_655 = arith.muli %select_n3A_652, %mul3A_654 : vector<16xi32>
    %get3A_656 = arith.constant 240 : index
    %get3A_657 = tpu.vector_load %arg8[%get3A_656] {strides = array<i32>} : memref<6400xi32, #tpu.memory_space<vmem>>, vector<16xi32>,
    %get3A_658 = vector.shape_cast %get3A_657 : vector<16xi32> to vector<16xi32>
    %add3A_659 = arith.addi %mul3A_655, %get3A_658 : vector<16xi32>
    %swap3A_660 = arith.constant 240 : index
    %swap3A_661 = tpu.vector_load %arg8[%swap3A_660] {strides = array<i32>} : memref<6400xi32, #tpu.memory_space<vmem>>, vector<16xi32>,
    %swap3A_662 = vector.shape_cast %swap3A_661 : vector<16xi32> to vector<16xi32>
    %swap3A_663 = vector.shape_cast %add3A_659 : vector<16xi32> to vector<16xi32>
    tpu.vector_store %arg8[%swap3A_660], %swap3A_663 {strides = array<i32>} : memref<6400xi32, #tpu.memory_space<vmem>>, vector<16xi32>,
    %dma_start3A_664 = arith.constant 128 : i32
    %dma_start3A_665 = tpu.memref_slice %arg8[%dma_start3A_664] : memref<6400xi32, #tpu.memory_space<vmem>> -> memref<128xi32, #tpu.memory_space<vmem>>
    %dma_start3A_666 = arith.constant 0 : i32
    %dma_start3A_667 = arith.constant 0 : i32
    %dma_start3A_668 = tpu.memref_slice %arg21[%dma_start3A_666, %dma_start3A_667] : memref<600x128xf32, #tpu.memory_space<vmem_shared>> -> memref<600x128xf32, #tpu.memory_space<vmem_shared>>
    tpu.enqueue_indirect_dma source(%dma_start3A_668 : memref<600x128xf32, #tpu.memory_space<vmem_shared>>) target(%arg12 : memref<128x128xf32, #tpu.memory_space<vmem>>) offsets(%dma_start3A_665 : memref<128xi32, #tpu.memory_space<vmem>>) semaphore(%arg18 : memref<!tpu.dma_semaphore, #tpu.memory_space<semaphore_mem>>)
    %scan3A = arith.constant 0 : i32
    %scan3A_669 = arith.constant 0 : i32
    %scan3A_670 = arith.constant 25 : i32
    %scan3A_671 = arith.addi %scan3A_669, %scan3A_670 : i32
    %scan3A_672 = arith.constant 1 : i32
    %scan3A_673 = scf.for %scan3A_687 = %scan3A_669 to %scan3A_671 step %scan3A_672 iter_args(%scan3A_688 = %scan3A) -> (i32)  : i32 {
      %mul3A_689 = arith.constant 2 : i32
      %mul3A_690 = arith.muli %mul3A_689, %scan3A_687 : i32
      %add3A_691 = arith.constant 0 : i32
      %add3A_692 = arith.addi %mul3A_690, %add3A_691 : i32
      %mul3A_693 = arith.constant 128 : i32
      %mul3A_694 = arith.muli %add3A_692, %mul3A_693 : i32
      %add3A_695 = arith.addi %mul3A_2, %mul3A_694 : i32
      %mul3A_696 = arith.constant 128 : i32
      %mul3A_697 = arith.muli %add3A_692, %mul3A_696 : i32
      %mul3A_698 = arith.constant 128 : i32
      %mul3A_699 = arith.muli %add3A_692, %mul3A_698 : i32
      %mul3A_700 = arith.constant 128 : i32
      %mul3A_701 = arith.muli %add3A_692, %mul3A_700 : i32
      %add3A_702 = arith.constant 64 : i32
      %add3A_703 = arith.addi %mul3A_701, %add3A_702 : i32
      %dma_wait3A_704 = arith.constant 0 : i32
      %dma_wait3A_705 = arith.constant 0 : i32
      %dma_wait3A_706 = tpu.memref_slice %arg9[%dma_wait3A_704, %dma_wait3A_705] : memref<128x128xf32, #tpu.memory_space<vmem>> -> memref<64x128xf32, #tpu.memory_space<vmem>>
      %dma_wait3A_707 = tpu.memref_slice %arg7[%mul3A_699] : memref<6400xi32, #tpu.memory_space<vmem>> -> memref<64xi32, #tpu.memory_space<vmem>>
      %dma_wait3A_708 = arith.constant 0 : i32
      %dma_wait3A_709 = arith.constant 0 : i32
      %dma_wait3A_710 = tpu.memref_slice %arg2[%dma_wait3A_708, %dma_wait3A_709] : memref<100000x128xf32, #tpu.memory_space<hbm>> -> memref<100000x128xf32, #tpu.memory_space<hbm>>
      tpu.wait_indirect_dma semaphore(%arg15 : memref<!tpu.dma_semaphore, #tpu.memory_space<semaphore_mem>>) src(%dma_wait3A_710 : memref<100000x128xf32, #tpu.memory_space<hbm>>) dst(%dma_wait3A_706 : memref<64x128xf32, #tpu.memory_space<vmem>>)
      %dma_wait3A_711 = arith.constant 64 : i32
      %dma_wait3A_712 = arith.constant 0 : i32
      %dma_wait3A_713 = tpu.memref_slice %arg9[%dma_wait3A_711, %dma_wait3A_712] : memref<128x128xf32, #tpu.memory_space<vmem>> -> memref<64x128xf32, #tpu.memory_space<vmem>>
      %dma_wait3A_714 = tpu.memref_slice %arg7[%add3A_703] : memref<6400xi32, #tpu.memory_space<vmem>> -> memref<64xi32, #tpu.memory_space<vmem>>
      %dma_wait3A_715 = arith.constant 0 : i32
      %dma_wait3A_716 = arith.constant 0 : i32
      %dma_wait3A_717 = tpu.memref_slice %arg2[%dma_wait3A_715, %dma_wait3A_716] : memref<100000x128xf32, #tpu.memory_space<hbm>> -> memref<100000x128xf32, #tpu.memory_space<hbm>>
      tpu.wait_indirect_dma semaphore(%arg15 : memref<!tpu.dma_semaphore, #tpu.memory_space<semaphore_mem>>) src(%dma_wait3A_717 : memref<100000x128xf32, #tpu.memory_space<hbm>>) dst(%dma_wait3A_713 : memref<64x128xf32, #tpu.memory_space<vmem>>)
      %dma_wait3A_718 = tpu.memref_slice %arg8[%mul3A_697] : memref<6400xi32, #tpu.memory_space<vmem>> -> memref<128xi32, #tpu.memory_space<vmem>>
      %dma_wait3A_719 = arith.constant 0 : i32
      %dma_wait3A_720 = arith.constant 0 : i32
      %dma_wait3A_721 = tpu.memref_slice %arg21[%dma_wait3A_719, %dma_wait3A_720] : memref<600x128xf32, #tpu.memory_space<vmem_shared>> -> memref<600x128xf32, #tpu.memory_space<vmem_shared>>
      tpu.wait_indirect_dma semaphore(%arg17 : memref<!tpu.dma_semaphore, #tpu.memory_space<semaphore_mem>>) src(%dma_wait3A_721 : memref<600x128xf32, #tpu.memory_space<vmem_shared>>) dst(%arg11 : memref<128x128xf32, #tpu.memory_space<vmem>>)
      %ge3A = arith.constant 2 : i32
      %ge3A_722 = arith.cmpi sge, %add3A_692, %ge3A : i32
      %convert_element_type3A_723 = arith.extui %ge3A_722 : i1 to i32
      %cond3A_724 = arith.constant 0 : i32
      %cond3A_725 = arith.cmpi ne, %convert_element_type3A_723, %cond3A_724 : i32
      scf.if %cond3A_725 {
        %sub3A = arith.constant 256 : i32
        %sub3A_838 = arith.subi %add3A_695, %sub3A : i32
        %dma_wait3A_839 = arith.constant 0 : i32
        %dma_wait3A_840 = tpu.memref_slice %arg6[%sub3A_838, %dma_wait3A_839] : memref<204800x128xf32, #tpu.memory_space<hbm>> -> memref<128x128xf32, #tpu.memory_space<hbm>>
        %dma_wait3A_841 = arith.constant 0 : i32
        %dma_wait3A_842 = tpu.memref_slice %arg6[%sub3A_838, %dma_wait3A_841] : memref<204800x128xf32, #tpu.memory_space<hbm>> -> memref<128x128xf32, #tpu.memory_space<hbm>>
        tpu.wait_dma2 semaphore(%arg19 : memref<!tpu.dma_semaphore, #tpu.memory_space<semaphore_mem>>) src(%arg13 : memref<128x128xf32, #tpu.memory_space<vmem>>) dst(%dma_wait3A_842 : memref<128x128xf32, #tpu.memory_space<hbm>>)
      } else {
      }
      %parallel_loop3A = arith.constant 0 : i32
      %parallel_loop3A_726 = arith.constant 64 : i32
      %parallel_loop3A_727 = arith.constant 1 : i32
      scf.for %parallel_loop3A_838 = %parallel_loop3A to %parallel_loop3A_726 step %parallel_loop3A_727  : i32 {
        %parallel_loop3A_839 = arith.index_cast %parallel_loop3A_838 : i32 to index
        %parallel_loop3A_840 = arith.constant 0 : index
        %parallel_loop3A_841 = tpu.vector_load %arg9[%parallel_loop3A_839, %parallel_loop3A_840] {strides = array<i32>} : memref<128x128xf32, #tpu.memory_space<vmem>>, vector<1x16xf32>,
        %parallel_loop3A_842 = vector.shape_cast %parallel_loop3A_841 : vector<1x16xf32> to vector<16xf32>
        %parallel_loop3A_843 = arith.index_cast %parallel_loop3A_838 : i32 to index
        %parallel_loop3A_844 = arith.constant 0 : index
        %parallel_loop3A_845 = tpu.vector_load %arg11[%parallel_loop3A_843, %parallel_loop3A_844] {strides = array<i32>} : memref<128x128xf32, #tpu.memory_space<vmem>>, vector<1x16xf32>,
        %parallel_loop3A_846 = vector.shape_cast %parallel_loop3A_845 : vector<1x16xf32> to vector<16xf32>
        %parallel_loop3A_847 = arith.addf %parallel_loop3A_842, %parallel_loop3A_846 : vector<16xf32>
        %parallel_loop3A_848 = arith.index_cast %parallel_loop3A_838 : i32 to index
        %parallel_loop3A_849 = arith.constant 0 : index
        %parallel_loop3A_850 = tpu.vector_load %arg13[%parallel_loop3A_848, %parallel_loop3A_849] {strides = array<i32>} : memref<128x128xf32, #tpu.memory_space<vmem>>, vector<1x16xf32>,
        %parallel_loop3A_851 = vector.shape_cast %parallel_loop3A_850 : vector<1x16xf32> to vector<16xf32>
        %parallel_loop3A_852 = vector.shape_cast %parallel_loop3A_847 : vector<16xf32> to vector<1x16xf32>
        tpu.vector_store %arg13[%parallel_loop3A_848, %parallel_loop3A_849], %parallel_loop3A_852 {strides = array<i32>} : memref<128x128xf32, #tpu.memory_space<vmem>>, vector<1x16xf32>,
        %parallel_loop3A_853 = arith.index_cast %parallel_loop3A_838 : i32 to index
        %parallel_loop3A_854 = arith.constant 16 : index
        %parallel_loop3A_855 = tpu.vector_load %arg9[%parallel_loop3A_853, %parallel_loop3A_854] {strides = array<i32>} : memref<128x128xf32, #tpu.memory_space<vmem>>, vector<1x16xf32>,
        %parallel_loop3A_856 = vector.shape_cast %parallel_loop3A_855 : vector<1x16xf32> to vector<16xf32>
        %parallel_loop3A_857 = arith.index_cast %parallel_loop3A_838 : i32 to index
        %parallel_loop3A_858 = arith.constant 16 : index
        %parallel_loop3A_859 = tpu.vector_load %arg11[%parallel_loop3A_857, %parallel_loop3A_858] {strides = array<i32>} : memref<128x128xf32, #tpu.memory_space<vmem>>, vector<1x16xf32>,
        %parallel_loop3A_860 = vector.shape_cast %parallel_loop3A_859 : vector<1x16xf32> to vector<16xf32>
        %parallel_loop3A_861 = arith.addf %parallel_loop3A_856, %parallel_loop3A_860 : vector<16xf32>
        %parallel_loop3A_862 = arith.index_cast %parallel_loop3A_838 : i32 to index
        %parallel_loop3A_863 = arith.constant 16 : index
        %parallel_loop3A_864 = tpu.vector_load %arg13[%parallel_loop3A_862, %parallel_loop3A_863] {strides = array<i32>} : memref<128x128xf32, #tpu.memory_space<vmem>>, vector<1x16xf32>,
        %parallel_loop3A_865 = vector.shape_cast %parallel_loop3A_864 : vector<1x16xf32> to vector<16xf32>
        %parallel_loop3A_866 = vector.shape_cast %parallel_loop3A_861 : vector<16xf32> to vector<1x16xf32>
        tpu.vector_store %arg13[%parallel_loop3A_862, %parallel_loop3A_863], %parallel_loop3A_866 {strides = array<i32>} : memref<128x128xf32, #tpu.memory_space<vmem>>, vector<1x16xf32>,
        %parallel_loop3A_867 = arith.index_cast %parallel_loop3A_838 : i32 to index
        %parallel_loop3A_868 = arith.constant 32 : index
        %parallel_loop3A_869 = tpu.vector_load %arg9[%parallel_loop3A_867, %parallel_loop3A_868] {strides = array<i32>} : memref<128x128xf32, #tpu.memory_space<vmem>>, vector<1x16xf32>,
        %parallel_loop3A_870 = vector.shape_cast %parallel_loop3A_869 : vector<1x16xf32> to vector<16xf32>
        %parallel_loop3A_871 = arith.index_cast %parallel_loop3A_838 : i32 to index
        %parallel_loop3A_872 = arith.constant 32 : index
        %parallel_loop3A_873 = tpu.vector_load %arg11[%parallel_loop3A_871, %parallel_loop3A_872] {strides = array<i32>} : memref<128x128xf32, #tpu.memory_space<vmem>>, vector<1x16xf32>,
        %parallel_loop3A_874 = vector.shape_cast %parallel_loop3A_873 : vector<1x16xf32> to vector<16xf32>
        %parallel_loop3A_875 = arith.addf %parallel_loop3A_870, %parallel_loop3A_874 : vector<16xf32>
        %parallel_loop3A_876 = arith.index_cast %parallel_loop3A_838 : i32 to index
        %parallel_loop3A_877 = arith.constant 32 : index
        %parallel_loop3A_878 = tpu.vector_load %arg13[%parallel_loop3A_876, %parallel_loop3A_877] {strides = array<i32>} : memref<128x128xf32, #tpu.memory_space<vmem>>, vector<1x16xf32>,
        %parallel_loop3A_879 = vector.shape_cast %parallel_loop3A_878 : vector<1x16xf32> to vector<16xf32>
        %parallel_loop3A_880 = vector.shape_cast %parallel_loop3A_875 : vector<16xf32> to vector<1x16xf32>
        tpu.vector_store %arg13[%parallel_loop3A_876, %parallel_loop3A_877], %parallel_loop3A_880 {strides = array<i32>} : memref<128x128xf32, #tpu.memory_space<vmem>>, vector<1x16xf32>,
        %parallel_loop3A_881 = arith.index_cast %parallel_loop3A_838 : i32 to index
        %parallel_loop3A_882 = arith.constant 48 : index
        %parallel_loop3A_883 = tpu.vector_load %arg9[%parallel_loop3A_881, %parallel_loop3A_882] {strides = array<i32>} : memref<128x128xf32, #tpu.memory_space<vmem>>, vector<1x16xf32>,
        %parallel_loop3A_884 = vector.shape_cast %parallel_loop3A_883 : vector<1x16xf32> to vector<16xf32>
        %parallel_loop3A_885 = arith.index_cast %parallel_loop3A_838 : i32 to index
        %parallel_loop3A_886 = arith.constant 48 : index
        %parallel_loop3A_887 = tpu.vector_load %arg11[%parallel_loop3A_885, %parallel_loop3A_886] {strides = array<i32>} : memref<128x128xf32, #tpu.memory_space<vmem>>, vector<1x16xf32>,
        %parallel_loop3A_888 = vector.shape_cast %parallel_loop3A_887 : vector<1x16xf32> to vector<16xf32>
        %parallel_loop3A_889 = arith.addf %parallel_loop3A_884, %parallel_loop3A_888 : vector<16xf32>
        %parallel_loop3A_890 = arith.index_cast %parallel_loop3A_838 : i32 to index
        %parallel_loop3A_891 = arith.constant 48 : index
        %parallel_loop3A_892 = tpu.vector_load %arg13[%parallel_loop3A_890, %parallel_loop3A_891] {strides = array<i32>} : memref<128x128xf32, #tpu.memory_space<vmem>>, vector<1x16xf32>,
        %parallel_loop3A_893 = vector.shape_cast %parallel_loop3A_892 : vector<1x16xf32> to vector<16xf32>
        %parallel_loop3A_894 = vector.shape_cast %parallel_loop3A_889 : vector<16xf32> to vector<1x16xf32>
        tpu.vector_store %arg13[%parallel_loop3A_890, %parallel_loop3A_891], %parallel_loop3A_894 {strides = array<i32>} : memref<128x128xf32, #tpu.memory_space<vmem>>, vector<1x16xf32>,
        %parallel_loop3A_895 = arith.index_cast %parallel_loop3A_838 : i32 to index
        %parallel_loop3A_896 = arith.constant 64 : index
        %parallel_loop3A_897 = tpu.vector_load %arg9[%parallel_loop3A_895, %parallel_loop3A_896] {strides = array<i32>} : memref<128x128xf32, #tpu.memory_space<vmem>>, vector<1x16xf32>,
        %parallel_loop3A_898 = vector.shape_cast %parallel_loop3A_897 : vector<1x16xf32> to vector<16xf32>
        %parallel_loop3A_899 = arith.index_cast %parallel_loop3A_838 : i32 to index
        %parallel_loop3A_900 = arith.constant 64 : index
        %parallel_loop3A_901 = tpu.vector_load %arg11[%parallel_loop3A_899, %parallel_loop3A_900] {strides = array<i32>} : memref<128x128xf32, #tpu.memory_space<vmem>>, vector<1x16xf32>,
        %parallel_loop3A_902 = vector.shape_cast %parallel_loop3A_901 : vector<1x16xf32> to vector<16xf32>
        %parallel_loop3A_903 = arith.addf %parallel_loop3A_898, %parallel_loop3A_902 : vector<16xf32>
        %parallel_loop3A_904 = arith.index_cast %parallel_loop3A_838 : i32 to index
        %parallel_loop3A_905 = arith.constant 64 : index
        %parallel_loop3A_906 = tpu.vector_load %arg13[%parallel_loop3A_904, %parallel_loop3A_905] {strides = array<i32>} : memref<128x128xf32, #tpu.memory_space<vmem>>, vector<1x16xf32>,
        %parallel_loop3A_907 = vector.shape_cast %parallel_loop3A_906 : vector<1x16xf32> to vector<16xf32>
        %parallel_loop3A_908 = vector.shape_cast %parallel_loop3A_903 : vector<16xf32> to vector<1x16xf32>
        tpu.vector_store %arg13[%parallel_loop3A_904, %parallel_loop3A_905], %parallel_loop3A_908 {strides = array<i32>} : memref<128x128xf32, #tpu.memory_space<vmem>>, vector<1x16xf32>,
        %parallel_loop3A_909 = arith.index_cast %parallel_loop3A_838 : i32 to index
        %parallel_loop3A_910 = arith.constant 80 : index
        %parallel_loop3A_911 = tpu.vector_load %arg9[%parallel_loop3A_909, %parallel_loop3A_910] {strides = array<i32>} : memref<128x128xf32, #tpu.memory_space<vmem>>, vector<1x16xf32>,
        %parallel_loop3A_912 = vector.shape_cast %parallel_loop3A_911 : vector<1x16xf32> to vector<16xf32>
        %parallel_loop3A_913 = arith.index_cast %parallel_loop3A_838 : i32 to index
        %parallel_loop3A_914 = arith.constant 80 : index
        %parallel_loop3A_915 = tpu.vector_load %arg11[%parallel_loop3A_913, %parallel_loop3A_914] {strides = array<i32>} : memref<128x128xf32, #tpu.memory_space<vmem>>, vector<1x16xf32>,
        %parallel_loop3A_916 = vector.shape_cast %parallel_loop3A_915 : vector<1x16xf32> to vector<16xf32>
        %parallel_loop3A_917 = arith.addf %parallel_loop3A_912, %parallel_loop3A_916 : vector<16xf32>
        %parallel_loop3A_918 = arith.index_cast %parallel_loop3A_838 : i32 to index
        %parallel_loop3A_919 = arith.constant 80 : index
        %parallel_loop3A_920 = tpu.vector_load %arg13[%parallel_loop3A_918, %parallel_loop3A_919] {strides = array<i32>} : memref<128x128xf32, #tpu.memory_space<vmem>>, vector<1x16xf32>,
        %parallel_loop3A_921 = vector.shape_cast %parallel_loop3A_920 : vector<1x16xf32> to vector<16xf32>
        %parallel_loop3A_922 = vector.shape_cast %parallel_loop3A_917 : vector<16xf32> to vector<1x16xf32>
        tpu.vector_store %arg13[%parallel_loop3A_918, %parallel_loop3A_919], %parallel_loop3A_922 {strides = array<i32>} : memref<128x128xf32, #tpu.memory_space<vmem>>, vector<1x16xf32>,
        %parallel_loop3A_923 = arith.index_cast %parallel_loop3A_838 : i32 to index
        %parallel_loop3A_924 = arith.constant 96 : index
        %parallel_loop3A_925 = tpu.vector_load %arg9[%parallel_loop3A_923, %parallel_loop3A_924] {strides = array<i32>} : memref<128x128xf32, #tpu.memory_space<vmem>>, vector<1x16xf32>,
        %parallel_loop3A_926 = vector.shape_cast %parallel_loop3A_925 : vector<1x16xf32> to vector<16xf32>
        %parallel_loop3A_927 = arith.index_cast %parallel_loop3A_838 : i32 to index
        %parallel_loop3A_928 = arith.constant 96 : index
        %parallel_loop3A_929 = tpu.vector_load %arg11[%parallel_loop3A_927, %parallel_loop3A_928] {strides = array<i32>} : memref<128x128xf32, #tpu.memory_space<vmem>>, vector<1x16xf32>,
        %parallel_loop3A_930 = vector.shape_cast %parallel_loop3A_929 : vector<1x16xf32> to vector<16xf32>
        %parallel_loop3A_931 = arith.addf %parallel_loop3A_926, %parallel_loop3A_930 : vector<16xf32>
        %parallel_loop3A_932 = arith.index_cast %parallel_loop3A_838 : i32 to index
        %parallel_loop3A_933 = arith.constant 96 : index
        %parallel_loop3A_934 = tpu.vector_load %arg13[%parallel_loop3A_932, %parallel_loop3A_933] {strides = array<i32>} : memref<128x128xf32, #tpu.memory_space<vmem>>, vector<1x16xf32>,
        %parallel_loop3A_935 = vector.shape_cast %parallel_loop3A_934 : vector<1x16xf32> to vector<16xf32>
        %parallel_loop3A_936 = vector.shape_cast %parallel_loop3A_931 : vector<16xf32> to vector<1x16xf32>
        tpu.vector_store %arg13[%parallel_loop3A_932, %parallel_loop3A_933], %parallel_loop3A_936 {strides = array<i32>} : memref<128x128xf32, #tpu.memory_space<vmem>>, vector<1x16xf32>,
        %parallel_loop3A_937 = arith.index_cast %parallel_loop3A_838 : i32 to index
        %parallel_loop3A_938 = arith.constant 112 : index
        %parallel_loop3A_939 = tpu.vector_load %arg9[%parallel_loop3A_937, %parallel_loop3A_938] {strides = array<i32>} : memref<128x128xf32, #tpu.memory_space<vmem>>, vector<1x16xf32>,
        %parallel_loop3A_940 = vector.shape_cast %parallel_loop3A_939 : vector<1x16xf32> to vector<16xf32>
        %parallel_loop3A_941 = arith.index_cast %parallel_loop3A_838 : i32 to index
        %parallel_loop3A_942 = arith.constant 112 : index
        %parallel_loop3A_943 = tpu.vector_load %arg11[%parallel_loop3A_941, %parallel_loop3A_942] {strides = array<i32>} : memref<128x128xf32, #tpu.memory_space<vmem>>, vector<1x16xf32>,
        %parallel_loop3A_944 = vector.shape_cast %parallel_loop3A_943 : vector<1x16xf32> to vector<16xf32>
        %parallel_loop3A_945 = arith.addf %parallel_loop3A_940, %parallel_loop3A_944 : vector<16xf32>
        %parallel_loop3A_946 = arith.index_cast %parallel_loop3A_838 : i32 to index
        %parallel_loop3A_947 = arith.constant 112 : index
        %parallel_loop3A_948 = tpu.vector_load %arg13[%parallel_loop3A_946, %parallel_loop3A_947] {strides = array<i32>} : memref<128x128xf32, #tpu.memory_space<vmem>>, vector<1x16xf32>,
        %parallel_loop3A_949 = vector.shape_cast %parallel_loop3A_948 : vector<1x16xf32> to vector<16xf32>
        %parallel_loop3A_950 = vector.shape_cast %parallel_loop3A_945 : vector<16xf32> to vector<1x16xf32>
        tpu.vector_store %arg13[%parallel_loop3A_946, %parallel_loop3A_947], %parallel_loop3A_950 {strides = array<i32>} : memref<128x128xf32, #tpu.memory_space<vmem>>, vector<1x16xf32>,
      } {sc.loop_unroll_factor = 1 : i64, sc.parallel_access}
      %add3A_728 = arith.constant 0 : i32
      %add3A_729 = arith.addi %add3A_695, %add3A_728 : i32
      %dma_start3A_730 = arith.constant 0 : i32
      %dma_start3A_731 = arith.constant 0 : i32
      %dma_start3A_732 = tpu.memref_slice %arg13[%dma_start3A_730, %dma_start3A_731] : memref<128x128xf32, #tpu.memory_space<vmem>> -> memref<64x128xf32, #tpu.memory_space<vmem>>
      %dma_start3A_733 = arith.constant 0 : i32
      %dma_start3A_734 = tpu.memref_slice %arg6[%add3A_729, %dma_start3A_733] : memref<204800x128xf32, #tpu.memory_space<hbm>> -> memref<64x128xf32, #tpu.memory_space<hbm>>
      %dma_start3A_735 = arith.constant 0 : i32
      %dma_start3A_736 = tpu.memref_slice %arg6[%add3A_729, %dma_start3A_735] : memref<204800x128xf32, #tpu.memory_space<hbm>> -> memref<64x128xf32, #tpu.memory_space<hbm>>
      %dma_start3A_737 = arith.constant 0 : i32
      %dma_start3A_738 = arith.constant 0 : i32
      %dma_start3A_739 = tpu.memref_slice %arg13[%dma_start3A_737, %dma_start3A_738] : memref<128x128xf32, #tpu.memory_space<vmem>> -> memref<64x128xf32, #tpu.memory_space<vmem>>
      tpu.enqueue_dma source(%dma_start3A_739 : memref<64x128xf32, #tpu.memory_space<vmem>>) target(%dma_start3A_736 : memref<64x128xf32, #tpu.memory_space<hbm>>) target_semaphore(%arg19 : memref<!tpu.dma_semaphore, #tpu.memory_space<semaphore_mem>>)
      %parallel_loop3A_740 = arith.constant 64 : i32
      %parallel_loop3A_741 = arith.constant 128 : i32
      %parallel_loop3A_742 = arith.constant 1 : i32
      scf.for %parallel_loop3A_838 = %parallel_loop3A_740 to %parallel_loop3A_741 step %parallel_loop3A_742  : i32 {
        %parallel_loop3A_839 = arith.index_cast %parallel_loop3A_838 : i32 to index
        %parallel_loop3A_840 = arith.constant 0 : index
        %parallel_loop3A_841 = tpu.vector_load %arg9[%parallel_loop3A_839, %parallel_loop3A_840] {strides = array<i32>} : memref<128x128xf32, #tpu.memory_space<vmem>>, vector<1x16xf32>,
        %parallel_loop3A_842 = vector.shape_cast %parallel_loop3A_841 : vector<1x16xf32> to vector<16xf32>
        %parallel_loop3A_843 = arith.index_cast %parallel_loop3A_838 : i32 to index
        %parallel_loop3A_844 = arith.constant 0 : index
        %parallel_loop3A_845 = tpu.vector_load %arg11[%parallel_loop3A_843, %parallel_loop3A_844] {strides = array<i32>} : memref<128x128xf32, #tpu.memory_space<vmem>>, vector<1x16xf32>,
        %parallel_loop3A_846 = vector.shape_cast %parallel_loop3A_845 : vector<1x16xf32> to vector<16xf32>
        %parallel_loop3A_847 = arith.addf %parallel_loop3A_842, %parallel_loop3A_846 : vector<16xf32>
        %parallel_loop3A_848 = arith.index_cast %parallel_loop3A_838 : i32 to index
        %parallel_loop3A_849 = arith.constant 0 : index
        %parallel_loop3A_850 = tpu.vector_load %arg13[%parallel_loop3A_848, %parallel_loop3A_849] {strides = array<i32>} : memref<128x128xf32, #tpu.memory_space<vmem>>, vector<1x16xf32>,
        %parallel_loop3A_851 = vector.shape_cast %parallel_loop3A_850 : vector<1x16xf32> to vector<16xf32>
        %parallel_loop3A_852 = vector.shape_cast %parallel_loop3A_847 : vector<16xf32> to vector<1x16xf32>
        tpu.vector_store %arg13[%parallel_loop3A_848, %parallel_loop3A_849], %parallel_loop3A_852 {strides = array<i32>} : memref<128x128xf32, #tpu.memory_space<vmem>>, vector<1x16xf32>,
        %parallel_loop3A_853 = arith.index_cast %parallel_loop3A_838 : i32 to index
        %parallel_loop3A_854 = arith.constant 16 : index
        %parallel_loop3A_855 = tpu.vector_load %arg9[%parallel_loop3A_853, %parallel_loop3A_854] {strides = array<i32>} : memref<128x128xf32, #tpu.memory_space<vmem>>, vector<1x16xf32>,
        %parallel_loop3A_856 = vector.shape_cast %parallel_loop3A_855 : vector<1x16xf32> to vector<16xf32>
        %parallel_loop3A_857 = arith.index_cast %parallel_loop3A_838 : i32 to index
        %parallel_loop3A_858 = arith.constant 16 : index
        %parallel_loop3A_859 = tpu.vector_load %arg11[%parallel_loop3A_857, %parallel_loop3A_858] {strides = array<i32>} : memref<128x128xf32, #tpu.memory_space<vmem>>, vector<1x16xf32>,
        %parallel_loop3A_860 = vector.shape_cast %parallel_loop3A_859 : vector<1x16xf32> to vector<16xf32>
        %parallel_loop3A_861 = arith.addf %parallel_loop3A_856, %parallel_loop3A_860 : vector<16xf32>
        %parallel_loop3A_862 = arith.index_cast %parallel_loop3A_838 : i32 to index
        %parallel_loop3A_863 = arith.constant 16 : index
        %parallel_loop3A_864 = tpu.vector_load %arg13[%parallel_loop3A_862, %parallel_loop3A_863] {strides = array<i32>} : memref<128x128xf32, #tpu.memory_space<vmem>>, vector<1x16xf32>,
        %parallel_loop3A_865 = vector.shape_cast %parallel_loop3A_864 : vector<1x16xf32> to vector<16xf32>
        %parallel_loop3A_866 = vector.shape_cast %parallel_loop3A_861 : vector<16xf32> to vector<1x16xf32>
        tpu.vector_store %arg13[%parallel_loop3A_862, %parallel_loop3A_863], %parallel_loop3A_866 {strides = array<i32>} : memref<128x128xf32, #tpu.memory_space<vmem>>, vector<1x16xf32>,
        %parallel_loop3A_867 = arith.index_cast %parallel_loop3A_838 : i32 to index
        %parallel_loop3A_868 = arith.constant 32 : index
        %parallel_loop3A_869 = tpu.vector_load %arg9[%parallel_loop3A_867, %parallel_loop3A_868] {strides = array<i32>} : memref<128x128xf32, #tpu.memory_space<vmem>>, vector<1x16xf32>,
        %parallel_loop3A_870 = vector.shape_cast %parallel_loop3A_869 : vector<1x16xf32> to vector<16xf32>
        %parallel_loop3A_871 = arith.index_cast %parallel_loop3A_838 : i32 to index
        %parallel_loop3A_872 = arith.constant 32 : index
        %parallel_loop3A_873 = tpu.vector_load %arg11[%parallel_loop3A_871, %parallel_loop3A_872] {strides = array<i32>} : memref<128x128xf32, #tpu.memory_space<vmem>>, vector<1x16xf32>,
        %parallel_loop3A_874 = vector.shape_cast %parallel_loop3A_873 : vector<1x16xf32> to vector<16xf32>
        %parallel_loop3A_875 = arith.addf %parallel_loop3A_870, %parallel_loop3A_874 : vector<16xf32>
        %parallel_loop3A_876 = arith.index_cast %parallel_loop3A_838 : i32 to index
        %parallel_loop3A_877 = arith.constant 32 : index
        %parallel_loop3A_878 = tpu.vector_load %arg13[%parallel_loop3A_876, %parallel_loop3A_877] {strides = array<i32>} : memref<128x128xf32, #tpu.memory_space<vmem>>, vector<1x16xf32>,
        %parallel_loop3A_879 = vector.shape_cast %parallel_loop3A_878 : vector<1x16xf32> to vector<16xf32>
        %parallel_loop3A_880 = vector.shape_cast %parallel_loop3A_875 : vector<16xf32> to vector<1x16xf32>
        tpu.vector_store %arg13[%parallel_loop3A_876, %parallel_loop3A_877], %parallel_loop3A_880 {strides = array<i32>} : memref<128x128xf32, #tpu.memory_space<vmem>>, vector<1x16xf32>,
        %parallel_loop3A_881 = arith.index_cast %parallel_loop3A_838 : i32 to index
        %parallel_loop3A_882 = arith.constant 48 : index
        %parallel_loop3A_883 = tpu.vector_load %arg9[%parallel_loop3A_881, %parallel_loop3A_882] {strides = array<i32>} : memref<128x128xf32, #tpu.memory_space<vmem>>, vector<1x16xf32>,
        %parallel_loop3A_884 = vector.shape_cast %parallel_loop3A_883 : vector<1x16xf32> to vector<16xf32>
        %parallel_loop3A_885 = arith.index_cast %parallel_loop3A_838 : i32 to index
        %parallel_loop3A_886 = arith.constant 48 : index
        %parallel_loop3A_887 = tpu.vector_load %arg11[%parallel_loop3A_885, %parallel_loop3A_886] {strides = array<i32>} : memref<128x128xf32, #tpu.memory_space<vmem>>, vector<1x16xf32>,
        %parallel_loop3A_888 = vector.shape_cast %parallel_loop3A_887 : vector<1x16xf32> to vector<16xf32>
        %parallel_loop3A_889 = arith.addf %parallel_loop3A_884, %parallel_loop3A_888 : vector<16xf32>
        %parallel_loop3A_890 = arith.index_cast %parallel_loop3A_838 : i32 to index
        %parallel_loop3A_891 = arith.constant 48 : index
        %parallel_loop3A_892 = tpu.vector_load %arg13[%parallel_loop3A_890, %parallel_loop3A_891] {strides = array<i32>} : memref<128x128xf32, #tpu.memory_space<vmem>>, vector<1x16xf32>,
        %parallel_loop3A_893 = vector.shape_cast %parallel_loop3A_892 : vector<1x16xf32> to vector<16xf32>
        %parallel_loop3A_894 = vector.shape_cast %parallel_loop3A_889 : vector<16xf32> to vector<1x16xf32>
        tpu.vector_store %arg13[%parallel_loop3A_890, %parallel_loop3A_891], %parallel_loop3A_894 {strides = array<i32>} : memref<128x128xf32, #tpu.memory_space<vmem>>, vector<1x16xf32>,
        %parallel_loop3A_895 = arith.index_cast %parallel_loop3A_838 : i32 to index
        %parallel_loop3A_896 = arith.constant 64 : index
        %parallel_loop3A_897 = tpu.vector_load %arg9[%parallel_loop3A_895, %parallel_loop3A_896] {strides = array<i32>} : memref<128x128xf32, #tpu.memory_space<vmem>>, vector<1x16xf32>,
        %parallel_loop3A_898 = vector.shape_cast %parallel_loop3A_897 : vector<1x16xf32> to vector<16xf32>
        %parallel_loop3A_899 = arith.index_cast %parallel_loop3A_838 : i32 to index
        %parallel_loop3A_900 = arith.constant 64 : index
        %parallel_loop3A_901 = tpu.vector_load %arg11[%parallel_loop3A_899, %parallel_loop3A_900] {strides = array<i32>} : memref<128x128xf32, #tpu.memory_space<vmem>>, vector<1x16xf32>,
        %parallel_loop3A_902 = vector.shape_cast %parallel_loop3A_901 : vector<1x16xf32> to vector<16xf32>
        %parallel_loop3A_903 = arith.addf %parallel_loop3A_898, %parallel_loop3A_902 : vector<16xf32>
        %parallel_loop3A_904 = arith.index_cast %parallel_loop3A_838 : i32 to index
        %parallel_loop3A_905 = arith.constant 64 : index
        %parallel_loop3A_906 = tpu.vector_load %arg13[%parallel_loop3A_904, %parallel_loop3A_905] {strides = array<i32>} : memref<128x128xf32, #tpu.memory_space<vmem>>, vector<1x16xf32>,
        %parallel_loop3A_907 = vector.shape_cast %parallel_loop3A_906 : vector<1x16xf32> to vector<16xf32>
        %parallel_loop3A_908 = vector.shape_cast %parallel_loop3A_903 : vector<16xf32> to vector<1x16xf32>
        tpu.vector_store %arg13[%parallel_loop3A_904, %parallel_loop3A_905], %parallel_loop3A_908 {strides = array<i32>} : memref<128x128xf32, #tpu.memory_space<vmem>>, vector<1x16xf32>,
        %parallel_loop3A_909 = arith.index_cast %parallel_loop3A_838 : i32 to index
        %parallel_loop3A_910 = arith.constant 80 : index
        %parallel_loop3A_911 = tpu.vector_load %arg9[%parallel_loop3A_909, %parallel_loop3A_910] {strides = array<i32>} : memref<128x128xf32, #tpu.memory_space<vmem>>, vector<1x16xf32>,
        %parallel_loop3A_912 = vector.shape_cast %parallel_loop3A_911 : vector<1x16xf32> to vector<16xf32>
        %parallel_loop3A_913 = arith.index_cast %parallel_loop3A_838 : i32 to index
        %parallel_loop3A_914 = arith.constant 80 : index
        %parallel_loop3A_915 = tpu.vector_load %arg11[%parallel_loop3A_913, %parallel_loop3A_914] {strides = array<i32>} : memref<128x128xf32, #tpu.memory_space<vmem>>, vector<1x16xf32>,
        %parallel_loop3A_916 = vector.shape_cast %parallel_loop3A_915 : vector<1x16xf32> to vector<16xf32>
        %parallel_loop3A_917 = arith.addf %parallel_loop3A_912, %parallel_loop3A_916 : vector<16xf32>
        %parallel_loop3A_918 = arith.index_cast %parallel_loop3A_838 : i32 to index
        %parallel_loop3A_919 = arith.constant 80 : index
        %parallel_loop3A_920 = tpu.vector_load %arg13[%parallel_loop3A_918, %parallel_loop3A_919] {strides = array<i32>} : memref<128x128xf32, #tpu.memory_space<vmem>>, vector<1x16xf32>,
        %parallel_loop3A_921 = vector.shape_cast %parallel_loop3A_920 : vector<1x16xf32> to vector<16xf32>
        %parallel_loop3A_922 = vector.shape_cast %parallel_loop3A_917 : vector<16xf32> to vector<1x16xf32>
        tpu.vector_store %arg13[%parallel_loop3A_918, %parallel_loop3A_919], %parallel_loop3A_922 {strides = array<i32>} : memref<128x128xf32, #tpu.memory_space<vmem>>, vector<1x16xf32>,
        %parallel_loop3A_923 = arith.index_cast %parallel_loop3A_838 : i32 to index
        %parallel_loop3A_924 = arith.constant 96 : index
        %parallel_loop3A_925 = tpu.vector_load %arg9[%parallel_loop3A_923, %parallel_loop3A_924] {strides = array<i32>} : memref<128x128xf32, #tpu.memory_space<vmem>>, vector<1x16xf32>,
        %parallel_loop3A_926 = vector.shape_cast %parallel_loop3A_925 : vector<1x16xf32> to vector<16xf32>
        %parallel_loop3A_927 = arith.index_cast %parallel_loop3A_838 : i32 to index
        %parallel_loop3A_928 = arith.constant 96 : index
        %parallel_loop3A_929 = tpu.vector_load %arg11[%parallel_loop3A_927, %parallel_loop3A_928] {strides = array<i32>} : memref<128x128xf32, #tpu.memory_space<vmem>>, vector<1x16xf32>,
        %parallel_loop3A_930 = vector.shape_cast %parallel_loop3A_929 : vector<1x16xf32> to vector<16xf32>
        %parallel_loop3A_931 = arith.addf %parallel_loop3A_926, %parallel_loop3A_930 : vector<16xf32>
        %parallel_loop3A_932 = arith.index_cast %parallel_loop3A_838 : i32 to index
        %parallel_loop3A_933 = arith.constant 96 : index
        %parallel_loop3A_934 = tpu.vector_load %arg13[%parallel_loop3A_932, %parallel_loop3A_933] {strides = array<i32>} : memref<128x128xf32, #tpu.memory_space<vmem>>, vector<1x16xf32>,
        %parallel_loop3A_935 = vector.shape_cast %parallel_loop3A_934 : vector<1x16xf32> to vector<16xf32>
        %parallel_loop3A_936 = vector.shape_cast %parallel_loop3A_931 : vector<16xf32> to vector<1x16xf32>
        tpu.vector_store %arg13[%parallel_loop3A_932, %parallel_loop3A_933], %parallel_loop3A_936 {strides = array<i32>} : memref<128x128xf32, #tpu.memory_space<vmem>>, vector<1x16xf32>,
        %parallel_loop3A_937 = arith.index_cast %parallel_loop3A_838 : i32 to index
        %parallel_loop3A_938 = arith.constant 112 : index
        %parallel_loop3A_939 = tpu.vector_load %arg9[%parallel_loop3A_937, %parallel_loop3A_938] {strides = array<i32>} : memref<128x128xf32, #tpu.memory_space<vmem>>, vector<1x16xf32>,
        %parallel_loop3A_940 = vector.shape_cast %parallel_loop3A_939 : vector<1x16xf32> to vector<16xf32>
        %parallel_loop3A_941 = arith.index_cast %parallel_loop3A_838 : i32 to index
        %parallel_loop3A_942 = arith.constant 112 : index
        %parallel_loop3A_943 = tpu.vector_load %arg11[%parallel_loop3A_941, %parallel_loop3A_942] {strides = array<i32>} : memref<128x128xf32, #tpu.memory_space<vmem>>, vector<1x16xf32>,
        %parallel_loop3A_944 = vector.shape_cast %parallel_loop3A_943 : vector<1x16xf32> to vector<16xf32>
        %parallel_loop3A_945 = arith.addf %parallel_loop3A_940, %parallel_loop3A_944 : vector<16xf32>
        %parallel_loop3A_946 = arith.index_cast %parallel_loop3A_838 : i32 to index
        %parallel_loop3A_947 = arith.constant 112 : index
        %parallel_loop3A_948 = tpu.vector_load %arg13[%parallel_loop3A_946, %parallel_loop3A_947] {strides = array<i32>} : memref<128x128xf32, #tpu.memory_space<vmem>>, vector<1x16xf32>,
        %parallel_loop3A_949 = vector.shape_cast %parallel_loop3A_948 : vector<1x16xf32> to vector<16xf32>
        %parallel_loop3A_950 = vector.shape_cast %parallel_loop3A_945 : vector<16xf32> to vector<1x16xf32>
        tpu.vector_store %arg13[%parallel_loop3A_946, %parallel_loop3A_947], %parallel_loop3A_950 {strides = array<i32>} : memref<128x128xf32, #tpu.memory_space<vmem>>, vector<1x16xf32>,
      } {sc.loop_unroll_factor = 1 : i64, sc.parallel_access}
      %add3A_743 = arith.constant 64 : i32
      %add3A_744 = arith.addi %add3A_695, %add3A_743 : i32
      %dma_start3A_745 = arith.constant 64 : i32
      %dma_start3A_746 = arith.constant 0 : i32
      %dma_start3A_747 = tpu.memref_slice %arg13[%dma_start3A_745, %dma_start3A_746] : memref<128x128xf32, #tpu.memory_space<vmem>> -> memref<64x128xf32, #tpu.memory_space<vmem>>
      %dma_start3A_748 = arith.constant 0 : i32
      %dma_start3A_749 = tpu.memref_slice %arg6[%add3A_744, %dma_start3A_748] : memref<204800x128xf32, #tpu.memory_space<hbm>> -> memref<64x128xf32, #tpu.memory_space<hbm>>
      %dma_start3A_750 = arith.constant 0 : i32
      %dma_start3A_751 = tpu.memref_slice %arg6[%add3A_744, %dma_start3A_750] : memref<204800x128xf32, #tpu.memory_space<hbm>> -> memref<64x128xf32, #tpu.memory_space<hbm>>
      %dma_start3A_752 = arith.constant 64 : i32
      %dma_start3A_753 = arith.constant 0 : i32
      %dma_start3A_754 = tpu.memref_slice %arg13[%dma_start3A_752, %dma_start3A_753] : memref<128x128xf32, #tpu.memory_space<vmem>> -> memref<64x128xf32, #tpu.memory_space<vmem>>
      tpu.enqueue_dma source(%dma_start3A_754 : memref<64x128xf32, #tpu.memory_space<vmem>>) target(%dma_start3A_751 : memref<64x128xf32, #tpu.memory_space<hbm>>) target_semaphore(%arg19 : memref<!tpu.dma_semaphore, #tpu.memory_space<semaphore_mem>>)
      %add3A_755 = arith.constant 2 : i32
      %add3A_756 = arith.addi %add3A_692, %add3A_755 : i32
      %lt3A_757 = arith.constant 50 : i32
      %lt3A_758 = arith.cmpi slt, %add3A_756, %lt3A_757 : i32
      %convert_element_type3A_759 = arith.extui %lt3A_758 : i1 to i32
      %cond3A_760 = arith.constant 0 : i32
      %cond3A_761 = arith.cmpi ne, %convert_element_type3A_759, %cond3A_760 : i32
      scf.if %cond3A_761 {
        %add3A_838 = arith.constant 2 : i32
        %add3A_839 = arith.addi %add3A_692, %add3A_838 : i32
        %mul3A_840 = arith.constant 128 : i32
        %mul3A_841 = arith.muli %add3A_839, %mul3A_840 : i32
        %mul3A_842 = arith.constant 128 : i32
        %mul3A_843 = arith.muli %add3A_839, %mul3A_842 : i32
        %mul3A_844 = arith.constant 128 : i32
        %mul3A_845 = arith.muli %add3A_839, %mul3A_844 : i32
        %add3A_846 = arith.constant 64 : i32
        %add3A_847 = arith.addi %mul3A_845, %add3A_846 : i32
        %dma_start3A_848 = arith.constant 0 : i32
        %dma_start3A_849 = arith.constant 0 : i32
        %dma_start3A_850 = tpu.memref_slice %arg9[%dma_start3A_848, %dma_start3A_849] : memref<128x128xf32, #tpu.memory_space<vmem>> -> memref<64x128xf32, #tpu.memory_space<vmem>>
        %dma_start3A_851 = tpu.memref_slice %arg7[%mul3A_843] : memref<6400xi32, #tpu.memory_space<vmem>> -> memref<64xi32, #tpu.memory_space<vmem>>
        %dma_start3A_852 = arith.constant 0 : i32
        %dma_start3A_853 = arith.constant 0 : i32
        %dma_start3A_854 = tpu.memref_slice %arg2[%dma_start3A_852, %dma_start3A_853] : memref<100000x128xf32, #tpu.memory_space<hbm>> -> memref<100000x128xf32, #tpu.memory_space<hbm>>
        tpu.enqueue_indirect_dma source(%dma_start3A_854 : memref<100000x128xf32, #tpu.memory_space<hbm>>) target(%dma_start3A_850 : memref<64x128xf32, #tpu.memory_space<vmem>>) offsets(%dma_start3A_851 : memref<64xi32, #tpu.memory_space<vmem>>) semaphore(%arg15 : memref<!tpu.dma_semaphore, #tpu.memory_space<semaphore_mem>>)
        %dma_start3A_855 = arith.constant 64 : i32
        %dma_start3A_856 = arith.constant 0 : i32
        %dma_start3A_857 = tpu.memref_slice %arg9[%dma_start3A_855, %dma_start3A_856] : memref<128x128xf32, #tpu.memory_space<vmem>> -> memref<64x128xf32, #tpu.memory_space<vmem>>
        %dma_start3A_858 = tpu.memref_slice %arg7[%add3A_847] : memref<6400xi32, #tpu.memory_space<vmem>> -> memref<64xi32, #tpu.memory_space<vmem>>
        %dma_start3A_859 = arith.constant 0 : i32
        %dma_start3A_860 = arith.constant 0 : i32
        %dma_start3A_861 = tpu.memref_slice %arg2[%dma_start3A_859, %dma_start3A_860] : memref<100000x128xf32, #tpu.memory_space<hbm>> -> memref<100000x128xf32, #tpu.memory_space<hbm>>
        tpu.enqueue_indirect_dma source(%dma_start3A_861 : memref<100000x128xf32, #tpu.memory_space<hbm>>) target(%dma_start3A_857 : memref<64x128xf32, #tpu.memory_space<vmem>>) offsets(%dma_start3A_858 : memref<64xi32, #tpu.memory_space<vmem>>) semaphore(%arg15 : memref<!tpu.dma_semaphore, #tpu.memory_space<semaphore_mem>>)
        %mul3A_862 = arith.constant 128 : i32
        %mul3A_863 = arith.muli %add3A_839, %mul3A_862 : i32
        %add3A_864 = arith.constant 0 : i32
        %add3A_865 = arith.addi %mul3A_863, %add3A_864 : i32
        %mul3A_866 = arith.constant 128 : i32
        %mul3A_867 = arith.muli %add3A_839, %mul3A_866 : i32
        %add3A_868 = arith.addi %mul3A_2, %mul3A_867 : i32
        %add3A_869 = arith.constant 0 : i32
        %add3A_870 = arith.addi %add3A_868, %add3A_869 : i32
        %add3A_871 = vector.broadcast %add3A_870 : i32 to vector<16xi32>
        %add3A_872 = arith.addi %add3A_871, %iota3A : vector<16xi32>
        %jit3A_873 = arith.constant 200 : i32
        %eq3A_874 = arith.constant 0 : i32
        %eq3A_875 = arith.cmpi eq, %jit3A_873, %eq3A_874 : i32
        %jit3A_876 = arith.constant 1 : i32
        %select_n3A_877 = arith.select %eq3A_875, %jit3A_876, %jit3A_873 : i32
        %rem3A_878 = vector.broadcast %select_n3A_877 : i32 to vector<16xi32>
        %rem3A_879 = arith.remsi %add3A_872, %rem3A_878 : vector<16xi32>
        %ne3A_880 = arith.constant 0 : i32
        %ne3A_881 = vector.broadcast %ne3A_880 : i32 to vector<16xi32>
        %ne3A_882 = arith.cmpi ne, %rem3A_879, %ne3A_881 : vector<16xi32>
        %lt3A_883 = arith.constant 0 : i32
        %lt3A_884 = vector.broadcast %lt3A_883 : i32 to vector<16xi32>
        %lt3A_885 = arith.cmpi slt, %rem3A_879, %lt3A_884 : vector<16xi32>
        %lt3A_886 = arith.constant 0 : i32
        %lt3A_887 = arith.cmpi slt, %select_n3A_877, %lt3A_886 : i32
        %ne3A_888 = vector.broadcast %lt3A_887 : i1 to vector<16xi1>
        %ne3A_889 = vector.broadcast %ne3A_888 : vector<16xi1> to vector<16xi1>
        %ne3A_890 = arith.xori %lt3A_885, %ne3A_889 : vector<16xi1>
        %and3A_891 = arith.andi %ne3A_890, %ne3A_882 : vector<16xi1>
        %add3A_892 = vector.broadcast %select_n3A_877 : i32 to vector<16xi32>
        %add3A_893 = arith.addi %rem3A_879, %add3A_892 : vector<16xi32>
        %select_n3A_894 = arith.select %and3A_891, %add3A_893, %rem3A_879 : vector<16xi1>, vector<16xi32>
        %mul3A_895 = arith.constant 3 : i32
        %mul3A_896 = vector.broadcast %mul3A_895 : i32 to vector<16xi32>
        %mul3A_897 = arith.muli %select_n3A_894, %mul3A_896 : vector<16xi32>
        %get3A_898 = arith.index_cast %add3A_865 : i32 to index
        %get3A_899 = tpu.vector_load %arg8[%get3A_898] {strides = array<i32>} : memref<6400xi32, #tpu.memory_space<vmem>>, vector<16xi32>,
        %get3A_900 = vector.shape_cast %get3A_899 : vector<16xi32> to vector<16xi32>
        %add3A_901 = arith.addi %mul3A_897, %get3A_900 : vector<16xi32>
        %swap3A_902 = arith.index_cast %add3A_865 : i32 to index
        %swap3A_903 = tpu.vector_load %arg8[%swap3A_902] {strides = array<i32>} : memref<6400xi32, #tpu.memory_space<vmem>>, vector<16xi32>,
        %swap3A_904 = vector.shape_cast %swap3A_903 : vector<16xi32> to vector<16xi32>
        %swap3A_905 = vector.shape_cast %add3A_901 : vector<16xi32> to vector<16xi32>
        tpu.vector_store %arg8[%swap3A_902], %swap3A_905 {strides = array<i32>} : memref<6400xi32, #tpu.memory_space<vmem>>, vector<16xi32>,
        %mul3A_906 = arith.constant 128 : i32
        %mul3A_907 = arith.muli %add3A_839, %mul3A_906 : i32
        %add3A_908 = arith.constant 16 : i32
        %add3A_909 = arith.addi %mul3A_907, %add3A_908 : i32
        %mul3A_910 = arith.constant 128 : i32
        %mul3A_911 = arith.muli %add3A_839, %mul3A_910 : i32
        %add3A_912 = arith.addi %mul3A_2, %mul3A_911 : i32
        %add3A_913 = arith.constant 16 : i32
        %add3A_914 = arith.addi %add3A_912, %add3A_913 : i32
        %add3A_915 = vector.broadcast %add3A_914 : i32 to vector<16xi32>
        %add3A_916 = arith.addi %add3A_915, %iota3A : vector<16xi32>
        %jit3A_917 = arith.constant 200 : i32
        %eq3A_918 = arith.constant 0 : i32
        %eq3A_919 = arith.cmpi eq, %jit3A_917, %eq3A_918 : i32
        %jit3A_920 = arith.constant 1 : i32
        %select_n3A_921 = arith.select %eq3A_919, %jit3A_920, %jit3A_917 : i32
        %rem3A_922 = vector.broadcast %select_n3A_921 : i32 to vector<16xi32>
        %rem3A_923 = arith.remsi %add3A_916, %rem3A_922 : vector<16xi32>
        %ne3A_924 = arith.constant 0 : i32
        %ne3A_925 = vector.broadcast %ne3A_924 : i32 to vector<16xi32>
        %ne3A_926 = arith.cmpi ne, %rem3A_923, %ne3A_925 : vector<16xi32>
        %lt3A_927 = arith.constant 0 : i32
        %lt3A_928 = vector.broadcast %lt3A_927 : i32 to vector<16xi32>
        %lt3A_929 = arith.cmpi slt, %rem3A_923, %lt3A_928 : vector<16xi32>
        %lt3A_930 = arith.constant 0 : i32
        %lt3A_931 = arith.cmpi slt, %select_n3A_921, %lt3A_930 : i32
        %ne3A_932 = vector.broadcast %lt3A_931 : i1 to vector<16xi1>
        %ne3A_933 = vector.broadcast %ne3A_932 : vector<16xi1> to vector<16xi1>
        %ne3A_934 = arith.xori %lt3A_929, %ne3A_933 : vector<16xi1>
        %and3A_935 = arith.andi %ne3A_934, %ne3A_926 : vector<16xi1>
        %add3A_936 = vector.broadcast %select_n3A_921 : i32 to vector<16xi32>
        %add3A_937 = arith.addi %rem3A_923, %add3A_936 : vector<16xi32>
        %select_n3A_938 = arith.select %and3A_935, %add3A_937, %rem3A_923 : vector<16xi1>, vector<16xi32>
        %mul3A_939 = arith.constant 3 : i32
        %mul3A_940 = vector.broadcast %mul3A_939 : i32 to vector<16xi32>
        %mul3A_941 = arith.muli %select_n3A_938, %mul3A_940 : vector<16xi32>
        %get3A_942 = arith.index_cast %add3A_909 : i32 to index
        %get3A_943 = tpu.vector_load %arg8[%get3A_942] {strides = array<i32>} : memref<6400xi32, #tpu.memory_space<vmem>>, vector<16xi32>,
        %get3A_944 = vector.shape_cast %get3A_943 : vector<16xi32> to vector<16xi32>
        %add3A_945 = arith.addi %mul3A_941, %get3A_944 : vector<16xi32>
        %swap3A_946 = arith.index_cast %add3A_909 : i32 to index
        %swap3A_947 = tpu.vector_load %arg8[%swap3A_946] {strides = array<i32>} : memref<6400xi32, #tpu.memory_space<vmem>>, vector<16xi32>,
        %swap3A_948 = vector.shape_cast %swap3A_947 : vector<16xi32> to vector<16xi32>
        %swap3A_949 = vector.shape_cast %add3A_945 : vector<16xi32> to vector<16xi32>
        tpu.vector_store %arg8[%swap3A_946], %swap3A_949 {strides = array<i32>} : memref<6400xi32, #tpu.memory_space<vmem>>, vector<16xi32>,
        %mul3A_950 = arith.constant 128 : i32
        %mul3A_951 = arith.muli %add3A_839, %mul3A_950 : i32
        %add3A_952 = arith.constant 32 : i32
        %add3A_953 = arith.addi %mul3A_951, %add3A_952 : i32
        %mul3A_954 = arith.constant 128 : i32
        %mul3A_955 = arith.muli %add3A_839, %mul3A_954 : i32
        %add3A_956 = arith.addi %mul3A_2, %mul3A_955 : i32
        %add3A_957 = arith.constant 32 : i32
        %add3A_958 = arith.addi %add3A_956, %add3A_957 : i32
        %add3A_959 = vector.broadcast %add3A_958 : i32 to vector<16xi32>
        %add3A_960 = arith.addi %add3A_959, %iota3A : vector<16xi32>
        %jit3A_961 = arith.constant 200 : i32
        %eq3A_962 = arith.constant 0 : i32
        %eq3A_963 = arith.cmpi eq, %jit3A_961, %eq3A_962 : i32
        %jit3A_964 = arith.constant 1 : i32
        %select_n3A_965 = arith.select %eq3A_963, %jit3A_964, %jit3A_961 : i32
        %rem3A_966 = vector.broadcast %select_n3A_965 : i32 to vector<16xi32>
        %rem3A_967 = arith.remsi %add3A_960, %rem3A_966 : vector<16xi32>
        %ne3A_968 = arith.constant 0 : i32
        %ne3A_969 = vector.broadcast %ne3A_968 : i32 to vector<16xi32>
        %ne3A_970 = arith.cmpi ne, %rem3A_967, %ne3A_969 : vector<16xi32>
        %lt3A_971 = arith.constant 0 : i32
        %lt3A_972 = vector.broadcast %lt3A_971 : i32 to vector<16xi32>
        %lt3A_973 = arith.cmpi slt, %rem3A_967, %lt3A_972 : vector<16xi32>
        %lt3A_974 = arith.constant 0 : i32
        %lt3A_975 = arith.cmpi slt, %select_n3A_965, %lt3A_974 : i32
        %ne3A_976 = vector.broadcast %lt3A_975 : i1 to vector<16xi1>
        %ne3A_977 = vector.broadcast %ne3A_976 : vector<16xi1> to vector<16xi1>
        %ne3A_978 = arith.xori %lt3A_973, %ne3A_977 : vector<16xi1>
        %and3A_979 = arith.andi %ne3A_978, %ne3A_970 : vector<16xi1>
        %add3A_980 = vector.broadcast %select_n3A_965 : i32 to vector<16xi32>
        %add3A_981 = arith.addi %rem3A_967, %add3A_980 : vector<16xi32>
        %select_n3A_982 = arith.select %and3A_979, %add3A_981, %rem3A_967 : vector<16xi1>, vector<16xi32>
        %mul3A_983 = arith.constant 3 : i32
        %mul3A_984 = vector.broadcast %mul3A_983 : i32 to vector<16xi32>
        %mul3A_985 = arith.muli %select_n3A_982, %mul3A_984 : vector<16xi32>
        %get3A_986 = arith.index_cast %add3A_953 : i32 to index
        %get3A_987 = tpu.vector_load %arg8[%get3A_986] {strides = array<i32>} : memref<6400xi32, #tpu.memory_space<vmem>>, vector<16xi32>,
        %get3A_988 = vector.shape_cast %get3A_987 : vector<16xi32> to vector<16xi32>
        %add3A_989 = arith.addi %mul3A_985, %get3A_988 : vector<16xi32>
        %swap3A_990 = arith.index_cast %add3A_953 : i32 to index
        %swap3A_991 = tpu.vector_load %arg8[%swap3A_990] {strides = array<i32>} : memref<6400xi32, #tpu.memory_space<vmem>>, vector<16xi32>,
        %swap3A_992 = vector.shape_cast %swap3A_991 : vector<16xi32> to vector<16xi32>
        %swap3A_993 = vector.shape_cast %add3A_989 : vector<16xi32> to vector<16xi32>
        tpu.vector_store %arg8[%swap3A_990], %swap3A_993 {strides = array<i32>} : memref<6400xi32, #tpu.memory_space<vmem>>, vector<16xi32>,
        %mul3A_994 = arith.constant 128 : i32
        %mul3A_995 = arith.muli %add3A_839, %mul3A_994 : i32
        %add3A_996 = arith.constant 48 : i32
        %add3A_997 = arith.addi %mul3A_995, %add3A_996 : i32
        %mul3A_998 = arith.constant 128 : i32
        %mul3A_999 = arith.muli %add3A_839, %mul3A_998 : i32
        %add3A_1000 = arith.addi %mul3A_2, %mul3A_999 : i32
        %add3A_1001 = arith.constant 48 : i32
        %add3A_1002 = arith.addi %add3A_1000, %add3A_1001 : i32
        %add3A_1003 = vector.broadcast %add3A_1002 : i32 to vector<16xi32>
        %add3A_1004 = arith.addi %add3A_1003, %iota3A : vector<16xi32>
        %jit3A_1005 = arith.constant 200 : i32
        %eq3A_1006 = arith.constant 0 : i32
        %eq3A_1007 = arith.cmpi eq, %jit3A_1005, %eq3A_1006 : i32
        %jit3A_1008 = arith.constant 1 : i32
        %select_n3A_1009 = arith.select %eq3A_1007, %jit3A_1008, %jit3A_1005 : i32
        %rem3A_1010 = vector.broadcast %select_n3A_1009 : i32 to vector<16xi32>
        %rem3A_1011 = arith.remsi %add3A_1004, %rem3A_1010 : vector<16xi32>
        %ne3A_1012 = arith.constant 0 : i32
        %ne3A_1013 = vector.broadcast %ne3A_1012 : i32 to vector<16xi32>
        %ne3A_1014 = arith.cmpi ne, %rem3A_1011, %ne3A_1013 : vector<16xi32>
        %lt3A_1015 = arith.constant 0 : i32
        %lt3A_1016 = vector.broadcast %lt3A_1015 : i32 to vector<16xi32>
        %lt3A_1017 = arith.cmpi slt, %rem3A_1011, %lt3A_1016 : vector<16xi32>
        %lt3A_1018 = arith.constant 0 : i32
        %lt3A_1019 = arith.cmpi slt, %select_n3A_1009, %lt3A_1018 : i32
        %ne3A_1020 = vector.broadcast %lt3A_1019 : i1 to vector<16xi1>
        %ne3A_1021 = vector.broadcast %ne3A_1020 : vector<16xi1> to vector<16xi1>
        %ne3A_1022 = arith.xori %lt3A_1017, %ne3A_1021 : vector<16xi1>
        %and3A_1023 = arith.andi %ne3A_1022, %ne3A_1014 : vector<16xi1>
        %add3A_1024 = vector.broadcast %select_n3A_1009 : i32 to vector<16xi32>
        %add3A_1025 = arith.addi %rem3A_1011, %add3A_1024 : vector<16xi32>
        %select_n3A_1026 = arith.select %and3A_1023, %add3A_1025, %rem3A_1011 : vector<16xi1>, vector<16xi32>
        %mul3A_1027 = arith.constant 3 : i32
        %mul3A_1028 = vector.broadcast %mul3A_1027 : i32 to vector<16xi32>
        %mul3A_1029 = arith.muli %select_n3A_1026, %mul3A_1028 : vector<16xi32>
        %get3A_1030 = arith.index_cast %add3A_997 : i32 to index
        %get3A_1031 = tpu.vector_load %arg8[%get3A_1030] {strides = array<i32>} : memref<6400xi32, #tpu.memory_space<vmem>>, vector<16xi32>,
        %get3A_1032 = vector.shape_cast %get3A_1031 : vector<16xi32> to vector<16xi32>
        %add3A_1033 = arith.addi %mul3A_1029, %get3A_1032 : vector<16xi32>
        %swap3A_1034 = arith.index_cast %add3A_997 : i32 to index
        %swap3A_1035 = tpu.vector_load %arg8[%swap3A_1034] {strides = array<i32>} : memref<6400xi32, #tpu.memory_space<vmem>>, vector<16xi32>,
        %swap3A_1036 = vector.shape_cast %swap3A_1035 : vector<16xi32> to vector<16xi32>
        %swap3A_1037 = vector.shape_cast %add3A_1033 : vector<16xi32> to vector<16xi32>
        tpu.vector_store %arg8[%swap3A_1034], %swap3A_1037 {strides = array<i32>} : memref<6400xi32, #tpu.memory_space<vmem>>, vector<16xi32>,
        %mul3A_1038 = arith.constant 128 : i32
        %mul3A_1039 = arith.muli %add3A_839, %mul3A_1038 : i32
        %add3A_1040 = arith.constant 64 : i32
        %add3A_1041 = arith.addi %mul3A_1039, %add3A_1040 : i32
        %mul3A_1042 = arith.constant 128 : i32
        %mul3A_1043 = arith.muli %add3A_839, %mul3A_1042 : i32
        %add3A_1044 = arith.addi %mul3A_2, %mul3A_1043 : i32
        %add3A_1045 = arith.constant 64 : i32
        %add3A_1046 = arith.addi %add3A_1044, %add3A_1045 : i32
        %add3A_1047 = vector.broadcast %add3A_1046 : i32 to vector<16xi32>
        %add3A_1048 = arith.addi %add3A_1047, %iota3A : vector<16xi32>
        %jit3A_1049 = arith.constant 200 : i32
        %eq3A_1050 = arith.constant 0 : i32
        %eq3A_1051 = arith.cmpi eq, %jit3A_1049, %eq3A_1050 : i32
        %jit3A_1052 = arith.constant 1 : i32
        %select_n3A_1053 = arith.select %eq3A_1051, %jit3A_1052, %jit3A_1049 : i32
        %rem3A_1054 = vector.broadcast %select_n3A_1053 : i32 to vector<16xi32>
        %rem3A_1055 = arith.remsi %add3A_1048, %rem3A_1054 : vector<16xi32>
        %ne3A_1056 = arith.constant 0 : i32
        %ne3A_1057 = vector.broadcast %ne3A_1056 : i32 to vector<16xi32>
        %ne3A_1058 = arith.cmpi ne, %rem3A_1055, %ne3A_1057 : vector<16xi32>
        %lt3A_1059 = arith.constant 0 : i32
        %lt3A_1060 = vector.broadcast %lt3A_1059 : i32 to vector<16xi32>
        %lt3A_1061 = arith.cmpi slt, %rem3A_1055, %lt3A_1060 : vector<16xi32>
        %lt3A_1062 = arith.constant 0 : i32
        %lt3A_1063 = arith.cmpi slt, %select_n3A_1053, %lt3A_1062 : i32
        %ne3A_1064 = vector.broadcast %lt3A_1063 : i1 to vector<16xi1>
        %ne3A_1065 = vector.broadcast %ne3A_1064 : vector<16xi1> to vector<16xi1>
        %ne3A_1066 = arith.xori %lt3A_1061, %ne3A_1065 : vector<16xi1>
        %and3A_1067 = arith.andi %ne3A_1066, %ne3A_1058 : vector<16xi1>
        %add3A_1068 = vector.broadcast %select_n3A_1053 : i32 to vector<16xi32>
        %add3A_1069 = arith.addi %rem3A_1055, %add3A_1068 : vector<16xi32>
        %select_n3A_1070 = arith.select %and3A_1067, %add3A_1069, %rem3A_1055 : vector<16xi1>, vector<16xi32>
        %mul3A_1071 = arith.constant 3 : i32
        %mul3A_1072 = vector.broadcast %mul3A_1071 : i32 to vector<16xi32>
        %mul3A_1073 = arith.muli %select_n3A_1070, %mul3A_1072 : vector<16xi32>
        %get3A_1074 = arith.index_cast %add3A_1041 : i32 to index
        %get3A_1075 = tpu.vector_load %arg8[%get3A_1074] {strides = array<i32>} : memref<6400xi32, #tpu.memory_space<vmem>>, vector<16xi32>,
        %get3A_1076 = vector.shape_cast %get3A_1075 : vector<16xi32> to vector<16xi32>
        %add3A_1077 = arith.addi %mul3A_1073, %get3A_1076 : vector<16xi32>
        %swap3A_1078 = arith.index_cast %add3A_1041 : i32 to index
        %swap3A_1079 = tpu.vector_load %arg8[%swap3A_1078] {strides = array<i32>} : memref<6400xi32, #tpu.memory_space<vmem>>, vector<16xi32>,
        %swap3A_1080 = vector.shape_cast %swap3A_1079 : vector<16xi32> to vector<16xi32>
        %swap3A_1081 = vector.shape_cast %add3A_1077 : vector<16xi32> to vector<16xi32>
        tpu.vector_store %arg8[%swap3A_1078], %swap3A_1081 {strides = array<i32>} : memref<6400xi32, #tpu.memory_space<vmem>>, vector<16xi32>,
        %mul3A_1082 = arith.constant 128 : i32
        %mul3A_1083 = arith.muli %add3A_839, %mul3A_1082 : i32
        %add3A_1084 = arith.constant 80 : i32
        %add3A_1085 = arith.addi %mul3A_1083, %add3A_1084 : i32
        %mul3A_1086 = arith.constant 128 : i32
        %mul3A_1087 = arith.muli %add3A_839, %mul3A_1086 : i32
        %add3A_1088 = arith.addi %mul3A_2, %mul3A_1087 : i32
        %add3A_1089 = arith.constant 80 : i32
        %add3A_1090 = arith.addi %add3A_1088, %add3A_1089 : i32
        %add3A_1091 = vector.broadcast %add3A_1090 : i32 to vector<16xi32>
        %add3A_1092 = arith.addi %add3A_1091, %iota3A : vector<16xi32>
        %jit3A_1093 = arith.constant 200 : i32
        %eq3A_1094 = arith.constant 0 : i32
        %eq3A_1095 = arith.cmpi eq, %jit3A_1093, %eq3A_1094 : i32
        %jit3A_1096 = arith.constant 1 : i32
        %select_n3A_1097 = arith.select %eq3A_1095, %jit3A_1096, %jit3A_1093 : i32
        %rem3A_1098 = vector.broadcast %select_n3A_1097 : i32 to vector<16xi32>
        %rem3A_1099 = arith.remsi %add3A_1092, %rem3A_1098 : vector<16xi32>
        %ne3A_1100 = arith.constant 0 : i32
        %ne3A_1101 = vector.broadcast %ne3A_1100 : i32 to vector<16xi32>
        %ne3A_1102 = arith.cmpi ne, %rem3A_1099, %ne3A_1101 : vector<16xi32>
        %lt3A_1103 = arith.constant 0 : i32
        %lt3A_1104 = vector.broadcast %lt3A_1103 : i32 to vector<16xi32>
        %lt3A_1105 = arith.cmpi slt, %rem3A_1099, %lt3A_1104 : vector<16xi32>
        %lt3A_1106 = arith.constant 0 : i32
        %lt3A_1107 = arith.cmpi slt, %select_n3A_1097, %lt3A_1106 : i32
        %ne3A_1108 = vector.broadcast %lt3A_1107 : i1 to vector<16xi1>
        %ne3A_1109 = vector.broadcast %ne3A_1108 : vector<16xi1> to vector<16xi1>
        %ne3A_1110 = arith.xori %lt3A_1105, %ne3A_1109 : vector<16xi1>
        %and3A_1111 = arith.andi %ne3A_1110, %ne3A_1102 : vector<16xi1>
        %add3A_1112 = vector.broadcast %select_n3A_1097 : i32 to vector<16xi32>
        %add3A_1113 = arith.addi %rem3A_1099, %add3A_1112 : vector<16xi32>
        %select_n3A_1114 = arith.select %and3A_1111, %add3A_1113, %rem3A_1099 : vector<16xi1>, vector<16xi32>
        %mul3A_1115 = arith.constant 3 : i32
        %mul3A_1116 = vector.broadcast %mul3A_1115 : i32 to vector<16xi32>
        %mul3A_1117 = arith.muli %select_n3A_1114, %mul3A_1116 : vector<16xi32>
        %get3A_1118 = arith.index_cast %add3A_1085 : i32 to index
        %get3A_1119 = tpu.vector_load %arg8[%get3A_1118] {strides = array<i32>} : memref<6400xi32, #tpu.memory_space<vmem>>, vector<16xi32>,
        %get3A_1120 = vector.shape_cast %get3A_1119 : vector<16xi32> to vector<16xi32>
        %add3A_1121 = arith.addi %mul3A_1117, %get3A_1120 : vector<16xi32>
        %swap3A_1122 = arith.index_cast %add3A_1085 : i32 to index
        %swap3A_1123 = tpu.vector_load %arg8[%swap3A_1122] {strides = array<i32>} : memref<6400xi32, #tpu.memory_space<vmem>>, vector<16xi32>,
        %swap3A_1124 = vector.shape_cast %swap3A_1123 : vector<16xi32> to vector<16xi32>
        %swap3A_1125 = vector.shape_cast %add3A_1121 : vector<16xi32> to vector<16xi32>
        tpu.vector_store %arg8[%swap3A_1122], %swap3A_1125 {strides = array<i32>} : memref<6400xi32, #tpu.memory_space<vmem>>, vector<16xi32>,
        %mul3A_1126 = arith.constant 128 : i32
        %mul3A_1127 = arith.muli %add3A_839, %mul3A_1126 : i32
        %add3A_1128 = arith.constant 96 : i32
        %add3A_1129 = arith.addi %mul3A_1127, %add3A_1128 : i32
        %mul3A_1130 = arith.constant 128 : i32
        %mul3A_1131 = arith.muli %add3A_839, %mul3A_1130 : i32
        %add3A_1132 = arith.addi %mul3A_2, %mul3A_1131 : i32
        %add3A_1133 = arith.constant 96 : i32
        %add3A_1134 = arith.addi %add3A_1132, %add3A_1133 : i32
        %add3A_1135 = vector.broadcast %add3A_1134 : i32 to vector<16xi32>
        %add3A_1136 = arith.addi %add3A_1135, %iota3A : vector<16xi32>
        %jit3A_1137 = arith.constant 200 : i32
        %eq3A_1138 = arith.constant 0 : i32
        %eq3A_1139 = arith.cmpi eq, %jit3A_1137, %eq3A_1138 : i32
        %jit3A_1140 = arith.constant 1 : i32
        %select_n3A_1141 = arith.select %eq3A_1139, %jit3A_1140, %jit3A_1137 : i32
        %rem3A_1142 = vector.broadcast %select_n3A_1141 : i32 to vector<16xi32>
        %rem3A_1143 = arith.remsi %add3A_1136, %rem3A_1142 : vector<16xi32>
        %ne3A_1144 = arith.constant 0 : i32
        %ne3A_1145 = vector.broadcast %ne3A_1144 : i32 to vector<16xi32>
        %ne3A_1146 = arith.cmpi ne, %rem3A_1143, %ne3A_1145 : vector<16xi32>
        %lt3A_1147 = arith.constant 0 : i32
        %lt3A_1148 = vector.broadcast %lt3A_1147 : i32 to vector<16xi32>
        %lt3A_1149 = arith.cmpi slt, %rem3A_1143, %lt3A_1148 : vector<16xi32>
        %lt3A_1150 = arith.constant 0 : i32
        %lt3A_1151 = arith.cmpi slt, %select_n3A_1141, %lt3A_1150 : i32
        %ne3A_1152 = vector.broadcast %lt3A_1151 : i1 to vector<16xi1>
        %ne3A_1153 = vector.broadcast %ne3A_1152 : vector<16xi1> to vector<16xi1>
        %ne3A_1154 = arith.xori %lt3A_1149, %ne3A_1153 : vector<16xi1>
        %and3A_1155 = arith.andi %ne3A_1154, %ne3A_1146 : vector<16xi1>
        %add3A_1156 = vector.broadcast %select_n3A_1141 : i32 to vector<16xi32>
        %add3A_1157 = arith.addi %rem3A_1143, %add3A_1156 : vector<16xi32>
        %select_n3A_1158 = arith.select %and3A_1155, %add3A_1157, %rem3A_1143 : vector<16xi1>, vector<16xi32>
        %mul3A_1159 = arith.constant 3 : i32
        %mul3A_1160 = vector.broadcast %mul3A_1159 : i32 to vector<16xi32>
        %mul3A_1161 = arith.muli %select_n3A_1158, %mul3A_1160 : vector<16xi32>
        %get3A_1162 = arith.index_cast %add3A_1129 : i32 to index
        %get3A_1163 = tpu.vector_load %arg8[%get3A_1162] {strides = array<i32>} : memref<6400xi32, #tpu.memory_space<vmem>>, vector<16xi32>,
        %get3A_1164 = vector.shape_cast %get3A_1163 : vector<16xi32> to vector<16xi32>
        %add3A_1165 = arith.addi %mul3A_1161, %get3A_1164 : vector<16xi32>
        %swap3A_1166 = arith.index_cast %add3A_1129 : i32 to index
        %swap3A_1167 = tpu.vector_load %arg8[%swap3A_1166] {strides = array<i32>} : memref<6400xi32, #tpu.memory_space<vmem>>, vector<16xi32>,
        %swap3A_1168 = vector.shape_cast %swap3A_1167 : vector<16xi32> to vector<16xi32>
        %swap3A_1169 = vector.shape_cast %add3A_1165 : vector<16xi32> to vector<16xi32>
        tpu.vector_store %arg8[%swap3A_1166], %swap3A_1169 {strides = array<i32>} : memref<6400xi32, #tpu.memory_space<vmem>>, vector<16xi32>,
        %mul3A_1170 = arith.constant 128 : i32
        %mul3A_1171 = arith.muli %add3A_839, %mul3A_1170 : i32
        %add3A_1172 = arith.constant 112 : i32
        %add3A_1173 = arith.addi %mul3A_1171, %add3A_1172 : i32
        %mul3A_1174 = arith.constant 128 : i32
        %mul3A_1175 = arith.muli %add3A_839, %mul3A_1174 : i32
        %add3A_1176 = arith.addi %mul3A_2, %mul3A_1175 : i32
        %add3A_1177 = arith.constant 112 : i32
        %add3A_1178 = arith.addi %add3A_1176, %add3A_1177 : i32
        %add3A_1179 = vector.broadcast %add3A_1178 : i32 to vector<16xi32>
        %add3A_1180 = arith.addi %add3A_1179, %iota3A : vector<16xi32>
        %jit3A_1181 = arith.constant 200 : i32
        %eq3A_1182 = arith.constant 0 : i32
        %eq3A_1183 = arith.cmpi eq, %jit3A_1181, %eq3A_1182 : i32
        %jit3A_1184 = arith.constant 1 : i32
        %select_n3A_1185 = arith.select %eq3A_1183, %jit3A_1184, %jit3A_1181 : i32
        %rem3A_1186 = vector.broadcast %select_n3A_1185 : i32 to vector<16xi32>
        %rem3A_1187 = arith.remsi %add3A_1180, %rem3A_1186 : vector<16xi32>
        %ne3A_1188 = arith.constant 0 : i32
        %ne3A_1189 = vector.broadcast %ne3A_1188 : i32 to vector<16xi32>
        %ne3A_1190 = arith.cmpi ne, %rem3A_1187, %ne3A_1189 : vector<16xi32>
        %lt3A_1191 = arith.constant 0 : i32
        %lt3A_1192 = vector.broadcast %lt3A_1191 : i32 to vector<16xi32>
        %lt3A_1193 = arith.cmpi slt, %rem3A_1187, %lt3A_1192 : vector<16xi32>
        %lt3A_1194 = arith.constant 0 : i32
        %lt3A_1195 = arith.cmpi slt, %select_n3A_1185, %lt3A_1194 : i32
        %ne3A_1196 = vector.broadcast %lt3A_1195 : i1 to vector<16xi1>
        %ne3A_1197 = vector.broadcast %ne3A_1196 : vector<16xi1> to vector<16xi1>
        %ne3A_1198 = arith.xori %lt3A_1193, %ne3A_1197 : vector<16xi1>
        %and3A_1199 = arith.andi %ne3A_1198, %ne3A_1190 : vector<16xi1>
        %add3A_1200 = vector.broadcast %select_n3A_1185 : i32 to vector<16xi32>
        %add3A_1201 = arith.addi %rem3A_1187, %add3A_1200 : vector<16xi32>
        %select_n3A_1202 = arith.select %and3A_1199, %add3A_1201, %rem3A_1187 : vector<16xi1>, vector<16xi32>
        %mul3A_1203 = arith.constant 3 : i32
        %mul3A_1204 = vector.broadcast %mul3A_1203 : i32 to vector<16xi32>
        %mul3A_1205 = arith.muli %select_n3A_1202, %mul3A_1204 : vector<16xi32>
        %get3A_1206 = arith.index_cast %add3A_1173 : i32 to index
        %get3A_1207 = tpu.vector_load %arg8[%get3A_1206] {strides = array<i32>} : memref<6400xi32, #tpu.memory_space<vmem>>, vector<16xi32>,
        %get3A_1208 = vector.shape_cast %get3A_1207 : vector<16xi32> to vector<16xi32>
        %add3A_1209 = arith.addi %mul3A_1205, %get3A_1208 : vector<16xi32>
        %swap3A_1210 = arith.index_cast %add3A_1173 : i32 to index
        %swap3A_1211 = tpu.vector_load %arg8[%swap3A_1210] {strides = array<i32>} : memref<6400xi32, #tpu.memory_space<vmem>>, vector<16xi32>,
        %swap3A_1212 = vector.shape_cast %swap3A_1211 : vector<16xi32> to vector<16xi32>
        %swap3A_1213 = vector.shape_cast %add3A_1209 : vector<16xi32> to vector<16xi32>
        tpu.vector_store %arg8[%swap3A_1210], %swap3A_1213 {strides = array<i32>} : memref<6400xi32, #tpu.memory_space<vmem>>, vector<16xi32>,
        %dma_start3A_1214 = tpu.memref_slice %arg8[%mul3A_841] : memref<6400xi32, #tpu.memory_space<vmem>> -> memref<128xi32, #tpu.memory_space<vmem>>
        %dma_start3A_1215 = arith.constant 0 : i32
        %dma_start3A_1216 = arith.constant 0 : i32
        %dma_start3A_1217 = tpu.memref_slice %arg21[%dma_start3A_1215, %dma_start3A_1216] : memref<600x128xf32, #tpu.memory_space<vmem_shared>> -> memref<600x128xf32, #tpu.memory_space<vmem_shared>>
        tpu.enqueue_indirect_dma source(%dma_start3A_1217 : memref<600x128xf32, #tpu.memory_space<vmem_shared>>) target(%arg11 : memref<128x128xf32, #tpu.memory_space<vmem>>) offsets(%dma_start3A_1214 : memref<128xi32, #tpu.memory_space<vmem>>) semaphore(%arg17 : memref<!tpu.dma_semaphore, #tpu.memory_space<semaphore_mem>>)
      } else {
      }
      %mul3A_762 = arith.constant 2 : i32
      %mul3A_763 = arith.muli %mul3A_762, %scan3A_687 : i32
      %add3A_764 = arith.constant 1 : i32
      %add3A_765 = arith.addi %mul3A_763, %add3A_764 : i32
      %mul3A_766 = arith.constant 128 : i32
      %mul3A_767 = arith.muli %add3A_765, %mul3A_766 : i32
      %add3A_768 = arith.addi %mul3A_2, %mul3A_767 : i32
      %mul3A_769 = arith.constant 128 : i32
      %mul3A_770 = arith.muli %add3A_765, %mul3A_769 : i32
      %mul3A_771 = arith.constant 128 : i32
      %mul3A_772 = arith.muli %add3A_765, %mul3A_771 : i32
      %mul3A_773 = arith.constant 128 : i32
      %mul3A_774 = arith.muli %add3A_765, %mul3A_773 : i32
      %add3A_775 = arith.constant 64 : i32
      %add3A_776 = arith.addi %mul3A_774, %add3A_775 : i32
      %dma_wait3A_777 = arith.constant 0 : i32
      %dma_wait3A_778 = arith.constant 0 : i32
      %dma_wait3A_779 = tpu.memref_slice %arg10[%dma_wait3A_777, %dma_wait3A_778] : memref<128x128xf32, #tpu.memory_space<vmem>> -> memref<64x128xf32, #tpu.memory_space<vmem>>
      %dma_wait3A_780 = tpu.memref_slice %arg7[%mul3A_772] : memref<6400xi32, #tpu.memory_space<vmem>> -> memref<64xi32, #tpu.memory_space<vmem>>
      %dma_wait3A_781 = arith.constant 0 : i32
      %dma_wait3A_782 = arith.constant 0 : i32
      %dma_wait3A_783 = tpu.memref_slice %arg2[%dma_wait3A_781, %dma_wait3A_782] : memref<100000x128xf32, #tpu.memory_space<hbm>> -> memref<100000x128xf32, #tpu.memory_space<hbm>>
      tpu.wait_indirect_dma semaphore(%arg16 : memref<!tpu.dma_semaphore, #tpu.memory_space<semaphore_mem>>) src(%dma_wait3A_783 : memref<100000x128xf32, #tpu.memory_space<hbm>>) dst(%dma_wait3A_779 : memref<64x128xf32, #tpu.memory_space<vmem>>)
      %dma_wait3A_784 = arith.constant 64 : i32
      %dma_wait3A_785 = arith.constant 0 : i32
      %dma_wait3A_786 = tpu.memref_slice %arg10[%dma_wait3A_784, %dma_wait3A_785] : memref<128x128xf32, #tpu.memory_space<vmem>> -> memref<64x128xf32, #tpu.memory_space<vmem>>
      %dma_wait3A_787 = tpu.memref_slice %arg7[%add3A_776] : memref<6400xi32, #tpu.memory_space<vmem>> -> memref<64xi32, #tpu.memory_space<vmem>>
      %dma_wait3A_788 = arith.constant 0 : i32
      %dma_wait3A_789 = arith.constant 0 : i32
      %dma_wait3A_790 = tpu.memref_slice %arg2[%dma_wait3A_788, %dma_wait3A_789] : memref<100000x128xf32, #tpu.memory_space<hbm>> -> memref<100000x128xf32, #tpu.memory_space<hbm>>
      tpu.wait_indirect_dma semaphore(%arg16 : memref<!tpu.dma_semaphore, #tpu.memory_space<semaphore_mem>>) src(%dma_wait3A_790 : memref<100000x128xf32, #tpu.memory_space<hbm>>) dst(%dma_wait3A_786 : memref<64x128xf32, #tpu.memory_space<vmem>>)
      %dma_wait3A_791 = tpu.memref_slice %arg8[%mul3A_770] : memref<6400xi32, #tpu.memory_space<vmem>> -> memref<128xi32, #tpu.memory_space<vmem>>
      %dma_wait3A_792 = arith.constant 0 : i32
      %dma_wait3A_793 = arith.constant 0 : i32
      %dma_wait3A_794 = tpu.memref_slice %arg21[%dma_wait3A_792, %dma_wait3A_793] : memref<600x128xf32, #tpu.memory_space<vmem_shared>> -> memref<600x128xf32, #tpu.memory_space<vmem_shared>>
      tpu.wait_indirect_dma semaphore(%arg18 : memref<!tpu.dma_semaphore, #tpu.memory_space<semaphore_mem>>) src(%dma_wait3A_794 : memref<600x128xf32, #tpu.memory_space<vmem_shared>>) dst(%arg12 : memref<128x128xf32, #tpu.memory_space<vmem>>)
      %ge3A_795 = arith.constant 2 : i32
      %ge3A_796 = arith.cmpi sge, %add3A_765, %ge3A_795 : i32
      %convert_element_type3A_797 = arith.extui %ge3A_796 : i1 to i32
      %cond3A_798 = arith.constant 0 : i32
      %cond3A_799 = arith.cmpi ne, %convert_element_type3A_797, %cond3A_798 : i32
      scf.if %cond3A_799 {
        %sub3A = arith.constant 256 : i32
        %sub3A_838 = arith.subi %add3A_768, %sub3A : i32
        %dma_wait3A_839 = arith.constant 0 : i32
        %dma_wait3A_840 = tpu.memref_slice %arg6[%sub3A_838, %dma_wait3A_839] : memref<204800x128xf32, #tpu.memory_space<hbm>> -> memref<128x128xf32, #tpu.memory_space<hbm>>
        %dma_wait3A_841 = arith.constant 0 : i32
        %dma_wait3A_842 = tpu.memref_slice %arg6[%sub3A_838, %dma_wait3A_841] : memref<204800x128xf32, #tpu.memory_space<hbm>> -> memref<128x128xf32, #tpu.memory_space<hbm>>
        tpu.wait_dma2 semaphore(%arg20 : memref<!tpu.dma_semaphore, #tpu.memory_space<semaphore_mem>>) src(%arg14 : memref<128x128xf32, #tpu.memory_space<vmem>>) dst(%dma_wait3A_842 : memref<128x128xf32, #tpu.memory_space<hbm>>)
      } else {
      }
      %parallel_loop3A_800 = arith.constant 0 : i32
      %parallel_loop3A_801 = arith.constant 64 : i32
      %parallel_loop3A_802 = arith.constant 1 : i32
      scf.for %parallel_loop3A_838 = %parallel_loop3A_800 to %parallel_loop3A_801 step %parallel_loop3A_802  : i32 {
        %parallel_loop3A_839 = arith.index_cast %parallel_loop3A_838 : i32 to index
        %parallel_loop3A_840 = arith.constant 0 : index
        %parallel_loop3A_841 = tpu.vector_load %arg10[%parallel_loop3A_839, %parallel_loop3A_840] {strides = array<i32>} : memref<128x128xf32, #tpu.memory_space<vmem>>, vector<1x16xf32>,
        %parallel_loop3A_842 = vector.shape_cast %parallel_loop3A_841 : vector<1x16xf32> to vector<16xf32>
        %parallel_loop3A_843 = arith.index_cast %parallel_loop3A_838 : i32 to index
        %parallel_loop3A_844 = arith.constant 0 : index
        %parallel_loop3A_845 = tpu.vector_load %arg12[%parallel_loop3A_843, %parallel_loop3A_844] {strides = array<i32>} : memref<128x128xf32, #tpu.memory_space<vmem>>, vector<1x16xf32>,
        %parallel_loop3A_846 = vector.shape_cast %parallel_loop3A_845 : vector<1x16xf32> to vector<16xf32>
        %parallel_loop3A_847 = arith.addf %parallel_loop3A_842, %parallel_loop3A_846 : vector<16xf32>
        %parallel_loop3A_848 = arith.index_cast %parallel_loop3A_838 : i32 to index
        %parallel_loop3A_849 = arith.constant 0 : index
        %parallel_loop3A_850 = tpu.vector_load %arg14[%parallel_loop3A_848, %parallel_loop3A_849] {strides = array<i32>} : memref<128x128xf32, #tpu.memory_space<vmem>>, vector<1x16xf32>,
        %parallel_loop3A_851 = vector.shape_cast %parallel_loop3A_850 : vector<1x16xf32> to vector<16xf32>
        %parallel_loop3A_852 = vector.shape_cast %parallel_loop3A_847 : vector<16xf32> to vector<1x16xf32>
        tpu.vector_store %arg14[%parallel_loop3A_848, %parallel_loop3A_849], %parallel_loop3A_852 {strides = array<i32>} : memref<128x128xf32, #tpu.memory_space<vmem>>, vector<1x16xf32>,
        %parallel_loop3A_853 = arith.index_cast %parallel_loop3A_838 : i32 to index
        %parallel_loop3A_854 = arith.constant 16 : index
        %parallel_loop3A_855 = tpu.vector_load %arg10[%parallel_loop3A_853, %parallel_loop3A_854] {strides = array<i32>} : memref<128x128xf32, #tpu.memory_space<vmem>>, vector<1x16xf32>,
        %parallel_loop3A_856 = vector.shape_cast %parallel_loop3A_855 : vector<1x16xf32> to vector<16xf32>
        %parallel_loop3A_857 = arith.index_cast %parallel_loop3A_838 : i32 to index
        %parallel_loop3A_858 = arith.constant 16 : index
        %parallel_loop3A_859 = tpu.vector_load %arg12[%parallel_loop3A_857, %parallel_loop3A_858] {strides = array<i32>} : memref<128x128xf32, #tpu.memory_space<vmem>>, vector<1x16xf32>,
        %parallel_loop3A_860 = vector.shape_cast %parallel_loop3A_859 : vector<1x16xf32> to vector<16xf32>
        %parallel_loop3A_861 = arith.addf %parallel_loop3A_856, %parallel_loop3A_860 : vector<16xf32>
        %parallel_loop3A_862 = arith.index_cast %parallel_loop3A_838 : i32 to index
        %parallel_loop3A_863 = arith.constant 16 : index
        %parallel_loop3A_864 = tpu.vector_load %arg14[%parallel_loop3A_862, %parallel_loop3A_863] {strides = array<i32>} : memref<128x128xf32, #tpu.memory_space<vmem>>, vector<1x16xf32>,
        %parallel_loop3A_865 = vector.shape_cast %parallel_loop3A_864 : vector<1x16xf32> to vector<16xf32>
        %parallel_loop3A_866 = vector.shape_cast %parallel_loop3A_861 : vector<16xf32> to vector<1x16xf32>
        tpu.vector_store %arg14[%parallel_loop3A_862, %parallel_loop3A_863], %parallel_loop3A_866 {strides = array<i32>} : memref<128x128xf32, #tpu.memory_space<vmem>>, vector<1x16xf32>,
        %parallel_loop3A_867 = arith.index_cast %parallel_loop3A_838 : i32 to index
        %parallel_loop3A_868 = arith.constant 32 : index
        %parallel_loop3A_869 = tpu.vector_load %arg10[%parallel_loop3A_867, %parallel_loop3A_868] {strides = array<i32>} : memref<128x128xf32, #tpu.memory_space<vmem>>, vector<1x16xf32>,
        %parallel_loop3A_870 = vector.shape_cast %parallel_loop3A_869 : vector<1x16xf32> to vector<16xf32>
        %parallel_loop3A_871 = arith.index_cast %parallel_loop3A_838 : i32 to index
        %parallel_loop3A_872 = arith.constant 32 : index
        %parallel_loop3A_873 = tpu.vector_load %arg12[%parallel_loop3A_871, %parallel_loop3A_872] {strides = array<i32>} : memref<128x128xf32, #tpu.memory_space<vmem>>, vector<1x16xf32>,
        %parallel_loop3A_874 = vector.shape_cast %parallel_loop3A_873 : vector<1x16xf32> to vector<16xf32>
        %parallel_loop3A_875 = arith.addf %parallel_loop3A_870, %parallel_loop3A_874 : vector<16xf32>
        %parallel_loop3A_876 = arith.index_cast %parallel_loop3A_838 : i32 to index
        %parallel_loop3A_877 = arith.constant 32 : index
        %parallel_loop3A_878 = tpu.vector_load %arg14[%parallel_loop3A_876, %parallel_loop3A_877] {strides = array<i32>} : memref<128x128xf32, #tpu.memory_space<vmem>>, vector<1x16xf32>,
        %parallel_loop3A_879 = vector.shape_cast %parallel_loop3A_878 : vector<1x16xf32> to vector<16xf32>
        %parallel_loop3A_880 = vector.shape_cast %parallel_loop3A_875 : vector<16xf32> to vector<1x16xf32>
        tpu.vector_store %arg14[%parallel_loop3A_876, %parallel_loop3A_877], %parallel_loop3A_880 {strides = array<i32>} : memref<128x128xf32, #tpu.memory_space<vmem>>, vector<1x16xf32>,
        %parallel_loop3A_881 = arith.index_cast %parallel_loop3A_838 : i32 to index
        %parallel_loop3A_882 = arith.constant 48 : index
        %parallel_loop3A_883 = tpu.vector_load %arg10[%parallel_loop3A_881, %parallel_loop3A_882] {strides = array<i32>} : memref<128x128xf32, #tpu.memory_space<vmem>>, vector<1x16xf32>,
        %parallel_loop3A_884 = vector.shape_cast %parallel_loop3A_883 : vector<1x16xf32> to vector<16xf32>
        %parallel_loop3A_885 = arith.index_cast %parallel_loop3A_838 : i32 to index
        %parallel_loop3A_886 = arith.constant 48 : index
        %parallel_loop3A_887 = tpu.vector_load %arg12[%parallel_loop3A_885, %parallel_loop3A_886] {strides = array<i32>} : memref<128x128xf32, #tpu.memory_space<vmem>>, vector<1x16xf32>,
        %parallel_loop3A_888 = vector.shape_cast %parallel_loop3A_887 : vector<1x16xf32> to vector<16xf32>
        %parallel_loop3A_889 = arith.addf %parallel_loop3A_884, %parallel_loop3A_888 : vector<16xf32>
        %parallel_loop3A_890 = arith.index_cast %parallel_loop3A_838 : i32 to index
        %parallel_loop3A_891 = arith.constant 48 : index
        %parallel_loop3A_892 = tpu.vector_load %arg14[%parallel_loop3A_890, %parallel_loop3A_891] {strides = array<i32>} : memref<128x128xf32, #tpu.memory_space<vmem>>, vector<1x16xf32>,
        %parallel_loop3A_893 = vector.shape_cast %parallel_loop3A_892 : vector<1x16xf32> to vector<16xf32>
        %parallel_loop3A_894 = vector.shape_cast %parallel_loop3A_889 : vector<16xf32> to vector<1x16xf32>
        tpu.vector_store %arg14[%parallel_loop3A_890, %parallel_loop3A_891], %parallel_loop3A_894 {strides = array<i32>} : memref<128x128xf32, #tpu.memory_space<vmem>>, vector<1x16xf32>,
        %parallel_loop3A_895 = arith.index_cast %parallel_loop3A_838 : i32 to index
        %parallel_loop3A_896 = arith.constant 64 : index
        %parallel_loop3A_897 = tpu.vector_load %arg10[%parallel_loop3A_895, %parallel_loop3A_896] {strides = array<i32>} : memref<128x128xf32, #tpu.memory_space<vmem>>, vector<1x16xf32>,
        %parallel_loop3A_898 = vector.shape_cast %parallel_loop3A_897 : vector<1x16xf32> to vector<16xf32>
        %parallel_loop3A_899 = arith.index_cast %parallel_loop3A_838 : i32 to index
        %parallel_loop3A_900 = arith.constant 64 : index
        %parallel_loop3A_901 = tpu.vector_load %arg12[%parallel_loop3A_899, %parallel_loop3A_900] {strides = array<i32>} : memref<128x128xf32, #tpu.memory_space<vmem>>, vector<1x16xf32>,
        %parallel_loop3A_902 = vector.shape_cast %parallel_loop3A_901 : vector<1x16xf32> to vector<16xf32>
        %parallel_loop3A_903 = arith.addf %parallel_loop3A_898, %parallel_loop3A_902 : vector<16xf32>
        %parallel_loop3A_904 = arith.index_cast %parallel_loop3A_838 : i32 to index
        %parallel_loop3A_905 = arith.constant 64 : index
        %parallel_loop3A_906 = tpu.vector_load %arg14[%parallel_loop3A_904, %parallel_loop3A_905] {strides = array<i32>} : memref<128x128xf32, #tpu.memory_space<vmem>>, vector<1x16xf32>,
        %parallel_loop3A_907 = vector.shape_cast %parallel_loop3A_906 : vector<1x16xf32> to vector<16xf32>
        %parallel_loop3A_908 = vector.shape_cast %parallel_loop3A_903 : vector<16xf32> to vector<1x16xf32>
        tpu.vector_store %arg14[%parallel_loop3A_904, %parallel_loop3A_905], %parallel_loop3A_908 {strides = array<i32>} : memref<128x128xf32, #tpu.memory_space<vmem>>, vector<1x16xf32>,
        %parallel_loop3A_909 = arith.index_cast %parallel_loop3A_838 : i32 to index
        %parallel_loop3A_910 = arith.constant 80 : index
        %parallel_loop3A_911 = tpu.vector_load %arg10[%parallel_loop3A_909, %parallel_loop3A_910] {strides = array<i32>} : memref<128x128xf32, #tpu.memory_space<vmem>>, vector<1x16xf32>,
        %parallel_loop3A_912 = vector.shape_cast %parallel_loop3A_911 : vector<1x16xf32> to vector<16xf32>
        %parallel_loop3A_913 = arith.index_cast %parallel_loop3A_838 : i32 to index
        %parallel_loop3A_914 = arith.constant 80 : index
        %parallel_loop3A_915 = tpu.vector_load %arg12[%parallel_loop3A_913, %parallel_loop3A_914] {strides = array<i32>} : memref<128x128xf32, #tpu.memory_space<vmem>>, vector<1x16xf32>,
        %parallel_loop3A_916 = vector.shape_cast %parallel_loop3A_915 : vector<1x16xf32> to vector<16xf32>
        %parallel_loop3A_917 = arith.addf %parallel_loop3A_912, %parallel_loop3A_916 : vector<16xf32>
        %parallel_loop3A_918 = arith.index_cast %parallel_loop3A_838 : i32 to index
        %parallel_loop3A_919 = arith.constant 80 : index
        %parallel_loop3A_920 = tpu.vector_load %arg14[%parallel_loop3A_918, %parallel_loop3A_919] {strides = array<i32>} : memref<128x128xf32, #tpu.memory_space<vmem>>, vector<1x16xf32>,
        %parallel_loop3A_921 = vector.shape_cast %parallel_loop3A_920 : vector<1x16xf32> to vector<16xf32>
        %parallel_loop3A_922 = vector.shape_cast %parallel_loop3A_917 : vector<16xf32> to vector<1x16xf32>
        tpu.vector_store %arg14[%parallel_loop3A_918, %parallel_loop3A_919], %parallel_loop3A_922 {strides = array<i32>} : memref<128x128xf32, #tpu.memory_space<vmem>>, vector<1x16xf32>,
        %parallel_loop3A_923 = arith.index_cast %parallel_loop3A_838 : i32 to index
        %parallel_loop3A_924 = arith.constant 96 : index
        %parallel_loop3A_925 = tpu.vector_load %arg10[%parallel_loop3A_923, %parallel_loop3A_924] {strides = array<i32>} : memref<128x128xf32, #tpu.memory_space<vmem>>, vector<1x16xf32>,
        %parallel_loop3A_926 = vector.shape_cast %parallel_loop3A_925 : vector<1x16xf32> to vector<16xf32>
        %parallel_loop3A_927 = arith.index_cast %parallel_loop3A_838 : i32 to index
        %parallel_loop3A_928 = arith.constant 96 : index
        %parallel_loop3A_929 = tpu.vector_load %arg12[%parallel_loop3A_927, %parallel_loop3A_928] {strides = array<i32>} : memref<128x128xf32, #tpu.memory_space<vmem>>, vector<1x16xf32>,
        %parallel_loop3A_930 = vector.shape_cast %parallel_loop3A_929 : vector<1x16xf32> to vector<16xf32>
        %parallel_loop3A_931 = arith.addf %parallel_loop3A_926, %parallel_loop3A_930 : vector<16xf32>
        %parallel_loop3A_932 = arith.index_cast %parallel_loop3A_838 : i32 to index
        %parallel_loop3A_933 = arith.constant 96 : index
        %parallel_loop3A_934 = tpu.vector_load %arg14[%parallel_loop3A_932, %parallel_loop3A_933] {strides = array<i32>} : memref<128x128xf32, #tpu.memory_space<vmem>>, vector<1x16xf32>,
        %parallel_loop3A_935 = vector.shape_cast %parallel_loop3A_934 : vector<1x16xf32> to vector<16xf32>
        %parallel_loop3A_936 = vector.shape_cast %parallel_loop3A_931 : vector<16xf32> to vector<1x16xf32>
        tpu.vector_store %arg14[%parallel_loop3A_932, %parallel_loop3A_933], %parallel_loop3A_936 {strides = array<i32>} : memref<128x128xf32, #tpu.memory_space<vmem>>, vector<1x16xf32>,
        %parallel_loop3A_937 = arith.index_cast %parallel_loop3A_838 : i32 to index
        %parallel_loop3A_938 = arith.constant 112 : index
        %parallel_loop3A_939 = tpu.vector_load %arg10[%parallel_loop3A_937, %parallel_loop3A_938] {strides = array<i32>} : memref<128x128xf32, #tpu.memory_space<vmem>>, vector<1x16xf32>,
        %parallel_loop3A_940 = vector.shape_cast %parallel_loop3A_939 : vector<1x16xf32> to vector<16xf32>
        %parallel_loop3A_941 = arith.index_cast %parallel_loop3A_838 : i32 to index
        %parallel_loop3A_942 = arith.constant 112 : index
        %parallel_loop3A_943 = tpu.vector_load %arg12[%parallel_loop3A_941, %parallel_loop3A_942] {strides = array<i32>} : memref<128x128xf32, #tpu.memory_space<vmem>>, vector<1x16xf32>,
        %parallel_loop3A_944 = vector.shape_cast %parallel_loop3A_943 : vector<1x16xf32> to vector<16xf32>
        %parallel_loop3A_945 = arith.addf %parallel_loop3A_940, %parallel_loop3A_944 : vector<16xf32>
        %parallel_loop3A_946 = arith.index_cast %parallel_loop3A_838 : i32 to index
        %parallel_loop3A_947 = arith.constant 112 : index
        %parallel_loop3A_948 = tpu.vector_load %arg14[%parallel_loop3A_946, %parallel_loop3A_947] {strides = array<i32>} : memref<128x128xf32, #tpu.memory_space<vmem>>, vector<1x16xf32>,
        %parallel_loop3A_949 = vector.shape_cast %parallel_loop3A_948 : vector<1x16xf32> to vector<16xf32>
        %parallel_loop3A_950 = vector.shape_cast %parallel_loop3A_945 : vector<16xf32> to vector<1x16xf32>
        tpu.vector_store %arg14[%parallel_loop3A_946, %parallel_loop3A_947], %parallel_loop3A_950 {strides = array<i32>} : memref<128x128xf32, #tpu.memory_space<vmem>>, vector<1x16xf32>,
      } {sc.loop_unroll_factor = 1 : i64, sc.parallel_access}
      %add3A_803 = arith.constant 0 : i32
      %add3A_804 = arith.addi %add3A_768, %add3A_803 : i32
      %dma_start3A_805 = arith.constant 0 : i32
      %dma_start3A_806 = arith.constant 0 : i32
      %dma_start3A_807 = tpu.memref_slice %arg14[%dma_start3A_805, %dma_start3A_806] : memref<128x128xf32, #tpu.memory_space<vmem>> -> memref<64x128xf32, #tpu.memory_space<vmem>>
      %dma_start3A_808 = arith.constant 0 : i32
      %dma_start3A_809 = tpu.memref_slice %arg6[%add3A_804, %dma_start3A_808] : memref<204800x128xf32, #tpu.memory_space<hbm>> -> memref<64x128xf32, #tpu.memory_space<hbm>>
      %dma_start3A_810 = arith.constant 0 : i32
      %dma_start3A_811 = tpu.memref_slice %arg6[%add3A_804, %dma_start3A_810] : memref<204800x128xf32, #tpu.memory_space<hbm>> -> memref<64x128xf32, #tpu.memory_space<hbm>>
      %dma_start3A_812 = arith.constant 0 : i32
      %dma_start3A_813 = arith.constant 0 : i32
      %dma_start3A_814 = tpu.memref_slice %arg14[%dma_start3A_812, %dma_start3A_813] : memref<128x128xf32, #tpu.memory_space<vmem>> -> memref<64x128xf32, #tpu.memory_space<vmem>>
      tpu.enqueue_dma source(%dma_start3A_814 : memref<64x128xf32, #tpu.memory_space<vmem>>) target(%dma_start3A_811 : memref<64x128xf32, #tpu.memory_space<hbm>>) target_semaphore(%arg20 : memref<!tpu.dma_semaphore, #tpu.memory_space<semaphore_mem>>)
      %parallel_loop3A_815 = arith.constant 64 : i32
      %parallel_loop3A_816 = arith.constant 128 : i32
      %parallel_loop3A_817 = arith.constant 1 : i32
      scf.for %parallel_loop3A_838 = %parallel_loop3A_815 to %parallel_loop3A_816 step %parallel_loop3A_817  : i32 {
        %parallel_loop3A_839 = arith.index_cast %parallel_loop3A_838 : i32 to index
        %parallel_loop3A_840 = arith.constant 0 : index
        %parallel_loop3A_841 = tpu.vector_load %arg10[%parallel_loop3A_839, %parallel_loop3A_840] {strides = array<i32>} : memref<128x128xf32, #tpu.memory_space<vmem>>, vector<1x16xf32>,
        %parallel_loop3A_842 = vector.shape_cast %parallel_loop3A_841 : vector<1x16xf32> to vector<16xf32>
        %parallel_loop3A_843 = arith.index_cast %parallel_loop3A_838 : i32 to index
        %parallel_loop3A_844 = arith.constant 0 : index
        %parallel_loop3A_845 = tpu.vector_load %arg12[%parallel_loop3A_843, %parallel_loop3A_844] {strides = array<i32>} : memref<128x128xf32, #tpu.memory_space<vmem>>, vector<1x16xf32>,
        %parallel_loop3A_846 = vector.shape_cast %parallel_loop3A_845 : vector<1x16xf32> to vector<16xf32>
        %parallel_loop3A_847 = arith.addf %parallel_loop3A_842, %parallel_loop3A_846 : vector<16xf32>
        %parallel_loop3A_848 = arith.index_cast %parallel_loop3A_838 : i32 to index
        %parallel_loop3A_849 = arith.constant 0 : index
        %parallel_loop3A_850 = tpu.vector_load %arg14[%parallel_loop3A_848, %parallel_loop3A_849] {strides = array<i32>} : memref<128x128xf32, #tpu.memory_space<vmem>>, vector<1x16xf32>,
        %parallel_loop3A_851 = vector.shape_cast %parallel_loop3A_850 : vector<1x16xf32> to vector<16xf32>
        %parallel_loop3A_852 = vector.shape_cast %parallel_loop3A_847 : vector<16xf32> to vector<1x16xf32>
        tpu.vector_store %arg14[%parallel_loop3A_848, %parallel_loop3A_849], %parallel_loop3A_852 {strides = array<i32>} : memref<128x128xf32, #tpu.memory_space<vmem>>, vector<1x16xf32>,
        %parallel_loop3A_853 = arith.index_cast %parallel_loop3A_838 : i32 to index
        %parallel_loop3A_854 = arith.constant 16 : index
        %parallel_loop3A_855 = tpu.vector_load %arg10[%parallel_loop3A_853, %parallel_loop3A_854] {strides = array<i32>} : memref<128x128xf32, #tpu.memory_space<vmem>>, vector<1x16xf32>,
        %parallel_loop3A_856 = vector.shape_cast %parallel_loop3A_855 : vector<1x16xf32> to vector<16xf32>
        %parallel_loop3A_857 = arith.index_cast %parallel_loop3A_838 : i32 to index
        %parallel_loop3A_858 = arith.constant 16 : index
        %parallel_loop3A_859 = tpu.vector_load %arg12[%parallel_loop3A_857, %parallel_loop3A_858] {strides = array<i32>} : memref<128x128xf32, #tpu.memory_space<vmem>>, vector<1x16xf32>,
        %parallel_loop3A_860 = vector.shape_cast %parallel_loop3A_859 : vector<1x16xf32> to vector<16xf32>
        %parallel_loop3A_861 = arith.addf %parallel_loop3A_856, %parallel_loop3A_860 : vector<16xf32>
        %parallel_loop3A_862 = arith.index_cast %parallel_loop3A_838 : i32 to index
        %parallel_loop3A_863 = arith.constant 16 : index
        %parallel_loop3A_864 = tpu.vector_load %arg14[%parallel_loop3A_862, %parallel_loop3A_863] {strides = array<i32>} : memref<128x128xf32, #tpu.memory_space<vmem>>, vector<1x16xf32>,
        %parallel_loop3A_865 = vector.shape_cast %parallel_loop3A_864 : vector<1x16xf32> to vector<16xf32>
        %parallel_loop3A_866 = vector.shape_cast %parallel_loop3A_861 : vector<16xf32> to vector<1x16xf32>
        tpu.vector_store %arg14[%parallel_loop3A_862, %parallel_loop3A_863], %parallel_loop3A_866 {strides = array<i32>} : memref<128x128xf32, #tpu.memory_space<vmem>>, vector<1x16xf32>,
        %parallel_loop3A_867 = arith.index_cast %parallel_loop3A_838 : i32 to index
        %parallel_loop3A_868 = arith.constant 32 : index
        %parallel_loop3A_869 = tpu.vector_load %arg10[%parallel_loop3A_867, %parallel_loop3A_868] {strides = array<i32>} : memref<128x128xf32, #tpu.memory_space<vmem>>, vector<1x16xf32>,
        %parallel_loop3A_870 = vector.shape_cast %parallel_loop3A_869 : vector<1x16xf32> to vector<16xf32>
        %parallel_loop3A_871 = arith.index_cast %parallel_loop3A_838 : i32 to index
        %parallel_loop3A_872 = arith.constant 32 : index
        %parallel_loop3A_873 = tpu.vector_load %arg12[%parallel_loop3A_871, %parallel_loop3A_872] {strides = array<i32>} : memref<128x128xf32, #tpu.memory_space<vmem>>, vector<1x16xf32>,
        %parallel_loop3A_874 = vector.shape_cast %parallel_loop3A_873 : vector<1x16xf32> to vector<16xf32>
        %parallel_loop3A_875 = arith.addf %parallel_loop3A_870, %parallel_loop3A_874 : vector<16xf32>
        %parallel_loop3A_876 = arith.index_cast %parallel_loop3A_838 : i32 to index
        %parallel_loop3A_877 = arith.constant 32 : index
        %parallel_loop3A_878 = tpu.vector_load %arg14[%parallel_loop3A_876, %parallel_loop3A_877] {strides = array<i32>} : memref<128x128xf32, #tpu.memory_space<vmem>>, vector<1x16xf32>,
        %parallel_loop3A_879 = vector.shape_cast %parallel_loop3A_878 : vector<1x16xf32> to vector<16xf32>
        %parallel_loop3A_880 = vector.shape_cast %parallel_loop3A_875 : vector<16xf32> to vector<1x16xf32>
        tpu.vector_store %arg14[%parallel_loop3A_876, %parallel_loop3A_877], %parallel_loop3A_880 {strides = array<i32>} : memref<128x128xf32, #tpu.memory_space<vmem>>, vector<1x16xf32>,
        %parallel_loop3A_881 = arith.index_cast %parallel_loop3A_838 : i32 to index
        %parallel_loop3A_882 = arith.constant 48 : index
        %parallel_loop3A_883 = tpu.vector_load %arg10[%parallel_loop3A_881, %parallel_loop3A_882] {strides = array<i32>} : memref<128x128xf32, #tpu.memory_space<vmem>>, vector<1x16xf32>,
        %parallel_loop3A_884 = vector.shape_cast %parallel_loop3A_883 : vector<1x16xf32> to vector<16xf32>
        %parallel_loop3A_885 = arith.index_cast %parallel_loop3A_838 : i32 to index
        %parallel_loop3A_886 = arith.constant 48 : index
        %parallel_loop3A_887 = tpu.vector_load %arg12[%parallel_loop3A_885, %parallel_loop3A_886] {strides = array<i32>} : memref<128x128xf32, #tpu.memory_space<vmem>>, vector<1x16xf32>,
        %parallel_loop3A_888 = vector.shape_cast %parallel_loop3A_887 : vector<1x16xf32> to vector<16xf32>
        %parallel_loop3A_889 = arith.addf %parallel_loop3A_884, %parallel_loop3A_888 : vector<16xf32>
        %parallel_loop3A_890 = arith.index_cast %parallel_loop3A_838 : i32 to index
        %parallel_loop3A_891 = arith.constant 48 : index
        %parallel_loop3A_892 = tpu.vector_load %arg14[%parallel_loop3A_890, %parallel_loop3A_891] {strides = array<i32>} : memref<128x128xf32, #tpu.memory_space<vmem>>, vector<1x16xf32>,
        %parallel_loop3A_893 = vector.shape_cast %parallel_loop3A_892 : vector<1x16xf32> to vector<16xf32>
        %parallel_loop3A_894 = vector.shape_cast %parallel_loop3A_889 : vector<16xf32> to vector<1x16xf32>
        tpu.vector_store %arg14[%parallel_loop3A_890, %parallel_loop3A_891], %parallel_loop3A_894 {strides = array<i32>} : memref<128x128xf32, #tpu.memory_space<vmem>>, vector<1x16xf32>,
        %parallel_loop3A_895 = arith.index_cast %parallel_loop3A_838 : i32 to index
        %parallel_loop3A_896 = arith.constant 64 : index
        %parallel_loop3A_897 = tpu.vector_load %arg10[%parallel_loop3A_895, %parallel_loop3A_896] {strides = array<i32>} : memref<128x128xf32, #tpu.memory_space<vmem>>, vector<1x16xf32>,
        %parallel_loop3A_898 = vector.shape_cast %parallel_loop3A_897 : vector<1x16xf32> to vector<16xf32>
        %parallel_loop3A_899 = arith.index_cast %parallel_loop3A_838 : i32 to index
        %parallel_loop3A_900 = arith.constant 64 : index
        %parallel_loop3A_901 = tpu.vector_load %arg12[%parallel_loop3A_899, %parallel_loop3A_900] {strides = array<i32>} : memref<128x128xf32, #tpu.memory_space<vmem>>, vector<1x16xf32>,
        %parallel_loop3A_902 = vector.shape_cast %parallel_loop3A_901 : vector<1x16xf32> to vector<16xf32>
        %parallel_loop3A_903 = arith.addf %parallel_loop3A_898, %parallel_loop3A_902 : vector<16xf32>
        %parallel_loop3A_904 = arith.index_cast %parallel_loop3A_838 : i32 to index
        %parallel_loop3A_905 = arith.constant 64 : index
        %parallel_loop3A_906 = tpu.vector_load %arg14[%parallel_loop3A_904, %parallel_loop3A_905] {strides = array<i32>} : memref<128x128xf32, #tpu.memory_space<vmem>>, vector<1x16xf32>,
        %parallel_loop3A_907 = vector.shape_cast %parallel_loop3A_906 : vector<1x16xf32> to vector<16xf32>
        %parallel_loop3A_908 = vector.shape_cast %parallel_loop3A_903 : vector<16xf32> to vector<1x16xf32>
        tpu.vector_store %arg14[%parallel_loop3A_904, %parallel_loop3A_905], %parallel_loop3A_908 {strides = array<i32>} : memref<128x128xf32, #tpu.memory_space<vmem>>, vector<1x16xf32>,
        %parallel_loop3A_909 = arith.index_cast %parallel_loop3A_838 : i32 to index
        %parallel_loop3A_910 = arith.constant 80 : index
        %parallel_loop3A_911 = tpu.vector_load %arg10[%parallel_loop3A_909, %parallel_loop3A_910] {strides = array<i32>} : memref<128x128xf32, #tpu.memory_space<vmem>>, vector<1x16xf32>,
        %parallel_loop3A_912 = vector.shape_cast %parallel_loop3A_911 : vector<1x16xf32> to vector<16xf32>
        %parallel_loop3A_913 = arith.index_cast %parallel_loop3A_838 : i32 to index
        %parallel_loop3A_914 = arith.constant 80 : index
        %parallel_loop3A_915 = tpu.vector_load %arg12[%parallel_loop3A_913, %parallel_loop3A_914] {strides = array<i32>} : memref<128x128xf32, #tpu.memory_space<vmem>>, vector<1x16xf32>,
        %parallel_loop3A_916 = vector.shape_cast %parallel_loop3A_915 : vector<1x16xf32> to vector<16xf32>
        %parallel_loop3A_917 = arith.addf %parallel_loop3A_912, %parallel_loop3A_916 : vector<16xf32>
        %parallel_loop3A_918 = arith.index_cast %parallel_loop3A_838 : i32 to index
        %parallel_loop3A_919 = arith.constant 80 : index
        %parallel_loop3A_920 = tpu.vector_load %arg14[%parallel_loop3A_918, %parallel_loop3A_919] {strides = array<i32>} : memref<128x128xf32, #tpu.memory_space<vmem>>, vector<1x16xf32>,
        %parallel_loop3A_921 = vector.shape_cast %parallel_loop3A_920 : vector<1x16xf32> to vector<16xf32>
        %parallel_loop3A_922 = vector.shape_cast %parallel_loop3A_917 : vector<16xf32> to vector<1x16xf32>
        tpu.vector_store %arg14[%parallel_loop3A_918, %parallel_loop3A_919], %parallel_loop3A_922 {strides = array<i32>} : memref<128x128xf32, #tpu.memory_space<vmem>>, vector<1x16xf32>,
        %parallel_loop3A_923 = arith.index_cast %parallel_loop3A_838 : i32 to index
        %parallel_loop3A_924 = arith.constant 96 : index
        %parallel_loop3A_925 = tpu.vector_load %arg10[%parallel_loop3A_923, %parallel_loop3A_924] {strides = array<i32>} : memref<128x128xf32, #tpu.memory_space<vmem>>, vector<1x16xf32>,
        %parallel_loop3A_926 = vector.shape_cast %parallel_loop3A_925 : vector<1x16xf32> to vector<16xf32>
        %parallel_loop3A_927 = arith.index_cast %parallel_loop3A_838 : i32 to index
        %parallel_loop3A_928 = arith.constant 96 : index
        %parallel_loop3A_929 = tpu.vector_load %arg12[%parallel_loop3A_927, %parallel_loop3A_928] {strides = array<i32>} : memref<128x128xf32, #tpu.memory_space<vmem>>, vector<1x16xf32>,
        %parallel_loop3A_930 = vector.shape_cast %parallel_loop3A_929 : vector<1x16xf32> to vector<16xf32>
        %parallel_loop3A_931 = arith.addf %parallel_loop3A_926, %parallel_loop3A_930 : vector<16xf32>
        %parallel_loop3A_932 = arith.index_cast %parallel_loop3A_838 : i32 to index
        %parallel_loop3A_933 = arith.constant 96 : index
        %parallel_loop3A_934 = tpu.vector_load %arg14[%parallel_loop3A_932, %parallel_loop3A_933] {strides = array<i32>} : memref<128x128xf32, #tpu.memory_space<vmem>>, vector<1x16xf32>,
        %parallel_loop3A_935 = vector.shape_cast %parallel_loop3A_934 : vector<1x16xf32> to vector<16xf32>
        %parallel_loop3A_936 = vector.shape_cast %parallel_loop3A_931 : vector<16xf32> to vector<1x16xf32>
        tpu.vector_store %arg14[%parallel_loop3A_932, %parallel_loop3A_933], %parallel_loop3A_936 {strides = array<i32>} : memref<128x128xf32, #tpu.memory_space<vmem>>, vector<1x16xf32>,
        %parallel_loop3A_937 = arith.index_cast %parallel_loop3A_838 : i32 to index
        %parallel_loop3A_938 = arith.constant 112 : index
        %parallel_loop3A_939 = tpu.vector_load %arg10[%parallel_loop3A_937, %parallel_loop3A_938] {strides = array<i32>} : memref<128x128xf32, #tpu.memory_space<vmem>>, vector<1x16xf32>,
        %parallel_loop3A_940 = vector.shape_cast %parallel_loop3A_939 : vector<1x16xf32> to vector<16xf32>
        %parallel_loop3A_941 = arith.index_cast %parallel_loop3A_838 : i32 to index
        %parallel_loop3A_942 = arith.constant 112 : index
        %parallel_loop3A_943 = tpu.vector_load %arg12[%parallel_loop3A_941, %parallel_loop3A_942] {strides = array<i32>} : memref<128x128xf32, #tpu.memory_space<vmem>>, vector<1x16xf32>,
        %parallel_loop3A_944 = vector.shape_cast %parallel_loop3A_943 : vector<1x16xf32> to vector<16xf32>
        %parallel_loop3A_945 = arith.addf %parallel_loop3A_940, %parallel_loop3A_944 : vector<16xf32>
        %parallel_loop3A_946 = arith.index_cast %parallel_loop3A_838 : i32 to index
        %parallel_loop3A_947 = arith.constant 112 : index
        %parallel_loop3A_948 = tpu.vector_load %arg14[%parallel_loop3A_946, %parallel_loop3A_947] {strides = array<i32>} : memref<128x128xf32, #tpu.memory_space<vmem>>, vector<1x16xf32>,
        %parallel_loop3A_949 = vector.shape_cast %parallel_loop3A_948 : vector<1x16xf32> to vector<16xf32>
        %parallel_loop3A_950 = vector.shape_cast %parallel_loop3A_945 : vector<16xf32> to vector<1x16xf32>
        tpu.vector_store %arg14[%parallel_loop3A_946, %parallel_loop3A_947], %parallel_loop3A_950 {strides = array<i32>} : memref<128x128xf32, #tpu.memory_space<vmem>>, vector<1x16xf32>,
      } {sc.loop_unroll_factor = 1 : i64, sc.parallel_access}
      %add3A_818 = arith.constant 64 : i32
      %add3A_819 = arith.addi %add3A_768, %add3A_818 : i32
      %dma_start3A_820 = arith.constant 64 : i32
      %dma_start3A_821 = arith.constant 0 : i32
      %dma_start3A_822 = tpu.memref_slice %arg14[%dma_start3A_820, %dma_start3A_821] : memref<128x128xf32, #tpu.memory_space<vmem>> -> memref<64x128xf32, #tpu.memory_space<vmem>>
      %dma_start3A_823 = arith.constant 0 : i32
      %dma_start3A_824 = tpu.memref_slice %arg6[%add3A_819, %dma_start3A_823] : memref<204800x128xf32, #tpu.memory_space<hbm>> -> memref<64x128xf32, #tpu.memory_space<hbm>>
      %dma_start3A_825 = arith.constant 0 : i32
      %dma_start3A_826 = tpu.memref_slice %arg6[%add3A_819, %dma_start3A_825] : memref<204800x128xf32, #tpu.memory_space<hbm>> -> memref<64x128xf32, #tpu.memory_space<hbm>>
      %dma_start3A_827 = arith.constant 64 : i32
      %dma_start3A_828 = arith.constant 0 : i32
      %dma_start3A_829 = tpu.memref_slice %arg14[%dma_start3A_827, %dma_start3A_828] : memref<128x128xf32, #tpu.memory_space<vmem>> -> memref<64x128xf32, #tpu.memory_space<vmem>>
      tpu.enqueue_dma source(%dma_start3A_829 : memref<64x128xf32, #tpu.memory_space<vmem>>) target(%dma_start3A_826 : memref<64x128xf32, #tpu.memory_space<hbm>>) target_semaphore(%arg20 : memref<!tpu.dma_semaphore, #tpu.memory_space<semaphore_mem>>)
      %add3A_830 = arith.constant 2 : i32
      %add3A_831 = arith.addi %add3A_765, %add3A_830 : i32
      %lt3A_832 = arith.constant 50 : i32
      %lt3A_833 = arith.cmpi slt, %add3A_831, %lt3A_832 : i32
      %convert_element_type3A_834 = arith.extui %lt3A_833 : i1 to i32
      %cond3A_835 = arith.constant 0 : i32
      %cond3A_836 = arith.cmpi ne, %convert_element_type3A_834, %cond3A_835 : i32
      scf.if %cond3A_836 {
        %add3A_838 = arith.constant 2 : i32
        %add3A_839 = arith.addi %add3A_765, %add3A_838 : i32
        %mul3A_840 = arith.constant 128 : i32
        %mul3A_841 = arith.muli %add3A_839, %mul3A_840 : i32
        %mul3A_842 = arith.constant 128 : i32
        %mul3A_843 = arith.muli %add3A_839, %mul3A_842 : i32
        %mul3A_844 = arith.constant 128 : i32
        %mul3A_845 = arith.muli %add3A_839, %mul3A_844 : i32
        %add3A_846 = arith.constant 64 : i32
        %add3A_847 = arith.addi %mul3A_845, %add3A_846 : i32
        %dma_start3A_848 = arith.constant 0 : i32
        %dma_start3A_849 = arith.constant 0 : i32
        %dma_start3A_850 = tpu.memref_slice %arg10[%dma_start3A_848, %dma_start3A_849] : memref<128x128xf32, #tpu.memory_space<vmem>> -> memref<64x128xf32, #tpu.memory_space<vmem>>
        %dma_start3A_851 = tpu.memref_slice %arg7[%mul3A_843] : memref<6400xi32, #tpu.memory_space<vmem>> -> memref<64xi32, #tpu.memory_space<vmem>>
        %dma_start3A_852 = arith.constant 0 : i32
        %dma_start3A_853 = arith.constant 0 : i32
        %dma_start3A_854 = tpu.memref_slice %arg2[%dma_start3A_852, %dma_start3A_853] : memref<100000x128xf32, #tpu.memory_space<hbm>> -> memref<100000x128xf32, #tpu.memory_space<hbm>>
        tpu.enqueue_indirect_dma source(%dma_start3A_854 : memref<100000x128xf32, #tpu.memory_space<hbm>>) target(%dma_start3A_850 : memref<64x128xf32, #tpu.memory_space<vmem>>) offsets(%dma_start3A_851 : memref<64xi32, #tpu.memory_space<vmem>>) semaphore(%arg16 : memref<!tpu.dma_semaphore, #tpu.memory_space<semaphore_mem>>)
        %dma_start3A_855 = arith.constant 64 : i32
        %dma_start3A_856 = arith.constant 0 : i32
        %dma_start3A_857 = tpu.memref_slice %arg10[%dma_start3A_855, %dma_start3A_856] : memref<128x128xf32, #tpu.memory_space<vmem>> -> memref<64x128xf32, #tpu.memory_space<vmem>>
        %dma_start3A_858 = tpu.memref_slice %arg7[%add3A_847] : memref<6400xi32, #tpu.memory_space<vmem>> -> memref<64xi32, #tpu.memory_space<vmem>>
        %dma_start3A_859 = arith.constant 0 : i32
        %dma_start3A_860 = arith.constant 0 : i32
        %dma_start3A_861 = tpu.memref_slice %arg2[%dma_start3A_859, %dma_start3A_860] : memref<100000x128xf32, #tpu.memory_space<hbm>> -> memref<100000x128xf32, #tpu.memory_space<hbm>>
        tpu.enqueue_indirect_dma source(%dma_start3A_861 : memref<100000x128xf32, #tpu.memory_space<hbm>>) target(%dma_start3A_857 : memref<64x128xf32, #tpu.memory_space<vmem>>) offsets(%dma_start3A_858 : memref<64xi32, #tpu.memory_space<vmem>>) semaphore(%arg16 : memref<!tpu.dma_semaphore, #tpu.memory_space<semaphore_mem>>)
        %mul3A_862 = arith.constant 128 : i32
        %mul3A_863 = arith.muli %add3A_839, %mul3A_862 : i32
        %add3A_864 = arith.constant 0 : i32
        %add3A_865 = arith.addi %mul3A_863, %add3A_864 : i32
        %mul3A_866 = arith.constant 128 : i32
        %mul3A_867 = arith.muli %add3A_839, %mul3A_866 : i32
        %add3A_868 = arith.addi %mul3A_2, %mul3A_867 : i32
        %add3A_869 = arith.constant 0 : i32
        %add3A_870 = arith.addi %add3A_868, %add3A_869 : i32
        %add3A_871 = vector.broadcast %add3A_870 : i32 to vector<16xi32>
        %add3A_872 = arith.addi %add3A_871, %iota3A : vector<16xi32>
        %jit3A_873 = arith.constant 200 : i32
        %eq3A_874 = arith.constant 0 : i32
        %eq3A_875 = arith.cmpi eq, %jit3A_873, %eq3A_874 : i32
        %jit3A_876 = arith.constant 1 : i32
        %select_n3A_877 = arith.select %eq3A_875, %jit3A_876, %jit3A_873 : i32
        %rem3A_878 = vector.broadcast %select_n3A_877 : i32 to vector<16xi32>
        %rem3A_879 = arith.remsi %add3A_872, %rem3A_878 : vector<16xi32>
        %ne3A_880 = arith.constant 0 : i32
        %ne3A_881 = vector.broadcast %ne3A_880 : i32 to vector<16xi32>
        %ne3A_882 = arith.cmpi ne, %rem3A_879, %ne3A_881 : vector<16xi32>
        %lt3A_883 = arith.constant 0 : i32
        %lt3A_884 = vector.broadcast %lt3A_883 : i32 to vector<16xi32>
        %lt3A_885 = arith.cmpi slt, %rem3A_879, %lt3A_884 : vector<16xi32>
        %lt3A_886 = arith.constant 0 : i32
        %lt3A_887 = arith.cmpi slt, %select_n3A_877, %lt3A_886 : i32
        %ne3A_888 = vector.broadcast %lt3A_887 : i1 to vector<16xi1>
        %ne3A_889 = vector.broadcast %ne3A_888 : vector<16xi1> to vector<16xi1>
        %ne3A_890 = arith.xori %lt3A_885, %ne3A_889 : vector<16xi1>
        %and3A_891 = arith.andi %ne3A_890, %ne3A_882 : vector<16xi1>
        %add3A_892 = vector.broadcast %select_n3A_877 : i32 to vector<16xi32>
        %add3A_893 = arith.addi %rem3A_879, %add3A_892 : vector<16xi32>
        %select_n3A_894 = arith.select %and3A_891, %add3A_893, %rem3A_879 : vector<16xi1>, vector<16xi32>
        %mul3A_895 = arith.constant 3 : i32
        %mul3A_896 = vector.broadcast %mul3A_895 : i32 to vector<16xi32>
        %mul3A_897 = arith.muli %select_n3A_894, %mul3A_896 : vector<16xi32>
        %get3A_898 = arith.index_cast %add3A_865 : i32 to index
        %get3A_899 = tpu.vector_load %arg8[%get3A_898] {strides = array<i32>} : memref<6400xi32, #tpu.memory_space<vmem>>, vector<16xi32>,
        %get3A_900 = vector.shape_cast %get3A_899 : vector<16xi32> to vector<16xi32>
        %add3A_901 = arith.addi %mul3A_897, %get3A_900 : vector<16xi32>
        %swap3A_902 = arith.index_cast %add3A_865 : i32 to index
        %swap3A_903 = tpu.vector_load %arg8[%swap3A_902] {strides = array<i32>} : memref<6400xi32, #tpu.memory_space<vmem>>, vector<16xi32>,
        %swap3A_904 = vector.shape_cast %swap3A_903 : vector<16xi32> to vector<16xi32>
        %swap3A_905 = vector.shape_cast %add3A_901 : vector<16xi32> to vector<16xi32>
        tpu.vector_store %arg8[%swap3A_902], %swap3A_905 {strides = array<i32>} : memref<6400xi32, #tpu.memory_space<vmem>>, vector<16xi32>,
        %mul3A_906 = arith.constant 128 : i32
        %mul3A_907 = arith.muli %add3A_839, %mul3A_906 : i32
        %add3A_908 = arith.constant 16 : i32
        %add3A_909 = arith.addi %mul3A_907, %add3A_908 : i32
        %mul3A_910 = arith.constant 128 : i32
        %mul3A_911 = arith.muli %add3A_839, %mul3A_910 : i32
        %add3A_912 = arith.addi %mul3A_2, %mul3A_911 : i32
        %add3A_913 = arith.constant 16 : i32
        %add3A_914 = arith.addi %add3A_912, %add3A_913 : i32
        %add3A_915 = vector.broadcast %add3A_914 : i32 to vector<16xi32>
        %add3A_916 = arith.addi %add3A_915, %iota3A : vector<16xi32>
        %jit3A_917 = arith.constant 200 : i32
        %eq3A_918 = arith.constant 0 : i32
        %eq3A_919 = arith.cmpi eq, %jit3A_917, %eq3A_918 : i32
        %jit3A_920 = arith.constant 1 : i32
        %select_n3A_921 = arith.select %eq3A_919, %jit3A_920, %jit3A_917 : i32
        %rem3A_922 = vector.broadcast %select_n3A_921 : i32 to vector<16xi32>
        %rem3A_923 = arith.remsi %add3A_916, %rem3A_922 : vector<16xi32>
        %ne3A_924 = arith.constant 0 : i32
        %ne3A_925 = vector.broadcast %ne3A_924 : i32 to vector<16xi32>
        %ne3A_926 = arith.cmpi ne, %rem3A_923, %ne3A_925 : vector<16xi32>
        %lt3A_927 = arith.constant 0 : i32
        %lt3A_928 = vector.broadcast %lt3A_927 : i32 to vector<16xi32>
        %lt3A_929 = arith.cmpi slt, %rem3A_923, %lt3A_928 : vector<16xi32>
        %lt3A_930 = arith.constant 0 : i32
        %lt3A_931 = arith.cmpi slt, %select_n3A_921, %lt3A_930 : i32
        %ne3A_932 = vector.broadcast %lt3A_931 : i1 to vector<16xi1>
        %ne3A_933 = vector.broadcast %ne3A_932 : vector<16xi1> to vector<16xi1>
        %ne3A_934 = arith.xori %lt3A_929, %ne3A_933 : vector<16xi1>
        %and3A_935 = arith.andi %ne3A_934, %ne3A_926 : vector<16xi1>
        %add3A_936 = vector.broadcast %select_n3A_921 : i32 to vector<16xi32>
        %add3A_937 = arith.addi %rem3A_923, %add3A_936 : vector<16xi32>
        %select_n3A_938 = arith.select %and3A_935, %add3A_937, %rem3A_923 : vector<16xi1>, vector<16xi32>
        %mul3A_939 = arith.constant 3 : i32
        %mul3A_940 = vector.broadcast %mul3A_939 : i32 to vector<16xi32>
        %mul3A_941 = arith.muli %select_n3A_938, %mul3A_940 : vector<16xi32>
        %get3A_942 = arith.index_cast %add3A_909 : i32 to index
        %get3A_943 = tpu.vector_load %arg8[%get3A_942] {strides = array<i32>} : memref<6400xi32, #tpu.memory_space<vmem>>, vector<16xi32>,
        %get3A_944 = vector.shape_cast %get3A_943 : vector<16xi32> to vector<16xi32>
        %add3A_945 = arith.addi %mul3A_941, %get3A_944 : vector<16xi32>
        %swap3A_946 = arith.index_cast %add3A_909 : i32 to index
        %swap3A_947 = tpu.vector_load %arg8[%swap3A_946] {strides = array<i32>} : memref<6400xi32, #tpu.memory_space<vmem>>, vector<16xi32>,
        %swap3A_948 = vector.shape_cast %swap3A_947 : vector<16xi32> to vector<16xi32>
        %swap3A_949 = vector.shape_cast %add3A_945 : vector<16xi32> to vector<16xi32>
        tpu.vector_store %arg8[%swap3A_946], %swap3A_949 {strides = array<i32>} : memref<6400xi32, #tpu.memory_space<vmem>>, vector<16xi32>,
        %mul3A_950 = arith.constant 128 : i32
        %mul3A_951 = arith.muli %add3A_839, %mul3A_950 : i32
        %add3A_952 = arith.constant 32 : i32
        %add3A_953 = arith.addi %mul3A_951, %add3A_952 : i32
        %mul3A_954 = arith.constant 128 : i32
        %mul3A_955 = arith.muli %add3A_839, %mul3A_954 : i32
        %add3A_956 = arith.addi %mul3A_2, %mul3A_955 : i32
        %add3A_957 = arith.constant 32 : i32
        %add3A_958 = arith.addi %add3A_956, %add3A_957 : i32
        %add3A_959 = vector.broadcast %add3A_958 : i32 to vector<16xi32>
        %add3A_960 = arith.addi %add3A_959, %iota3A : vector<16xi32>
        %jit3A_961 = arith.constant 200 : i32
        %eq3A_962 = arith.constant 0 : i32
        %eq3A_963 = arith.cmpi eq, %jit3A_961, %eq3A_962 : i32
        %jit3A_964 = arith.constant 1 : i32
        %select_n3A_965 = arith.select %eq3A_963, %jit3A_964, %jit3A_961 : i32
        %rem3A_966 = vector.broadcast %select_n3A_965 : i32 to vector<16xi32>
        %rem3A_967 = arith.remsi %add3A_960, %rem3A_966 : vector<16xi32>
        %ne3A_968 = arith.constant 0 : i32
        %ne3A_969 = vector.broadcast %ne3A_968 : i32 to vector<16xi32>
        %ne3A_970 = arith.cmpi ne, %rem3A_967, %ne3A_969 : vector<16xi32>
        %lt3A_971 = arith.constant 0 : i32
        %lt3A_972 = vector.broadcast %lt3A_971 : i32 to vector<16xi32>
        %lt3A_973 = arith.cmpi slt, %rem3A_967, %lt3A_972 : vector<16xi32>
        %lt3A_974 = arith.constant 0 : i32
        %lt3A_975 = arith.cmpi slt, %select_n3A_965, %lt3A_974 : i32
        %ne3A_976 = vector.broadcast %lt3A_975 : i1 to vector<16xi1>
        %ne3A_977 = vector.broadcast %ne3A_976 : vector<16xi1> to vector<16xi1>
        %ne3A_978 = arith.xori %lt3A_973, %ne3A_977 : vector<16xi1>
        %and3A_979 = arith.andi %ne3A_978, %ne3A_970 : vector<16xi1>
        %add3A_980 = vector.broadcast %select_n3A_965 : i32 to vector<16xi32>
        %add3A_981 = arith.addi %rem3A_967, %add3A_980 : vector<16xi32>
        %select_n3A_982 = arith.select %and3A_979, %add3A_981, %rem3A_967 : vector<16xi1>, vector<16xi32>
        %mul3A_983 = arith.constant 3 : i32
        %mul3A_984 = vector.broadcast %mul3A_983 : i32 to vector<16xi32>
        %mul3A_985 = arith.muli %select_n3A_982, %mul3A_984 : vector<16xi32>
        %get3A_986 = arith.index_cast %add3A_953 : i32 to index
        %get3A_987 = tpu.vector_load %arg8[%get3A_986] {strides = array<i32>} : memref<6400xi32, #tpu.memory_space<vmem>>, vector<16xi32>,
        %get3A_988 = vector.shape_cast %get3A_987 : vector<16xi32> to vector<16xi32>
        %add3A_989 = arith.addi %mul3A_985, %get3A_988 : vector<16xi32>
        %swap3A_990 = arith.index_cast %add3A_953 : i32 to index
        %swap3A_991 = tpu.vector_load %arg8[%swap3A_990] {strides = array<i32>} : memref<6400xi32, #tpu.memory_space<vmem>>, vector<16xi32>,
        %swap3A_992 = vector.shape_cast %swap3A_991 : vector<16xi32> to vector<16xi32>
        %swap3A_993 = vector.shape_cast %add3A_989 : vector<16xi32> to vector<16xi32>
        tpu.vector_store %arg8[%swap3A_990], %swap3A_993 {strides = array<i32>} : memref<6400xi32, #tpu.memory_space<vmem>>, vector<16xi32>,
        %mul3A_994 = arith.constant 128 : i32
        %mul3A_995 = arith.muli %add3A_839, %mul3A_994 : i32
        %add3A_996 = arith.constant 48 : i32
        %add3A_997 = arith.addi %mul3A_995, %add3A_996 : i32
        %mul3A_998 = arith.constant 128 : i32
        %mul3A_999 = arith.muli %add3A_839, %mul3A_998 : i32
        %add3A_1000 = arith.addi %mul3A_2, %mul3A_999 : i32
        %add3A_1001 = arith.constant 48 : i32
        %add3A_1002 = arith.addi %add3A_1000, %add3A_1001 : i32
        %add3A_1003 = vector.broadcast %add3A_1002 : i32 to vector<16xi32>
        %add3A_1004 = arith.addi %add3A_1003, %iota3A : vector<16xi32>
        %jit3A_1005 = arith.constant 200 : i32
        %eq3A_1006 = arith.constant 0 : i32
        %eq3A_1007 = arith.cmpi eq, %jit3A_1005, %eq3A_1006 : i32
        %jit3A_1008 = arith.constant 1 : i32
        %select_n3A_1009 = arith.select %eq3A_1007, %jit3A_1008, %jit3A_1005 : i32
        %rem3A_1010 = vector.broadcast %select_n3A_1009 : i32 to vector<16xi32>
        %rem3A_1011 = arith.remsi %add3A_1004, %rem3A_1010 : vector<16xi32>
        %ne3A_1012 = arith.constant 0 : i32
        %ne3A_1013 = vector.broadcast %ne3A_1012 : i32 to vector<16xi32>
        %ne3A_1014 = arith.cmpi ne, %rem3A_1011, %ne3A_1013 : vector<16xi32>
        %lt3A_1015 = arith.constant 0 : i32
        %lt3A_1016 = vector.broadcast %lt3A_1015 : i32 to vector<16xi32>
        %lt3A_1017 = arith.cmpi slt, %rem3A_1011, %lt3A_1016 : vector<16xi32>
        %lt3A_1018 = arith.constant 0 : i32
        %lt3A_1019 = arith.cmpi slt, %select_n3A_1009, %lt3A_1018 : i32
        %ne3A_1020 = vector.broadcast %lt3A_1019 : i1 to vector<16xi1>
        %ne3A_1021 = vector.broadcast %ne3A_1020 : vector<16xi1> to vector<16xi1>
        %ne3A_1022 = arith.xori %lt3A_1017, %ne3A_1021 : vector<16xi1>
        %and3A_1023 = arith.andi %ne3A_1022, %ne3A_1014 : vector<16xi1>
        %add3A_1024 = vector.broadcast %select_n3A_1009 : i32 to vector<16xi32>
        %add3A_1025 = arith.addi %rem3A_1011, %add3A_1024 : vector<16xi32>
        %select_n3A_1026 = arith.select %and3A_1023, %add3A_1025, %rem3A_1011 : vector<16xi1>, vector<16xi32>
        %mul3A_1027 = arith.constant 3 : i32
        %mul3A_1028 = vector.broadcast %mul3A_1027 : i32 to vector<16xi32>
        %mul3A_1029 = arith.muli %select_n3A_1026, %mul3A_1028 : vector<16xi32>
        %get3A_1030 = arith.index_cast %add3A_997 : i32 to index
        %get3A_1031 = tpu.vector_load %arg8[%get3A_1030] {strides = array<i32>} : memref<6400xi32, #tpu.memory_space<vmem>>, vector<16xi32>,
        %get3A_1032 = vector.shape_cast %get3A_1031 : vector<16xi32> to vector<16xi32>
        %add3A_1033 = arith.addi %mul3A_1029, %get3A_1032 : vector<16xi32>
        %swap3A_1034 = arith.index_cast %add3A_997 : i32 to index
        %swap3A_1035 = tpu.vector_load %arg8[%swap3A_1034] {strides = array<i32>} : memref<6400xi32, #tpu.memory_space<vmem>>, vector<16xi32>,
        %swap3A_1036 = vector.shape_cast %swap3A_1035 : vector<16xi32> to vector<16xi32>
        %swap3A_1037 = vector.shape_cast %add3A_1033 : vector<16xi32> to vector<16xi32>
        tpu.vector_store %arg8[%swap3A_1034], %swap3A_1037 {strides = array<i32>} : memref<6400xi32, #tpu.memory_space<vmem>>, vector<16xi32>,
        %mul3A_1038 = arith.constant 128 : i32
        %mul3A_1039 = arith.muli %add3A_839, %mul3A_1038 : i32
        %add3A_1040 = arith.constant 64 : i32
        %add3A_1041 = arith.addi %mul3A_1039, %add3A_1040 : i32
        %mul3A_1042 = arith.constant 128 : i32
        %mul3A_1043 = arith.muli %add3A_839, %mul3A_1042 : i32
        %add3A_1044 = arith.addi %mul3A_2, %mul3A_1043 : i32
        %add3A_1045 = arith.constant 64 : i32
        %add3A_1046 = arith.addi %add3A_1044, %add3A_1045 : i32
        %add3A_1047 = vector.broadcast %add3A_1046 : i32 to vector<16xi32>
        %add3A_1048 = arith.addi %add3A_1047, %iota3A : vector<16xi32>
        %jit3A_1049 = arith.constant 200 : i32
        %eq3A_1050 = arith.constant 0 : i32
        %eq3A_1051 = arith.cmpi eq, %jit3A_1049, %eq3A_1050 : i32
        %jit3A_1052 = arith.constant 1 : i32
        %select_n3A_1053 = arith.select %eq3A_1051, %jit3A_1052, %jit3A_1049 : i32
        %rem3A_1054 = vector.broadcast %select_n3A_1053 : i32 to vector<16xi32>
        %rem3A_1055 = arith.remsi %add3A_1048, %rem3A_1054 : vector<16xi32>
        %ne3A_1056 = arith.constant 0 : i32
        %ne3A_1057 = vector.broadcast %ne3A_1056 : i32 to vector<16xi32>
        %ne3A_1058 = arith.cmpi ne, %rem3A_1055, %ne3A_1057 : vector<16xi32>
        %lt3A_1059 = arith.constant 0 : i32
        %lt3A_1060 = vector.broadcast %lt3A_1059 : i32 to vector<16xi32>
        %lt3A_1061 = arith.cmpi slt, %rem3A_1055, %lt3A_1060 : vector<16xi32>
        %lt3A_1062 = arith.constant 0 : i32
        %lt3A_1063 = arith.cmpi slt, %select_n3A_1053, %lt3A_1062 : i32
        %ne3A_1064 = vector.broadcast %lt3A_1063 : i1 to vector<16xi1>
        %ne3A_1065 = vector.broadcast %ne3A_1064 : vector<16xi1> to vector<16xi1>
        %ne3A_1066 = arith.xori %lt3A_1061, %ne3A_1065 : vector<16xi1>
        %and3A_1067 = arith.andi %ne3A_1066, %ne3A_1058 : vector<16xi1>
        %add3A_1068 = vector.broadcast %select_n3A_1053 : i32 to vector<16xi32>
        %add3A_1069 = arith.addi %rem3A_1055, %add3A_1068 : vector<16xi32>
        %select_n3A_1070 = arith.select %and3A_1067, %add3A_1069, %rem3A_1055 : vector<16xi1>, vector<16xi32>
        %mul3A_1071 = arith.constant 3 : i32
        %mul3A_1072 = vector.broadcast %mul3A_1071 : i32 to vector<16xi32>
        %mul3A_1073 = arith.muli %select_n3A_1070, %mul3A_1072 : vector<16xi32>
        %get3A_1074 = arith.index_cast %add3A_1041 : i32 to index
        %get3A_1075 = tpu.vector_load %arg8[%get3A_1074] {strides = array<i32>} : memref<6400xi32, #tpu.memory_space<vmem>>, vector<16xi32>,
        %get3A_1076 = vector.shape_cast %get3A_1075 : vector<16xi32> to vector<16xi32>
        %add3A_1077 = arith.addi %mul3A_1073, %get3A_1076 : vector<16xi32>
        %swap3A_1078 = arith.index_cast %add3A_1041 : i32 to index
        %swap3A_1079 = tpu.vector_load %arg8[%swap3A_1078] {strides = array<i32>} : memref<6400xi32, #tpu.memory_space<vmem>>, vector<16xi32>,
        %swap3A_1080 = vector.shape_cast %swap3A_1079 : vector<16xi32> to vector<16xi32>
        %swap3A_1081 = vector.shape_cast %add3A_1077 : vector<16xi32> to vector<16xi32>
        tpu.vector_store %arg8[%swap3A_1078], %swap3A_1081 {strides = array<i32>} : memref<6400xi32, #tpu.memory_space<vmem>>, vector<16xi32>,
        %mul3A_1082 = arith.constant 128 : i32
        %mul3A_1083 = arith.muli %add3A_839, %mul3A_1082 : i32
        %add3A_1084 = arith.constant 80 : i32
        %add3A_1085 = arith.addi %mul3A_1083, %add3A_1084 : i32
        %mul3A_1086 = arith.constant 128 : i32
        %mul3A_1087 = arith.muli %add3A_839, %mul3A_1086 : i32
        %add3A_1088 = arith.addi %mul3A_2, %mul3A_1087 : i32
        %add3A_1089 = arith.constant 80 : i32
        %add3A_1090 = arith.addi %add3A_1088, %add3A_1089 : i32
        %add3A_1091 = vector.broadcast %add3A_1090 : i32 to vector<16xi32>
        %add3A_1092 = arith.addi %add3A_1091, %iota3A : vector<16xi32>
        %jit3A_1093 = arith.constant 200 : i32
        %eq3A_1094 = arith.constant 0 : i32
        %eq3A_1095 = arith.cmpi eq, %jit3A_1093, %eq3A_1094 : i32
        %jit3A_1096 = arith.constant 1 : i32
        %select_n3A_1097 = arith.select %eq3A_1095, %jit3A_1096, %jit3A_1093 : i32
        %rem3A_1098 = vector.broadcast %select_n3A_1097 : i32 to vector<16xi32>
        %rem3A_1099 = arith.remsi %add3A_1092, %rem3A_1098 : vector<16xi32>
        %ne3A_1100 = arith.constant 0 : i32
        %ne3A_1101 = vector.broadcast %ne3A_1100 : i32 to vector<16xi32>
        %ne3A_1102 = arith.cmpi ne, %rem3A_1099, %ne3A_1101 : vector<16xi32>
        %lt3A_1103 = arith.constant 0 : i32
        %lt3A_1104 = vector.broadcast %lt3A_1103 : i32 to vector<16xi32>
        %lt3A_1105 = arith.cmpi slt, %rem3A_1099, %lt3A_1104 : vector<16xi32>
        %lt3A_1106 = arith.constant 0 : i32
        %lt3A_1107 = arith.cmpi slt, %select_n3A_1097, %lt3A_1106 : i32
        %ne3A_1108 = vector.broadcast %lt3A_1107 : i1 to vector<16xi1>
        %ne3A_1109 = vector.broadcast %ne3A_1108 : vector<16xi1> to vector<16xi1>
        %ne3A_1110 = arith.xori %lt3A_1105, %ne3A_1109 : vector<16xi1>
        %and3A_1111 = arith.andi %ne3A_1110, %ne3A_1102 : vector<16xi1>
        %add3A_1112 = vector.broadcast %select_n3A_1097 : i32 to vector<16xi32>
        %add3A_1113 = arith.addi %rem3A_1099, %add3A_1112 : vector<16xi32>
        %select_n3A_1114 = arith.select %and3A_1111, %add3A_1113, %rem3A_1099 : vector<16xi1>, vector<16xi32>
        %mul3A_1115 = arith.constant 3 : i32
        %mul3A_1116 = vector.broadcast %mul3A_1115 : i32 to vector<16xi32>
        %mul3A_1117 = arith.muli %select_n3A_1114, %mul3A_1116 : vector<16xi32>
        %get3A_1118 = arith.index_cast %add3A_1085 : i32 to index
        %get3A_1119 = tpu.vector_load %arg8[%get3A_1118] {strides = array<i32>} : memref<6400xi32, #tpu.memory_space<vmem>>, vector<16xi32>,
        %get3A_1120 = vector.shape_cast %get3A_1119 : vector<16xi32> to vector<16xi32>
        %add3A_1121 = arith.addi %mul3A_1117, %get3A_1120 : vector<16xi32>
        %swap3A_1122 = arith.index_cast %add3A_1085 : i32 to index
        %swap3A_1123 = tpu.vector_load %arg8[%swap3A_1122] {strides = array<i32>} : memref<6400xi32, #tpu.memory_space<vmem>>, vector<16xi32>,
        %swap3A_1124 = vector.shape_cast %swap3A_1123 : vector<16xi32> to vector<16xi32>
        %swap3A_1125 = vector.shape_cast %add3A_1121 : vector<16xi32> to vector<16xi32>
        tpu.vector_store %arg8[%swap3A_1122], %swap3A_1125 {strides = array<i32>} : memref<6400xi32, #tpu.memory_space<vmem>>, vector<16xi32>,
        %mul3A_1126 = arith.constant 128 : i32
        %mul3A_1127 = arith.muli %add3A_839, %mul3A_1126 : i32
        %add3A_1128 = arith.constant 96 : i32
        %add3A_1129 = arith.addi %mul3A_1127, %add3A_1128 : i32
        %mul3A_1130 = arith.constant 128 : i32
        %mul3A_1131 = arith.muli %add3A_839, %mul3A_1130 : i32
        %add3A_1132 = arith.addi %mul3A_2, %mul3A_1131 : i32
        %add3A_1133 = arith.constant 96 : i32
        %add3A_1134 = arith.addi %add3A_1132, %add3A_1133 : i32
        %add3A_1135 = vector.broadcast %add3A_1134 : i32 to vector<16xi32>
        %add3A_1136 = arith.addi %add3A_1135, %iota3A : vector<16xi32>
        %jit3A_1137 = arith.constant 200 : i32
        %eq3A_1138 = arith.constant 0 : i32
        %eq3A_1139 = arith.cmpi eq, %jit3A_1137, %eq3A_1138 : i32
        %jit3A_1140 = arith.constant 1 : i32
        %select_n3A_1141 = arith.select %eq3A_1139, %jit3A_1140, %jit3A_1137 : i32
        %rem3A_1142 = vector.broadcast %select_n3A_1141 : i32 to vector<16xi32>
        %rem3A_1143 = arith.remsi %add3A_1136, %rem3A_1142 : vector<16xi32>
        %ne3A_1144 = arith.constant 0 : i32
        %ne3A_1145 = vector.broadcast %ne3A_1144 : i32 to vector<16xi32>
        %ne3A_1146 = arith.cmpi ne, %rem3A_1143, %ne3A_1145 : vector<16xi32>
        %lt3A_1147 = arith.constant 0 : i32
        %lt3A_1148 = vector.broadcast %lt3A_1147 : i32 to vector<16xi32>
        %lt3A_1149 = arith.cmpi slt, %rem3A_1143, %lt3A_1148 : vector<16xi32>
        %lt3A_1150 = arith.constant 0 : i32
        %lt3A_1151 = arith.cmpi slt, %select_n3A_1141, %lt3A_1150 : i32
        %ne3A_1152 = vector.broadcast %lt3A_1151 : i1 to vector<16xi1>
        %ne3A_1153 = vector.broadcast %ne3A_1152 : vector<16xi1> to vector<16xi1>
        %ne3A_1154 = arith.xori %lt3A_1149, %ne3A_1153 : vector<16xi1>
        %and3A_1155 = arith.andi %ne3A_1154, %ne3A_1146 : vector<16xi1>
        %add3A_1156 = vector.broadcast %select_n3A_1141 : i32 to vector<16xi32>
        %add3A_1157 = arith.addi %rem3A_1143, %add3A_1156 : vector<16xi32>
        %select_n3A_1158 = arith.select %and3A_1155, %add3A_1157, %rem3A_1143 : vector<16xi1>, vector<16xi32>
        %mul3A_1159 = arith.constant 3 : i32
        %mul3A_1160 = vector.broadcast %mul3A_1159 : i32 to vector<16xi32>
        %mul3A_1161 = arith.muli %select_n3A_1158, %mul3A_1160 : vector<16xi32>
        %get3A_1162 = arith.index_cast %add3A_1129 : i32 to index
        %get3A_1163 = tpu.vector_load %arg8[%get3A_1162] {strides = array<i32>} : memref<6400xi32, #tpu.memory_space<vmem>>, vector<16xi32>,
        %get3A_1164 = vector.shape_cast %get3A_1163 : vector<16xi32> to vector<16xi32>
        %add3A_1165 = arith.addi %mul3A_1161, %get3A_1164 : vector<16xi32>
        %swap3A_1166 = arith.index_cast %add3A_1129 : i32 to index
        %swap3A_1167 = tpu.vector_load %arg8[%swap3A_1166] {strides = array<i32>} : memref<6400xi32, #tpu.memory_space<vmem>>, vector<16xi32>,
        %swap3A_1168 = vector.shape_cast %swap3A_1167 : vector<16xi32> to vector<16xi32>
        %swap3A_1169 = vector.shape_cast %add3A_1165 : vector<16xi32> to vector<16xi32>
        tpu.vector_store %arg8[%swap3A_1166], %swap3A_1169 {strides = array<i32>} : memref<6400xi32, #tpu.memory_space<vmem>>, vector<16xi32>,
        %mul3A_1170 = arith.constant 128 : i32
        %mul3A_1171 = arith.muli %add3A_839, %mul3A_1170 : i32
        %add3A_1172 = arith.constant 112 : i32
        %add3A_1173 = arith.addi %mul3A_1171, %add3A_1172 : i32
        %mul3A_1174 = arith.constant 128 : i32
        %mul3A_1175 = arith.muli %add3A_839, %mul3A_1174 : i32
        %add3A_1176 = arith.addi %mul3A_2, %mul3A_1175 : i32
        %add3A_1177 = arith.constant 112 : i32
        %add3A_1178 = arith.addi %add3A_1176, %add3A_1177 : i32
        %add3A_1179 = vector.broadcast %add3A_1178 : i32 to vector<16xi32>
        %add3A_1180 = arith.addi %add3A_1179, %iota3A : vector<16xi32>
        %jit3A_1181 = arith.constant 200 : i32
        %eq3A_1182 = arith.constant 0 : i32
        %eq3A_1183 = arith.cmpi eq, %jit3A_1181, %eq3A_1182 : i32
        %jit3A_1184 = arith.constant 1 : i32
        %select_n3A_1185 = arith.select %eq3A_1183, %jit3A_1184, %jit3A_1181 : i32
        %rem3A_1186 = vector.broadcast %select_n3A_1185 : i32 to vector<16xi32>
        %rem3A_1187 = arith.remsi %add3A_1180, %rem3A_1186 : vector<16xi32>
        %ne3A_1188 = arith.constant 0 : i32
        %ne3A_1189 = vector.broadcast %ne3A_1188 : i32 to vector<16xi32>
        %ne3A_1190 = arith.cmpi ne, %rem3A_1187, %ne3A_1189 : vector<16xi32>
        %lt3A_1191 = arith.constant 0 : i32
        %lt3A_1192 = vector.broadcast %lt3A_1191 : i32 to vector<16xi32>
        %lt3A_1193 = arith.cmpi slt, %rem3A_1187, %lt3A_1192 : vector<16xi32>
        %lt3A_1194 = arith.constant 0 : i32
        %lt3A_1195 = arith.cmpi slt, %select_n3A_1185, %lt3A_1194 : i32
        %ne3A_1196 = vector.broadcast %lt3A_1195 : i1 to vector<16xi1>
        %ne3A_1197 = vector.broadcast %ne3A_1196 : vector<16xi1> to vector<16xi1>
        %ne3A_1198 = arith.xori %lt3A_1193, %ne3A_1197 : vector<16xi1>
        %and3A_1199 = arith.andi %ne3A_1198, %ne3A_1190 : vector<16xi1>
        %add3A_1200 = vector.broadcast %select_n3A_1185 : i32 to vector<16xi32>
        %add3A_1201 = arith.addi %rem3A_1187, %add3A_1200 : vector<16xi32>
        %select_n3A_1202 = arith.select %and3A_1199, %add3A_1201, %rem3A_1187 : vector<16xi1>, vector<16xi32>
        %mul3A_1203 = arith.constant 3 : i32
        %mul3A_1204 = vector.broadcast %mul3A_1203 : i32 to vector<16xi32>
        %mul3A_1205 = arith.muli %select_n3A_1202, %mul3A_1204 : vector<16xi32>
        %get3A_1206 = arith.index_cast %add3A_1173 : i32 to index
        %get3A_1207 = tpu.vector_load %arg8[%get3A_1206] {strides = array<i32>} : memref<6400xi32, #tpu.memory_space<vmem>>, vector<16xi32>,
        %get3A_1208 = vector.shape_cast %get3A_1207 : vector<16xi32> to vector<16xi32>
        %add3A_1209 = arith.addi %mul3A_1205, %get3A_1208 : vector<16xi32>
        %swap3A_1210 = arith.index_cast %add3A_1173 : i32 to index
        %swap3A_1211 = tpu.vector_load %arg8[%swap3A_1210] {strides = array<i32>} : memref<6400xi32, #tpu.memory_space<vmem>>, vector<16xi32>,
        %swap3A_1212 = vector.shape_cast %swap3A_1211 : vector<16xi32> to vector<16xi32>
        %swap3A_1213 = vector.shape_cast %add3A_1209 : vector<16xi32> to vector<16xi32>
        tpu.vector_store %arg8[%swap3A_1210], %swap3A_1213 {strides = array<i32>} : memref<6400xi32, #tpu.memory_space<vmem>>, vector<16xi32>,
        %dma_start3A_1214 = tpu.memref_slice %arg8[%mul3A_841] : memref<6400xi32, #tpu.memory_space<vmem>> -> memref<128xi32, #tpu.memory_space<vmem>>
        %dma_start3A_1215 = arith.constant 0 : i32
        %dma_start3A_1216 = arith.constant 0 : i32
        %dma_start3A_1217 = tpu.memref_slice %arg21[%dma_start3A_1215, %dma_start3A_1216] : memref<600x128xf32, #tpu.memory_space<vmem_shared>> -> memref<600x128xf32, #tpu.memory_space<vmem_shared>>
        tpu.enqueue_indirect_dma source(%dma_start3A_1217 : memref<600x128xf32, #tpu.memory_space<vmem_shared>>) target(%arg12 : memref<128x128xf32, #tpu.memory_space<vmem>>) offsets(%dma_start3A_1214 : memref<128xi32, #tpu.memory_space<vmem>>) semaphore(%arg18 : memref<!tpu.dma_semaphore, #tpu.memory_space<semaphore_mem>>)
      } else {
      }
      %scan3A_837 = arith.constant 0 : i32
      scf.yield %scan3A_837 : i32
    }
    %scan3A_674 = arith.constant 25 : i32
    %add3A_675 = arith.constant 6144 : i32
    %add3A_676 = arith.addi %mul3A_2, %add3A_675 : i32
    %dma_wait3A_677 = arith.constant 0 : i32
    %dma_wait3A_678 = tpu.memref_slice %arg6[%add3A_676, %dma_wait3A_677] : memref<204800x128xf32, #tpu.memory_space<hbm>> -> memref<128x128xf32, #tpu.memory_space<hbm>>
    %dma_wait3A_679 = arith.constant 0 : i32
    %dma_wait3A_680 = tpu.memref_slice %arg6[%add3A_676, %dma_wait3A_679] : memref<204800x128xf32, #tpu.memory_space<hbm>> -> memref<128x128xf32, #tpu.memory_space<hbm>>
    tpu.wait_dma2 semaphore(%arg19 : memref<!tpu.dma_semaphore, #tpu.memory_space<semaphore_mem>>) src(%arg13 : memref<128x128xf32, #tpu.memory_space<vmem>>) dst(%dma_wait3A_680 : memref<128x128xf32, #tpu.memory_space<hbm>>)
    %add3A_681 = arith.constant 6272 : i32
    %add3A_682 = arith.addi %mul3A_2, %add3A_681 : i32
    %dma_wait3A_683 = arith.constant 0 : i32
    %dma_wait3A_684 = tpu.memref_slice %arg6[%add3A_682, %dma_wait3A_683] : memref<204800x128xf32, #tpu.memory_space<hbm>> -> memref<128x128xf32, #tpu.memory_space<hbm>>
    %dma_wait3A_685 = arith.constant 0 : i32
    %dma_wait3A_686 = tpu.memref_slice %arg6[%add3A_682, %dma_wait3A_685] : memref<204800x128xf32, #tpu.memory_space<hbm>> -> memref<128x128xf32, #tpu.memory_space<hbm>>
    tpu.wait_dma2 semaphore(%arg20 : memref<!tpu.dma_semaphore, #tpu.memory_space<semaphore_mem>>) src(%arg14 : memref<128x128xf32, #tpu.memory_space<vmem>>) dst(%dma_wait3A_686 : memref<128x128xf32, #tpu.memory_space<hbm>>)
    return
  }
}

</mosaic_0001>

<sc_bundles>
// kernel: kernel.3.cloned.1.call-start
scs
__scs_entry_jumppad:
0x0: {  	(pc) =	sbr.rel $0x88, $3  }
0x1: {  	(tag) =	ssettag $0x0;
	lr =	simm.s32 $0x1  }
0x2: {  	[smem:$0x3F9D] =	sst lr;
	_ =	strace $0xD0000000  }
0x3: {  	_ = 	snop  }
0x4: {  	_ = 	snop  }
0x5: {  	_ = 	snop  }
0x6: {  	_ = 	snop  }
0x7: {  	_ = 	snop  }
__scs_overlays_trampoline_lowered:
0x8: {  	[smem:$0x3FAC] =	sst s0  }
0x9: {  	[smem:$0x3FAD] =	sst s1  }
0xa: {  	[smem:$0x3FAE] =	sst s2  }
0xb: {  	[smem:$0x3FAF] =	sst s3  }
0xc: {  	[smem:$0x3FB0] =	sst s4  }
0xd: {  	[smem:$0x3FB1] =	sst s5  }
0xe: {  	[smem:$0x3FB2] =	sst s6  }
0xf: {  	[smem:$0x3FB3] =	sst s7  }
0x10: {  	[smem:$0x3FB4] =	sst s8  }
0x11: {  	[smem:$0x3FB5] =	sst s9;
	s0 =	simm.s32 @!p0 $0x0  }
0x12: {  	s1 =	sld [smem:$0x3F9B];
	s0 =	simm.s32 @p0 $0x1  }
0x13: {  	[smem:$0x3FB6] =	sst s0;
	s0 =	simm.s32 @!p1 $0x0  }
0x14: {  	s2 =	sld [smem:$0x3F9A];
	s0 =	simm.s32 @p1 $0x1  }
0x15: {  	[smem:$0x3FB7] =	sst s0;
	s0 =	simm.s32 @!p2 $0x0  }
0x16: {  	s3 =	sld [smem:$0x3FDB];
	s0 =	simm.s32 @p2 $0x1  }
0x17: {  	s4 =	simm.s32 $0x1BF5;
	[smem:$0x3FB9] =	sst s0  }
0x18: {  	s0 =	sld [smem:$0x3F9C];
	_ =	swait.ge [sflag:s4], $0x0  }
0x19: {  	s7 =	sld [smem:$0x3F9D]  }
0x1a: {  	s8 =	sadd.s32 $0xFFFFE003, lr  }
0x1b: {  	s9 =	sadd.s32 $0xFFFFFEF7, lr;
	s5 =	simm.s32 $0xFFFFFFFF;
	p2 =	slt.u32 s8, $0xFFFFF086  }
0x1c: {  	p1 =	slt.u32 s9, $0xF7A;
	s5 =	simm.s32 @!p2 $0x0  }
0x1d: {  	s5 =	simm.s32 @p1 $0x1;
	p0 =	seq.s32 s7, s2  }
0x1e: {  	s7 =	smul.u32 @!p0 $0xF7A, s2;
	p2 =	seq.s32 @!p0 s5, $0x0  }
0x1f: {  	s9 =	smul.u32 $0xF7A, s1;
	s8 =	simm.s32 @!p0 $0x1BF5;
	p2 =	por !p2, p0  }
0x20: {  	[sflag:s8] =	ssyncset.s32 @!p0 $0xFFFFF086;
	s6 =	sadd.s32 @!p0 s3, s7;
	s7 =	simm.s32 @!p0 $0x108  }
0x21: {  	s3 =	sadd.s32 s3, s9;
	s6 =	sadd.s32 @!p0 $0x88, s6;
	s7 =	simm.s32 @p2 $0x1082  }
0x22: {  	[simem:s7], [sflag:s8] =	dma.local @!p0 [hbm:s6], $0xF7A  }
0x23: {  	s9 =	sor.u32 $0xD0000000, s2;
	s6 =	simm.s32 $0x108;
	_ =	swait.ge @!p0 [sflag:s8], $0x0  }
0x24: {  	s3 =	sadd.s32 $0x88, s3;
	s6 =	simm.s32 @!p1 $0x1082;
	[sflag:s4] =	ssyncset.s32 $0xFFFFF086  }
0x25: {  	[simem:s6], [sflag:s4] =	dma.local [hbm:s3], $0xF7A  }
0x26: {  	[smem:$0x3F9D] =	sst s1;
	(tag) =	ssettag s2;
	_ =	strace s9  }
0x27: {  	s1 =	sld [smem:$0x3FAD]  }
0x28: {  	s2 =	sld [smem:$0x3FAE]  }
0x29: {  	s4 =	sld [smem:$0x3FB0]  }
0x2a: {  	p0 =	seq.s32 s5, $0x0;
	s5 =	sld [smem:$0x3FB1]  }
0x2b: {  	s6 =	sld [smem:$0x3FB2]  }
0x2c: {  	s7 =	sld [smem:$0x3FB3]  }
0x2d: {  	s3 =	simm.s32 $0x108;
	s8 =	sld [smem:$0x3FB4]  }
0x2e: {  	s3 =	simm.s32 @!p0 $0x1082;
	s9 =	sld [smem:$0x3FB5]  }
0x2f: {  	lr =	sadd.s32 s0, s3;
	s0 =	sld [smem:$0x3FAC]  }
0x30: {  	s3 =	sld [smem:$0x3FAF]  }
0x31: {  	[smem:$0x3FB8] =	sst s10  }
0x32: {  	s10 =	sld [smem:$0x3FB6];
	_ =	sdelay $0x3  }
0x33: {  	p0 =	seq.s32 s10, $0x1;
	s10 =	sld [smem:$0x3FB8];
	_ =	sdelay $0x3  }
0x34: {  	[smem:$0x3FB8] =	sst s10  }
0x35: {  	s10 =	sld [smem:$0x3FB7];
	_ =	sdelay $0x3  }
0x36: {  	p1 =	seq.s32 s10, $0x1;
	s10 =	sld [smem:$0x3FB8];
	_ =	sdelay $0x3  }
0x37: {  	[smem:$0x3FB8] =	sst s10  }
0x38: {  	s10 =	sld [smem:$0x3FB9]  }
0x39: {  	_ = 	snop;
	(pc) =	sbr.ind lr, $3  }
0x3a: {  	_ = 	snop  }
0x3b: {  	_ = 	snop  }
0x3c: {  	p2 =	seq.s32 s10, $0x1;
	s10 =	sld [smem:$0x3FB8]  }
0x3d: {  	_ =	shalt  }
0x3e: {  	_ =	shalt  }
0x3f: {  	_ =	shalt  }
0x40: {  	_ =	shalt  }
0x41: {  	_ =	shalt  }
0x42: {  	_ =	shalt  }
0x43: {  	_ =	shalt  }
0x44: {  	_ =	shalt  }
0x45: {  	_ =	shalt  }
0x46: {  	_ =	shalt  }
0x47: {  	_ =	shalt  }
0x48: {  	_ =	shalt  }
0x49: {  	_ =	shalt  }
0x4a: {  	_ =	shalt  }
0x4b: {  	_ =	shalt  }
0x4c: {  	_ =	shalt  }
0x4d: {  	_ =	shalt  }
0x4e: {  	_ =	shalt  }
0x4f: {  	_ =	shalt  }
0x50: {  	_ =	shalt  }
0x51: {  	_ =	shalt  }
0x52: {  	_ =	shalt  }
0x53: {  	_ =	shalt  }
0x54: {  	_ =	shalt  }
0x55: {  	_ =	shalt  }
0x56: {  	_ =	shalt  }
0x57: {  	_ =	shalt  }
0x58: {  	_ =	shalt  }
0x59: {  	_ =	shalt  }
0x5a: {  	_ =	shalt  }
0x5b: {  	_ =	shalt  }
0x5c: {  	_ =	shalt  }
0x5d: {  	_ =	shalt  }
0x5e: {  	_ =	shalt  }
0x5f: {  	_ =	shalt  }
0x60: {  	_ =	shalt  }
0x61: {  	_ =	shalt  }
0x62: {  	_ =	shalt  }
0x63: {  	_ =	shalt  }
0x64: {  	_ =	shalt  }
0x65: {  	_ =	shalt  }
0x66: {  	_ =	shalt  }
0x67: {  	_ =	shalt  }
0x68: {  	_ =	shalt  }
0x69: {  	_ =	shalt  }
0x6a: {  	_ =	shalt  }
0x6b: {  	_ =	shalt  }
0x6c: {  	_ =	shalt  }
0x6d: {  	_ =	shalt  }
0x6e: {  	_ =	shalt  }
0x6f: {  	_ =	shalt  }
0x70: {  	_ =	shalt  }
0x71: {  	_ =	shalt  }
0x72: {  	_ =	shalt  }
0x73: {  	_ =	shalt  }
0x74: {  	_ =	shalt  }
0x75: {  	_ =	shalt  }
0x76: {  	_ =	shalt  }
0x77: {  	_ =	shalt  }
0x78: {  	_ =	shalt  }
0x79: {  	_ =	shalt  }
0x7a: {  	_ =	shalt  }
0x7b: {  	_ =	shalt  }
0x7c: {  	_ =	shalt  }
0x7d: {  	_ =	shalt  }
0x7e: {  	_ =	shalt  }
0x7f: {  	_ =	shalt  }
0x80: {  	_ =	shalt  }
0x81: {  	_ =	shalt  }
0x82: {  	_ =	shalt  }
0x83: {  	_ =	shalt  }
0x84: {  	_ =	shalt  }
0x85: {  	_ =	shalt  }
0x86: {  	_ =	shalt  }
0x87: {  	_ =	shalt  }
.Lfunc_end0:
.L_simem_size_0:
called_computation_lowered:
.L_overlay_start_0:
0x88: {  	s2 =	sld [smem:$0x3FD9]  }
0x89: {  	s3 =	sld [smem:$0x3FFE];
	_ =	sdelay $0x1  }
0x8a: {  	s1 =	srdreg.scid  }
0x8b: {  	s0 =	sand.u32 $0x1, s1  }
0x8c: {  	s17 =	sshll.u32 s0, $0xA;
	s2 =	sadd.s32 s3, s2  }
0x8d: {  	s2 =	sadd.s32 s2, s17  }
0x8e: {  	[smem:$0x3FC4] =	sst s2  }
0x8f: {  	_ = 	snop  }
0x90: {  	s2 =	sld [smem:$0x3FC7]  }
0x91: {  	s18 =	sld [smem:$0x3FD0];
	(tm) =	ssettm $0x1  }
0x92: {  	s4 =	sld [smem:$0x3FFB];
	_ =	sdelay $0x3  }
0x93: {  	_ =	strace s4  }
0x94: {  	s4 =	sld [smem:$0x3FFC];
	_ =	sdelay $0x3  }
0x95: {  	_ =	strace s4  }
0x96: {  	s4 =	sld [smem:$0x3FFD];
	_ =	sdelay $0x3  }
0x97: {  	_ =	strace s4  }
0x98: {  	_ =	strace $0x8FFFFFFF  }
0x99: {  	s19 =	sld [smem:$0x3FDB];
	_ =	sdelay $0x1  }
0x9a: {  	s5 =	simm.s32 $_scs_section_size  }
0x9b: {  	s6 =	simm.s32 $_size__tile_overlayer_lowered;
	s7 =	simm.s32 $_tile_overlayer_lowered  }
0x9c: {  	s22 =	simm.s32 $0x1BFF;
	s21 =	sshll.u32 s7, $0x1;
	s4 =	sadd.s32 s5, s19  }
0x9d: {  	s8 =	simm.s32 $0x0;
	s20 =	sshll.u32 s6, $0x1;
	s6 =	sadd.s32 s21, s4  }
0x9e: {  	[timem:s8], [sflag:s22] =	dma.local [hbm:s6], s20  }
0x9f: {  	_ =	swait.ge [sflag:s22], s20  }
0xa0: {  	s5 =	ssub.s32 $0x0, s20;
	[sflag:s22] =	ssyncset.done $0x0  }
0xa1: {  	[sflag:s22] =	ssyncadd.s32 s5;
	_ =	sdelay $0x1  }
0xa2: {  	s23 =	simm.s32 $0x1B8B  }
0xa3: {  	_ =	swait.ge [sflag:s23], $0x1  }
0xa4: {  	[sflag:s23] =	ssyncset.done $0x0  }
0xa5: {  	s25 =	simm.s32 $0x1B8E;
	s24 =	sld [smem:$0x3FFE];
	[sflag:s23] =	ssyncadd.s32 $0xFFFFFFFF  }
0xa6: {  	s26 =	simm.s32 $execute0_lowered;
	[smem:$0x3FD2] =	sst s25  }
0xa7: {  	s6 =	sshll.u32 s26, $0x1;
	_ =	strace $0x80000046;
	[dreg:$0x1] =	wrdreg $0xFFFFFFFF  }
0xa8: {  	s28 =	simm.s32 $_size_execute0_lowered;
	s4 =	sadd.s32 s4, s6;
	[dreg:$0x0] =	wrdreg $0x0  }
0xa9: {  	s6 =	sshll.u32 s28, $0x1;
	[dreg:$0x2] =	wrdreg s4  }
0xaa: {  	[dreg:$0x3] =	wrdreg s6  }
0xab: {  	[dreg:$0x4] =	wrdreg $0xC0  }
0xac: {  	_ =	task [dreg:s8], $0x5FFFF  }
0xad: {  	[dreg:$0x1] =	wrdreg $0xFFFFFFFF  }
0xae: {  	[dreg:$0x0] =	wrdreg $0x60  }
0xaf: {  	[dreg:$0x2] =	wrdreg s2  }
0xb0: {  	[dreg:$0x3] =	wrdreg s24  }
0xb1: {  	[dreg:$0x4] =	wrdreg s18  }
0xb2: {  	[dreg:$0x5] =	wrdreg $0x1B2000  }
0xb3: {  	[dreg:$0x6] =	wrdreg $0x9  }
0xb4: {  	_ =	task.clear_ibuf [dreg:s8], $0x7FFFF;
	_ =	strace $0x90000046  }
0xb5: {  	s29 =	simm.s32 $0x9;
	_ =	strace $0x80000048  }
0xb6: {  	_ =	swait.ge [sflag:s29], $0x1  }
0xb7: {  	[sflag:s29] =	ssyncadd.s32 $0xFFFFFFFF  }
0xb8: {  	_ =	strace $0x90000048  }
0xb9: {  	_ =	sfence  }
0xba: {  	s30 =	sld [smem:$0x0];
	_ =	sdelay $0x2  }
0xbb: {  	s31 =	sshll.u32 s1, $0xD;
	s1 =	sshrl.u32 s1, $0x2  }
0xbc: {  	s3 =	sand.u32 $0x4000, s31;
	s1 =	sadd.s32 s1, s30  }
0xbd: {  	s0 =	sor.u32 s3, s0;
	s1 =	sshll.u32 s1, $0x11  }
0xbe: {  	s0 =	sor.u32 s1, s0  }
0xbf: {  	s0 =	sadd.s32 $0x8F2B, s0  }
0xc0: {  	[sflag:s0] =	ssyncadd.remote.s32 $0x1  }
0xc1: {  	_ =	sfence.sel $0xFFFF  }
0xc2: {  	[dreg:$0x0] =	wrdreg $0xFFFFFFFF;
	(pc) =	sbr.abs _section_cstart, $3  }
0xc3: {  	[dreg:$0x1] =	wrdreg $0xFFFFFFFF  }
0xc4: {  	_ =	task.clear_ibuf [dreg:s8], $0x2FFFF;
	_ =	strace $0x9FFFFFFF  }
0xc5: {  	(tm) =	ssettm $0x7FFFFFFF  }
tec
execute0_lowered:
.L_overlay_start_1:
0x0: {  	(tag) =	ssettag $0x1  }
0x1: {  	s0 =	srdreg.scid;
	s3 =	stileid.u32  }
0x2: {  	s5 =	sand.u32 $0x1, s0;
	s14 =	sshll.u32 s3, $0x1  }
0x3: {  	s0 =	sor.u32 s5, s14  }
0x4: {  	s0 =	smul.u32 $0x1900, s0  }
0x5: {  	v0 =	vlaneseq.u32  }
0x6: {  	v1 =	vor.u32 s0, v0;
	s1 =	sor.u32 $0x10, s0  }
0x7: {  	s15 =	sor.u32 $0x20, s0;
	v2 =	vmulhi.u32 $0x51EB851F, v1;
	v3 =	vor.u32 s1, v0  }
0x8: {  	s16 =	sor.u32 $0x30, s0;
	s20 =	sor.u32 $0x70, s0;
	v5 =	vor.u32 s15, v0;
	v4 =	vmulhi.u32 $0x51EB851F, v3  }
0x9: {  	s7 =	sor.u32 $0xD0, s0;
	s8 =	sor.u32 $0xE0, s0;
	v7 =	vor.u32 s16, v0;
	v11 =	vor.u32 s20, v0;
	v6 =	vmulhi.u32 $0x51EB851F, v5  }
0xa: {  	v17 =	vor.u32 s7, v0;
	v19 =	vor.u32 s8, v0;
	v8 =	vmulhi.u32 $0x51EB851F, v7  }
0xb: {  	v12 =	vmulhi.u32 $0x51EB851F, v11;
	v2 =	vshrl.u32 v2, $0x6;
	v4 =	vshrl.u32 v4, $0x6  }
0xc: {  	s18 =	sor.u32 $0x50, s0;
	v18 =	vmulhi.u32 $0x51EB851F, v17;
	v2 =	vmul.u32 $0xC8, v2;
	v4 =	vmul.u32 $0xC8, v4  }
0xd: {  	v9 =	vor.u32 s18, v0;
	v20 =	vmulhi.u32 $0x51EB851F, v19  }
0xe: {  	s17 =	sor.u32 $0x40, s0;
	v1 =	vsub.s32 v1, v2;
	v2 =	vsub.s32 v3, v4;
	v3 =	vshrl.u32 v6, $0x6  }
0xf: {  	s19 =	sor.u32 $0x60, s0;
	v4 =	vshrl.u32 v8, $0x6;
	v6 =	vor.u32 s17, v0;
	v3 =	vmul.u32 $0xC8, v3  }
0x10: {  	s2 =	sor.u32 $0x90, s0;
	v10 =	vor.u32 s19, v0;
	v4 =	vmul.u32 $0xC8, v4;
	v8 =	vmulhi.u32 $0x51EB851F, v6  }
0x11: {  	s1 =	sor.u32 $0x80, s0;
	v15 =	vor.u32 s2, v0;
	v3 =	vsub.s32 v5, v3;
	v5 =	vmulhi.u32 $0x51EB851F, v9  }
0x12: {  	v13 =	vor.u32 s1, v0;
	v4 =	vsub.s32 v7, v4;
	v7 =	vmulhi.u32 $0x51EB851F, v10  }
0x13: {  	v12 =	vshrl.u32 v12, $0x6;
	v8 =	vshrl.u32 v8, $0x6;
	v5 =	vshrl.u32 v5, $0x6  }
0x14: {  	v8 =	vmul.u32 $0xC8, v8;
	v7 =	vshrl.u32 v7, $0x6;
	v5 =	vmul.u32 $0xC8, v5  }
0x15: {  	v14 =	vmulhi.u32 $0x51EB851F, v13;
	v12 =	vmul.u32 $0xC8, v12;
	v7 =	vmul.u32 $0xC8, v7  }
0x16: {  	v6 =	vsub.s32 v6, v8;
	v8 =	vsub.s32 v9, v5;
	v5 =	vmulhi.u32 $0x51EB851F, v15  }
0x17: {  	s4 =	sor.u32 $0xA0, s0;
	v7 =	vsub.s32 v10, v7;
	v9 =	vsub.s32 v11, v12;
	v10 =	vshrl.u32 v14, $0x6  }
0x18: {  	s21 =	sor.u32 $0xB0, s0;
	v11 =	vor.u32 s4, v0;
	v10 =	vmul.u32 $0xC8, v10;
	v5 =	vshrl.u32 v5, $0x6  }
0x19: {  	s6 =	sor.u32 $0xC0, s0;
	v14 =	vor.u32 s21, v0;
	v12 =	vmulhi.u32 $0x51EB851F, v11;
	v5 =	vmul.u32 $0xC8, v5  }
0x1a: {  	s9 =	rddreg [dreg:$0x1];
	s28 =	simm.s32 $0x13200;
	v16 =	vor.u32 s6, v0;
	v10 =	vsub.s32 v13, v10;
	v13 =	vmulhi.u32 $0x51EB851F, v14  }
0x1b: {  	s29 =	simm.s32 $0x15200;
	s30 =	simm.s32 $0x4;
	s5 =	ssub.s32 $0x2, s5;
	v15 =	vsub.s32 v15, v5;
	v5 =	vmulhi.u32 $0x51EB851F, v16  }
0x1c: {  	s31 =	simm.s32 $0x17200;
	p0 =	sne.s32 s3, $0x0;
	s23 =	sshrl.u32 s5, $0x1;
	v18 =	vshrl.u32 v18, $0x6;
	v12 =	vshrl.u32 v12, $0x6;
	v13 =	vshrl.u32 v13, $0x6  }
0x1d: {  	s14 =	simm.s32 $0x1;
	s5 =	ssub.s32 s5, s23;
	s23 =	simm.s32 $0x9200;
	v12 =	vmul.u32 $0xC8, v12;
	v13 =	vmul.u32 $0xC8, v13;
	v5 =	vshrl.u32 v5, $0x6  }
0x1e: {  	s22 =	sshrl.u32 s0, $0x3;
	s25 =	sor.u32 $0xF0, s0;
	s2 =	rddreg [dreg:$0x0];
	v20 =	vshrl.u32 v20, $0x6;
	v18 =	vmul.u32 $0xC8, v18;
	v5 =	vmul.u32 $0xC8, v5  }
0x1f: {  	s26 =	smax.u32 s5, $0x1;
	s5 =	simm.s32 $0x19200;
	s6 =	rddreg [dreg:$0x3];
	v11 =	vsub.s32 v11, v12;
	v12 =	vsub.s32 v14, v13;
	v13 =	vmul.u32 $0xC8, v20  }
0x20: {  	s7 =	simm.s32 $0x0;
	s8 =	sadd.s32 s22, s9;
	s15 =	simm.s32 $0x2;
	v14 =	vsub.s32 v16, v5;
	v16 =	vsub.s32 v17, v18;
	v17 =	vor.u32 s25, v0  }
0x21: {  	s16 =	simm.s32 $0x40;
	s18 =	simm.s32 $0x5200;
	[smem:$0x7FF] =	sst s7;
	v1 =	vmul.u32 $0x3, v1;
	v18 =	vsub.s32 v19, v13;
	v13 =	vmulhi.u32 $0x51EB851F, v17  }
0x22: {  	s24 =	sadd.s32 $0x2600, s8;
	s8 =	sadd.s32 $0x8A00, s8;
	v2 =	vmul.u32 $0x3, v2;
	v3 =	vmul.u32 $0x3, v3;
	v4 =	vmul.u32 $0x3, v4;
	s4 =	rddreg [dreg:$0x2]  }
.Ltmp0:
0x23: {  	_ =	strace $0x80000047;
	[dreg:$0x5] =	wrdreg s24;
	v7 =	vmul.u32 $0x3, v7;
	v11 =	vmul.u32 $0x3, v11;
	v13 =	vshrl.u32 v13, $0x6;
	(pc) =	sbr.rel .LBB2_1-.Ltmp0, $4  }
0x24: {  	s19 =	simm.s32 $0x80;
	s20 =	simm.s32 $0xB200;
	[dreg:$0x6] =	wrdreg s8;
	v12 =	vmul.u32 $0x3, v12;
	v5 =	vmul.u32 $0x3, v6;
	v19 =	vmul.u32 $0xC8, v13  }
0x25: {  	s3 =	sshrl.u32 @!p0 s6, $0x3;
	s17 =	simm.s32 $0x3200;
	[dreg:$0x7] =	wrdreg s26;
	v6 =	vmul.u32 $0x3, v8;
	v8 =	vmul.u32 $0x3, v9;
	v9 =	vmul.u32 $0x3, v10  }
0x26: {  	[dreg:$0x8] =	wrdreg s3;
	s21 =	simm.s32 $0x7200;
	s26 =	simm.s32 $0x3;
	v10 =	vmul.u32 $0x3, v15;
	v15 =	vmul.u32 $0x3, v18;
	v17 =	vsub.s32 v17, v19  }
0x27: {  	s24 =	simm.s32 $0x0;
	s10 =	sadd.s32 $0x400, s4;
	s25 =	simm.s32 $0xF200;
	v13 =	vmul.u32 $0x3, v14;
	v14 =	vmul.u32 $0x3, v16;
	v16 =	vmul.u32 $0x3, v17  }
.LBB2_14:
0x28: {  	s3 =	simm.s32 $0x5  }
0x29: {  	_ =	swait.ge [sflag:s3], $0x4000  }
0x2a: {  	[sflag:s3] =	ssyncset.done $0x0  }
0x2b: {  	s8 =	simm.s32 $0x6;
	[sflag:s3] =	ssyncadd.s32 $0xFFFFC000  }
0x2c: {  	_ =	swait.ge [sflag:s8], $0x4000  }
0x2d: {  	s24 =	sadd.s32 $0x1, s24;
	s22 =	rddreg [dreg:$0x7]  }
0x2e: {  	p1 =	sne.s32 s24, s22  }
.Ltmp1:
0x2f: {  	_ = 	snop;
	(pc) =	sbr.rel @!p1 .LBB2_15-.Ltmp1, $3  }
0x30: {  	_ =	sdelay $0x1  }
0x31: {  	[sflag:s8] =	ssyncset.done $0x0  }
0x32: {  	[sflag:s8] =	ssyncadd.s32 $0xFFFFC000  }
.LBB2_1:
0x33: {  	s3 =	rddreg [dreg:$0x5]  }
0x34: {  	s12 =	rddreg [dreg:$0x6]  }
0x35: {  	s8 =	rddreg [dreg:$0x1]  }
0x36: {  	[tilespmem:s7], [sflag:$0x1] =	stream.linear.gather [hbm4b:s3+s7], $0x1900, $0x38;
	[tilespmem:$0x1C4C0] =	vst v63  }
0x37: {  	s9 =	simm.s32 $0x1900;
	s11 =	rddreg [dreg:$0x8];
	s3 =	simm.s32 @!p0 $0x1C07  }
0x38: {  	[tilespmem:s9], [sflag:$0x2] =	stream.linear.gather [hbm4b:s12+s7], $0x1900, $0x38;
	[tilespmem:$0x1C4C0] =	vst v63  }
0x39: {  	[spmem:s11], [sflag:s3] =	dma.local @!p0 [hbm:s8], $0x2580  }
0x3a: {  	s3 =	simm.s32 @!p0 $0x7  }
0x3b: {  	_ =	swait.ge @!p0 [sflag:s3], $0x2580  }
0x3c: {  	[sflag:s3] =	ssyncset.done @!p0 $0x0  }
0x3d: {  	[sflag:s3] =	ssyncadd.s32 @!p0 $0xFFFFDA80  }
0x3e: {  	_ =	swait.ge [sflag:s14], $0x1900  }
0x3f: {  	[sflag:s14] =	ssyncset.done $0x0  }
0x40: {  	[sflag:s14] =	ssyncadd.s32 $0xFFFFE700  }
0x41: {  	_ =	swait.ge [sflag:s15], $0x1900  }
0x42: {  	[sflag:s15] =	ssyncset.done $0x0  }
0x43: {  	[sflag:s15] =	ssyncadd.s32 $0xFFFFE700  }
0x44: {  	[bflag:$0x0] =	sbarrier.arrive $0xFFFF  }
0x45: {  	[tilespmem:s17], [sflag:$0x1] =	stream.indirect.gather [hbm4b:s2+s16], $0x80, s7, s16, $0xb8;
	[tilespmem:$0x1C4C0] =	vst v63  }
0x46: {  	_ = 	snop  }
0x47: {  	[tilespmem:s18], [sflag:$0x1] =	stream.indirect.gather [hbm4b:s2+s16], $0x80, s16, s16, $0xb8;
	[tilespmem:$0x1C4C0] =	vst v63  }
0x48: {  	v17 =	vld [tilespmem:$0x1900]  }
0x49: {  	v18 =	vld [tilespmem:$0x1910]  }
0x4a: {  	v19 =	vld [tilespmem:$0x1920]  }
0x4b: {  	v20 =	vld [tilespmem:$0x1930]  }
0x4c: {  	v21 =	vld [tilespmem:$0x1940]  }
0x4d: {  	v22 =	vld [tilespmem:$0x1950];
	v17 =	vadd.s32 v1, v17  }
0x4e: {  	[tilespmem:$0x1900] =	vst v17;
	v17 =	vadd.s32 v2, v18;
	v18 =	vld [tilespmem:$0x1960]  }
0x4f: {  	[tilespmem:$0x1910] =	vst v17;
	v17 =	vadd.s32 v3, v19;
	v19 =	vld [tilespmem:$0x1970]  }
0x50: {  	[tilespmem:$0x1920] =	vst v17;
	v17 =	vadd.s32 v4, v20  }
0x51: {  	[tilespmem:$0x1930] =	vst v17;
	v17 =	vadd.s32 v5, v21  }
0x52: {  	[tilespmem:$0x1940] =	vst v17;
	v17 =	vadd.s32 v6, v22  }
0x53: {  	[tilespmem:$0x1950] =	vst v17;
	v17 =	vadd.s32 v7, v18  }
0x54: {  	[tilespmem:$0x1960] =	vst v17;
	v17 =	vadd.s32 v8, v19  }
0x55: {  	[tilespmem:$0x1970] =	vst v17  }
0x56: {  	[tilespmem:s20], [sflag:$0x3] =	stream.indirect.gather [spmem:s6], $0x80, s9, s19, $0xb8;
	[tilespmem:$0x1C4C0] =	vst v63  }
0x57: {  	_ = 	snop  }
0x58: {  	[tilespmem:s21], [sflag:$0x2] =	stream.indirect.gather [hbm4b:s2+s16], $0x80, s19, s16, $0xb8;
	[tilespmem:$0x1C4C0] =	vst v63  }
0x59: {  	s13 =	simm.s32 $0xC0  }
0x5a: {  	[tilespmem:s23], [sflag:$0x2] =	stream.indirect.gather [hbm4b:s2+s16], $0x80, s13, s16, $0xb8;
	[tilespmem:$0x1C4C0] =	vst v63  }
0x5b: {  	v17 =	vld [tilespmem:$0x1980]  }
0x5c: {  	v18 =	vld [tilespmem:$0x1990]  }
0x5d: {  	v19 =	vld [tilespmem:$0x19A0]  }
0x5e: {  	v61 =	vld [tilespmem:$0x19B0]  }
0x5f: {  	v62 =	vld [tilespmem:$0x19C0]  }
0x60: {  	v63 =	vld [tilespmem:$0x19D0];
	v17 =	vadd.s32 v9, v17  }
0x61: {  	[tilespmem:$0x1980] =	vst v17;
	v17 =	vadd.s32 v10, v18;
	v18 =	vld [tilespmem:$0x19E0]  }
0x62: {  	[tilespmem:$0x1990] =	vst v17;
	v17 =	vadd.s32 v11, v19;
	v19 =	vld [tilespmem:$0x19F0]  }
0x63: {  	[tilespmem:$0x19A0] =	vst v17;
	v17 =	vadd.s32 v12, v61  }
0x64: {  	[tilespmem:$0x19B0] =	vst v17;
	v17 =	vadd.s32 v13, v62  }
0x65: {  	[tilespmem:$0x19C0] =	vst v17;
	v17 =	vadd.s32 v14, v63  }
0x66: {  	[tilespmem:$0x19D0] =	vst v17;
	v17 =	vadd.s32 v15, v18  }
0x67: {  	[tilespmem:$0x19E0] =	vst v17;
	v17 =	vadd.s32 v16, v19  }
0x68: {  	s22 =	simm.s32 $0x1980;
	s8 =	simm.s32 $0x0;
	[tilespmem:$0x19F0] =	vst v17  }
0x69: {  	[tilespmem:s25], [sflag:$0x4] =	stream.indirect.gather [spmem:s6], $0x80, s22, s19, $0xb8;
	[tilespmem:$0x1C4C0] =	vst v63  }
.LBB2_2:
0x6a: {  	_ =	swait.ge [sflag:s14], $0x2000  }
0x6b: {  	[sflag:s14] =	ssyncset.done $0x0  }
0x6c: {  	[sflag:s14] =	ssyncadd.s32 $0xFFFFE000  }
0x6d: {  	_ =	swait.ge [sflag:s14], $0x2000  }
0x6e: {  	[sflag:s14] =	ssyncset.done $0x0  }
0x6f: {  	[sflag:s14] =	ssyncadd.s32 $0xFFFFE000  }
0x70: {  	_ =	swait.ge [sflag:s26], $0x4000  }
0x71: {  	p1 =	seq.s32 s8, $0x0;
	[sflag:s26] =	ssyncset.done $0x0  }
0x72: {  	s3 =	simm.s32 @!p1 $0x5;
	[sflag:s26] =	ssyncadd.s32 $0xFFFFC000  }
0x73: {  	_ =	swait.ge @!p1 [sflag:s3], $0x4000  }
0x74: {  	[sflag:s3] =	ssyncset.done @!p1 $0x0  }
0x75: {  	s11 =	simm.s32 $0x0;
	[sflag:s3] =	ssyncadd.s32 @!p1 $0xFFFFC000  }
0x76: {  	v17 =	vld [tilespmem:s11+$0x3270]  }
0x77: {  	v18 =	vld [tilespmem:s11+$0xB270]  }
0x78: {  	v19 =	vld [tilespmem:s11+$0x3200]  }
0x79: {  	v20 =	vld [tilespmem:s11+$0xB200]  }
0x7a: {  	v21 =	vld [tilespmem:s11+$0x3210]  }
0x7b: {  	v22 =	vld [tilespmem:s11+$0xB210]  }
0x7c: {  	v23 =	vld [tilespmem:s11+$0x3220]  }
0x7d: {  	v24 =	vld [tilespmem:s11+$0x3230]  }
0x7e: {  	v17 =	vadd.f32 v18, v17;
	v18 =	vld [tilespmem:s11+$0xB220]  }
0x7f: {  	v19 =	vadd.f32 v20, v19;
	v20 =	vld [tilespmem:s11+$0xB230]  }
0x80: {  	v25 =	vld [tilespmem:s11+$0xB240]  }
0x81: {  	[tilespmem:s11+$0x13270] =	vst v17;
	v17 =	vadd.f32 v22, v21;
	v21 =	vld [tilespmem:s11+$0x3240]  }
0x82: {  	[tilespmem:s11+$0x13200] =	vst v19;
	v19 =	vld [tilespmem:s11+$0xB250]  }
0x83: {  	[tilespmem:s11+$0x13210] =	vst v17;
	v17 =	vld [tilespmem:s11+$0x3250];
	v18 =	vadd.f32 v18, v23  }
0x84: {  	v23 =	vadd.f32 v20, v24;
	v20 =	vld [tilespmem:s11+$0xB260]  }
0x85: {  	s12 =	sshll.u32 s8, $0x8;
	s3 =	simm.s32 $0x80;
	[tilespmem:s11+$0x13220] =	vst v18;
	v18 =	vld [tilespmem:s11+$0x3260]  }
0x86: {  	s9 =	sshll.u32 s8, $0x1;
	s22 =	simm.s32 $0x400;
	s13 =	sadd.s32 s0, s12;
	v22 =	vld [tilespmem:s3+$0x3270];
	[tilespmem:s11+$0x13230] =	vst v23;
	v21 =	vadd.f32 v25, v21  }
.LBB2_3:
0x87: {  	p2 =	sne.s32 s22, $0x7E00;
	v23 =	vld [tilespmem:s3+$0xB270]  }
0x88: {  	v24 =	vld [tilespmem:s3+$0x3200];
	[tilespmem:s11+$0x13240] =	vst v21;
	v17 =	vadd.f32 v19, v17  }
0x89: {  	v19 =	vld [tilespmem:s3+$0xB200]  }
0x8a: {  	v21 =	vld [tilespmem:s3+$0x3210];
	[tilespmem:s11+$0x13250] =	vst v17;
	v17 =	vadd.f32 v20, v18  }
0x8b: {  	v18 =	vld [tilespmem:s3+$0xB210]  }
0x8c: {  	v20 =	vld [tilespmem:s3+$0x3220];
	v22 =	vadd.f32 v23, v22;
	[tilespmem:s11+$0x13260] =	vst v17;
	s11 =	smov.u32 s3  }
0x8d: {  	v17 =	vld [tilespmem:s11+$0xB220]  }
0x8e: {  	v19 =	vadd.f32 v19, v24;
	v23 =	vld [tilespmem:s11+$0x3230];
	[tilespmem:s11+$0x13270] =	vst v22  }
0x8f: {  	v22 =	vld [tilespmem:s11+$0xB230]  }
0x90: {  	[tilespmem:s11+$0x13200] =	vst v19;
	v18 =	vadd.f32 v18, v21;
	v21 =	vld [tilespmem:s11+$0x3240]  }
0x91: {  	v24 =	vld [tilespmem:s11+$0xB240]  }
.Ltmp2:
0x92: {  	[tilespmem:s11+$0x13210] =	vst v18;
	v18 =	vadd.f32 v17, v20;
	v17 =	vld [tilespmem:s11+$0x3250];
	(pc) =	sbr.rel @p2 .LBB2_3-.Ltmp2, $4  }
0x93: {  	v19 =	vld [tilespmem:s11+$0xB250]  }
0x94: {  	[tilespmem:s11+$0x13220] =	vst v18;
	v23 =	vadd.f32 v22, v23;
	v18 =	vld [tilespmem:s11+$0x3260]  }
0x95: {  	s3 =	sshra.s32 s22, $0x2;
	v20 =	vld [tilespmem:s11+$0xB260]  }
0x96: {  	s22 =	sadd.s32 $0x200, s22;
	v22 =	vld [tilespmem:s3+$0x3270];
	[tilespmem:s11+$0x13230] =	vst v23;
	v21 =	vadd.f32 v24, v21  }
0x97: {  	v23 =	vld [tilespmem:s3+$0xB270]  }
0x98: {  	v24 =	vld [tilespmem:s3+$0x3200]  }
0x99: {  	v25 =	vld [tilespmem:s3+$0xB200]  }
0x9a: {  	v26 =	vld [tilespmem:s3+$0x3210]  }
0x9b: {  	v27 =	vld [tilespmem:s3+$0xB210]  }
0x9c: {  	v28 =	vld [tilespmem:s3+$0x3220]  }
0x9d: {  	v29 =	vld [tilespmem:s3+$0x3230]  }
0x9e: {  	v22 =	vadd.f32 v23, v22;
	v23 =	vld [tilespmem:s3+$0xB220]  }
0x9f: {  	v58 =	vld [tilespmem:s3+$0x3240]  }
0xa0: {  	v59 =	vld [tilespmem:s3+$0xB240]  }
0xa1: {  	v60 =	vld [tilespmem:s3+$0x3250]  }
0xa2: {  	v17 =	vadd.f32 v19, v17;
	[tilespmem:s3+$0x13270] =	vst v22;
	v22 =	vld [tilespmem:s3+$0xB230]  }
0xa3: {  	v61 =	vld [tilespmem:s3+$0xB250];
	[tilespmem:s11+$0x13240] =	vst v21;
	v23 =	vadd.f32 v23, v28  }
0xa4: {  	v19 =	vld [tilespmem:s3+$0xB260];
	v18 =	vadd.f32 v20, v18;
	[tilespmem:s11+$0x13250] =	vst v17  }
0xa5: {  	v24 =	vadd.f32 v25, v24;
	[tilespmem:s3+$0x13220] =	vst v23;
	v23 =	vld [tilespmem:s3+$0x3260]  }
0xa6: {  	v57 =	vadd.f32 v27, v26;
	[tilespmem:s11+$0x13260] =	vst v18  }
0xa7: {  	[tilespmem:s3+$0x13200] =	vst v24;
	v17 =	vadd.f32 v22, v29  }
0xa8: {  	v18 =	vadd.f32 v59, v58;
	[tilespmem:s3+$0x13210] =	vst v57  }
0xa9: {  	[tilespmem:s3+$0x13230] =	vst v17;
	v17 =	vadd.f32 v61, v60  }
0xaa: {  	[tilespmem:s3+$0x13240] =	vst v18;
	v18 =	vadd.f32 v19, v23  }
0xab: {  	s11 =	sshll.u32 s13, $0x4;
	[tilespmem:s3+$0x13250] =	vst v17  }
0xac: {  	s22 =	simm.s32 $0x0;
	s13 =	sadd.s32 s4, s11;
	[tilespmem:s3+$0x13260] =	vst v18  }
0xad: {  	[hbm4b:s13+s22] =	stream.linear.scatter [tilespmem:s28], [sflag:$0x5], $0x2000, $0x38;
	[tilespmem:$0x1C4C0] =	vst v63  }
0xae: {  	s13 =	simm.s32 $0x0  }
0xaf: {  	v17 =	vld [tilespmem:s13+$0x5270]  }
0xb0: {  	v18 =	vld [tilespmem:s13+$0xD270]  }
0xb1: {  	v19 =	vld [tilespmem:s13+$0x5200]  }
0xb2: {  	v20 =	vld [tilespmem:s13+$0xD200]  }
0xb3: {  	v21 =	vld [tilespmem:s13+$0x5210]  }
0xb4: {  	v22 =	vld [tilespmem:s13+$0xD210]  }
0xb5: {  	v23 =	vld [tilespmem:s13+$0x5220]  }
0xb6: {  	v62 =	vld [tilespmem:s13+$0x5230]  }
0xb7: {  	v17 =	vadd.f32 v18, v17;
	v18 =	vld [tilespmem:s13+$0xD220]  }
0xb8: {  	v19 =	vadd.f32 v20, v19;
	v20 =	vld [tilespmem:s13+$0xD230]  }
0xb9: {  	v63 =	vld [tilespmem:s13+$0xD240]  }
0xba: {  	[tilespmem:s13+$0x15270] =	vst v17;
	v17 =	vadd.f32 v22, v21;
	v21 =	vld [tilespmem:s13+$0x5240]  }
0xbb: {  	[tilespmem:s13+$0x15200] =	vst v19;
	v19 =	vld [tilespmem:s13+$0xD250]  }
0xbc: {  	[tilespmem:s13+$0x15210] =	vst v17;
	v17 =	vld [tilespmem:s13+$0x5250];
	v18 =	vadd.f32 v18, v23  }
0xbd: {  	v23 =	vadd.f32 v20, v62;
	v20 =	vld [tilespmem:s13+$0xD260]  }
0xbe: {  	s3 =	simm.s32 $0x80;
	[tilespmem:s13+$0x15220] =	vst v18;
	v18 =	vld [tilespmem:s13+$0x5260]  }
0xbf: {  	s22 =	simm.s32 $0x400;
	v22 =	vld [tilespmem:s3+$0x5270];
	[tilespmem:s13+$0x15230] =	vst v23;
	v21 =	vadd.f32 v63, v21  }
.LBB2_5:
0xc0: {  	p2 =	sne.s32 s22, $0x7E00;
	v23 =	vld [tilespmem:s3+$0xD270]  }
0xc1: {  	v24 =	vld [tilespmem:s3+$0x5200];
	[tilespmem:s13+$0x15240] =	vst v21;
	v17 =	vadd.f32 v19, v17  }
0xc2: {  	v19 =	vld [tilespmem:s3+$0xD200]  }
0xc3: {  	v21 =	vld [tilespmem:s3+$0x5210];
	[tilespmem:s13+$0x15250] =	vst v17;
	v17 =	vadd.f32 v20, v18  }
0xc4: {  	v18 =	vld [tilespmem:s3+$0xD210]  }
0xc5: {  	v20 =	vld [tilespmem:s3+$0x5220];
	v22 =	vadd.f32 v23, v22;
	[tilespmem:s13+$0x15260] =	vst v17;
	s13 =	smov.u32 s3  }
0xc6: {  	v17 =	vld [tilespmem:s13+$0xD220]  }
0xc7: {  	v19 =	vadd.f32 v19, v24;
	v23 =	vld [tilespmem:s13+$0x5230];
	[tilespmem:s13+$0x15270] =	vst v22  }
0xc8: {  	v22 =	vld [tilespmem:s13+$0xD230]  }
0xc9: {  	[tilespmem:s13+$0x15200] =	vst v19;
	v18 =	vadd.f32 v18, v21;
	v21 =	vld [tilespmem:s13+$0x5240]  }
0xca: {  	v24 =	vld [tilespmem:s13+$0xD240]  }
.Ltmp3:
0xcb: {  	[tilespmem:s13+$0x15210] =	vst v18;
	v18 =	vadd.f32 v17, v20;
	v17 =	vld [tilespmem:s13+$0x5250];
	(pc) =	sbr.rel @p2 .LBB2_5-.Ltmp3, $4  }
0xcc: {  	v19 =	vld [tilespmem:s13+$0xD250]  }
0xcd: {  	[tilespmem:s13+$0x15220] =	vst v18;
	v23 =	vadd.f32 v22, v23;
	v18 =	vld [tilespmem:s13+$0x5260]  }
0xce: {  	s3 =	sshra.s32 s22, $0x2;
	v20 =	vld [tilespmem:s13+$0xD260]  }
0xcf: {  	s22 =	sadd.s32 $0x200, s22;
	v22 =	vld [tilespmem:s3+$0x5270];
	[tilespmem:s13+$0x15230] =	vst v23;
	v21 =	vadd.f32 v24, v21  }
0xd0: {  	v23 =	vld [tilespmem:s3+$0xD270]  }
0xd1: {  	v24 =	vld [tilespmem:s3+$0x5200]  }
0xd2: {  	v25 =	vld [tilespmem:s3+$0xD200]  }
0xd3: {  	v26 =	vld [tilespmem:s3+$0x5210]  }
0xd4: {  	v27 =	vld [tilespmem:s3+$0xD210]  }
0xd5: {  	v28 =	vld [tilespmem:s3+$0x5220]  }
0xd6: {  	v56 =	vld [tilespmem:s3+$0xD220]  }
0xd7: {  	v29 =	vld [tilespmem:s3+$0x5230]  }
0xd8: {  	v57 =	vld [tilespmem:s3+$0xD230]  }
0xd9: {  	v59 =	vld [tilespmem:s3+$0x5240]  }
0xda: {  	v60 =	vld [tilespmem:s3+$0xD240];
	v17 =	vadd.f32 v19, v17  }
0xdb: {  	v61 =	vld [tilespmem:s3+$0x5250];
	[tilespmem:s13+$0x15240] =	vst v21;
	v18 =	vadd.f32 v20, v18  }
0xdc: {  	v62 =	vld [tilespmem:s3+$0xD250];
	[tilespmem:s13+$0x15250] =	vst v17;
	v22 =	vadd.f32 v23, v22  }
0xdd: {  	v63 =	vld [tilespmem:s3+$0x5260];
	v24 =	vadd.f32 v25, v24;
	[tilespmem:s13+$0x15260] =	vst v18  }
0xde: {  	v19 =	vld [tilespmem:s3+$0xD260];
	v58 =	vadd.f32 v27, v26;
	[tilespmem:s3+$0x15270] =	vst v22  }
0xdf: {  	v23 =	vadd.f32 v56, v28;
	[tilespmem:s3+$0x15200] =	vst v24  }
0xe0: {  	v17 =	vadd.f32 v57, v29;
	[tilespmem:s3+$0x15210] =	vst v58  }
0xe1: {  	p2 =	seq.s32 s8, $0x18;
	v18 =	vadd.f32 v60, v59;
	[tilespmem:s3+$0x15220] =	vst v23  }
.Ltmp4:
0xe2: {  	[tilespmem:s3+$0x15230] =	vst v17;
	v17 =	vadd.f32 v62, v61;
	(pc) =	sbr.rel @p2 .LBB2_8-.Ltmp4, $4  }
0xe3: {  	[tilespmem:s3+$0x15240] =	vst v18;
	v18 =	vadd.f32 v19, v63  }
0xe4: {  	[tilespmem:s3+$0x15250] =	vst v17  }
0xe5: {  	s22 =	sadd.s32 s11, s10;
	[tilespmem:s3+$0x15260] =	vst v18  }
0xe6: {  	[hbm4b:s22+s7] =	stream.linear.scatter [tilespmem:s29], [sflag:$0x5], $0x2000, $0x38;
	[tilespmem:$0x1C4C0] =	vst v63  }
0xe7: {  	s3 =	sshll.u32 s9, $0x7  }
0xe8: {  	s11 =	sadd.s32 $0x100, s3  }
0xe9: {  	[tilespmem:s17], [sflag:$0x1] =	stream.indirect.gather [hbm4b:s2+s16], $0x80, s11, s16, $0xb8;
	[tilespmem:$0x1C4C0] =	vst v63  }
0xea: {  	s13 =	sadd.s32 s0, s11  }
0xeb: {  	v17 =	vor.u32 s13, v0;
	s22 =	sor.u32 $0x10, s13  }
0xec: {  	s3 =	sadd.s32 $0x140, s3;
	v18 =	vmulhi.u32 $0x51EB851F, v17;
	v19 =	vor.u32 s22, v0;
	s22 =	sor.u32 $0x20, s13  }
0xed: {  	[tilespmem:s18], [sflag:$0x1] =	stream.indirect.gather [hbm4b:s2+s16], $0x80, s3, s16, $0xb8;
	v20 =	vmulhi.u32 $0x51EB851F, v19;
	v21 =	vor.u32 s22, v0;
	[tilespmem:$0x1C4C0] =	vst v63  }
0xee: {  	s22 =	sor.u32 $0x30, s13;
	v18 =	vshrl.u32 v18, $0x6;
	v22 =	vmulhi.u32 $0x51EB851F, v21  }
0xef: {  	v25 =	vor.u32 s22, v0;
	s22 =	sor.u32 $0x40, s13;
	v18 =	vmul.u32 $0xC8, v18;
	v20 =	vshrl.u32 v20, $0x6  }
0xf0: {  	v52 =	vmulhi.u32 $0x51EB851F, v25;
	v53 =	vor.u32 s22, v0;
	s22 =	sor.u32 $0x50, s13;
	v20 =	vmul.u32 $0xC8, v20  }
0xf1: {  	s3 =	sand.u32 $0x3FFFFF80, s11;
	v22 =	vshrl.u32 v22, $0x6;
	v54 =	vmulhi.u32 $0x51EB851F, v53;
	v55 =	vor.u32 s22, v0  }
0xf2: {  	v23 =	vld [tilespmem:s3+$0x1900];
	s22 =	sor.u32 $0x60, s13;
	s13 =	sor.u32 $0x70, s13;
	v17 =	vsub.s32 v17, v18;
	v18 =	vmul.u32 $0xC8, v22;
	v56 =	vmulhi.u32 $0x51EB851F, v55  }
0xf3: {  	v24 =	vld [tilespmem:s3+$0x1910];
	v57 =	vor.u32 s22, v0;
	v28 =	vor.u32 s13, v0;
	v17 =	vmul.u32 $0x3, v17  }
0xf4: {  	v19 =	vsub.s32 v19, v20;
	v20 =	vshrl.u32 v52, $0x6;
	v27 =	vmulhi.u32 $0x51EB851F, v57  }
0xf5: {  	v22 =	vshrl.u32 v54, $0x6;
	v30 =	vmulhi.u32 $0x51EB851F, v28;
	v19 =	vmul.u32 $0x3, v19  }
0xf6: {  	v51 =	vld [tilespmem:s3+$0x1920];
	v18 =	vsub.s32 v21, v18;
	v20 =	vmul.u32 $0xC8, v20;
	v22 =	vmul.u32 $0xC8, v22  }
0xf7: {  	v26 =	vld [tilespmem:s3+$0x1930];
	v17 =	vadd.s32 v17, v23;
	v18 =	vmul.u32 $0x3, v18;
	v27 =	vshrl.u32 v27, $0x6  }
0xf8: {  	v29 =	vld [tilespmem:s3+$0x1940];
	v60 =	vshrl.u32 v30, $0x6;
	v19 =	vadd.s32 v19, v24;
	v24 =	vshrl.u32 v56, $0x6  }
0xf9: {  	v31 =	vld [tilespmem:s3+$0x1950];
	v20 =	vsub.s32 v25, v20;
	[tilespmem:s3+$0x1900] =	vst v17;
	v17 =	vsub.s32 v53, v22;
	v24 =	vmul.u32 $0xC8, v24  }
0xfa: {  	v59 =	vld [tilespmem:s3+$0x1960];
	v58 =	vmul.u32 $0xC8, v27;
	v61 =	vmul.u32 $0xC8, v60;
	v20 =	vmul.u32 $0x3, v20  }
0xfb: {  	v62 =	vld [tilespmem:s3+$0x1970];
	v18 =	vadd.s32 v18, v51;
	[tilespmem:s3+$0x1910] =	vst v19;
	v17 =	vmul.u32 $0x3, v17;
	v19 =	vsub.s32 v55, v24  }
0xfc: {  	[tilespmem:s3+$0x1920] =	vst v18;
	v63 =	vsub.s32 v57, v58;
	v18 =	vadd.s32 v20, v26;
	v19 =	vmul.u32 $0x3, v19  }
0xfd: {  	v17 =	vadd.s32 v17, v29;
	v20 =	vmul.u32 $0x3, v63;
	[tilespmem:s3+$0x1930] =	vst v18;
	v18 =	vsub.s32 v28, v61  }
0xfe: {  	[tilespmem:s3+$0x1940] =	vst v17;
	v18 =	vmul.u32 $0x3, v18;
	v17 =	vadd.s32 v19, v31  }
0xff: {  	[tilespmem:s3+$0x1950] =	vst v17;
	v17 =	vadd.s32 v20, v59  }
0x100: {  	[tilespmem:s3+$0x1960] =	vst v17;
	v17 =	vadd.s32 v18, v62  }
0x101: {  	s22 =	sadd.s32 $0x1900, s3;
	[tilespmem:s3+$0x1970] =	vst v17  }
0x102: {  	[tilespmem:s20], [sflag:$0x3] =	stream.indirect.gather [spmem:s6], $0x80, s22, s19, $0xb8;
	[tilespmem:$0x1C4C0] =	vst v63  }
.LBB2_8:
0x103: {  	_ =	swait.ge [sflag:s15], $0x2000  }
0x104: {  	[sflag:s15] =	ssyncset.done $0x0  }
0x105: {  	[sflag:s15] =	ssyncadd.s32 $0xFFFFE000  }
0x106: {  	_ =	swait.ge [sflag:s15], $0x2000  }
0x107: {  	[sflag:s15] =	ssyncset.done $0x0  }
0x108: {  	[sflag:s15] =	ssyncadd.s32 $0xFFFFE000  }
0x109: {  	_ =	swait.ge [sflag:s30], $0x4000  }
0x10a: {  	[sflag:s30] =	ssyncset.done $0x0  }
0x10b: {  	s3 =	simm.s32 @!p1 $0x6;
	[sflag:s30] =	ssyncadd.s32 $0xFFFFC000  }
0x10c: {  	_ =	swait.ge @!p1 [sflag:s3], $0x4000  }
0x10d: {  	[sflag:s3] =	ssyncset.done @!p1 $0x0  }
0x10e: {  	s11 =	simm.s32 $0x0;
	[sflag:s3] =	ssyncadd.s32 @!p1 $0xFFFFC000  }
0x10f: {  	v17 =	vld [tilespmem:s11+$0x7270]  }
0x110: {  	v18 =	vld [tilespmem:s11+$0xF270]  }
0x111: {  	v19 =	vld [tilespmem:s11+$0x7200]  }
0x112: {  	v20 =	vld [tilespmem:s11+$0xF200]  }
0x113: {  	v21 =	vld [tilespmem:s11+$0x7210]  }
0x114: {  	v22 =	vld [tilespmem:s11+$0xF210]  }
0x115: {  	v23 =	vld [tilespmem:s11+$0x7220]  }
0x116: {  	v24 =	vld [tilespmem:s11+$0x7230]  }
0x117: {  	v17 =	vadd.f32 v18, v17;
	v18 =	vld [tilespmem:s11+$0xF220]  }
0x118: {  	v19 =	vadd.f32 v20, v19;
	v20 =	vld [tilespmem:s11+$0xF230]  }
0x119: {  	v25 =	vld [tilespmem:s11+$0xF240]  }
0x11a: {  	[tilespmem:s11+$0x17270] =	vst v17;
	v17 =	vadd.f32 v22, v21;
	v21 =	vld [tilespmem:s11+$0x7240]  }
0x11b: {  	[tilespmem:s11+$0x17200] =	vst v19;
	v19 =	vld [tilespmem:s11+$0xF250]  }
0x11c: {  	[tilespmem:s11+$0x17210] =	vst v17;
	v17 =	vld [tilespmem:s11+$0x7250];
	v18 =	vadd.f32 v18, v23  }
0x11d: {  	v23 =	vadd.f32 v20, v24;
	v20 =	vld [tilespmem:s11+$0xF260]  }
0x11e: {  	s3 =	simm.s32 $0x80;
	[tilespmem:s11+$0x17220] =	vst v18;
	v18 =	vld [tilespmem:s11+$0x7260]  }
0x11f: {  	s12 =	sadd.s32 s12, s1;
	s13 =	simm.s32 $0x400;
	v22 =	vld [tilespmem:s3+$0x7270];
	[tilespmem:s11+$0x17230] =	vst v23;
	v21 =	vadd.f32 v25, v21  }
.LBB2_9:
0x120: {  	p1 =	sne.s32 s13, $0x7E00;
	v23 =	vld [tilespmem:s3+$0xF270]  }
0x121: {  	v24 =	vld [tilespmem:s3+$0x7200];
	[tilespmem:s11+$0x17240] =	vst v21;
	v17 =	vadd.f32 v19, v17  }
0x122: {  	v19 =	vld [tilespmem:s3+$0xF200]  }
0x123: {  	v21 =	vld [tilespmem:s3+$0x7210];
	[tilespmem:s11+$0x17250] =	vst v17;
	v17 =	vadd.f32 v20, v18  }
0x124: {  	v18 =	vld [tilespmem:s3+$0xF210]  }
0x125: {  	v20 =	vld [tilespmem:s3+$0x7220];
	v22 =	vadd.f32 v23, v22;
	[tilespmem:s11+$0x17260] =	vst v17;
	s11 =	smov.u32 s3  }
0x126: {  	v17 =	vld [tilespmem:s11+$0xF220]  }
0x127: {  	v19 =	vadd.f32 v19, v24;
	v23 =	vld [tilespmem:s11+$0x7230];
	[tilespmem:s11+$0x17270] =	vst v22  }
0x128: {  	v22 =	vld [tilespmem:s11+$0xF230]  }
0x129: {  	[tilespmem:s11+$0x17200] =	vst v19;
	v18 =	vadd.f32 v18, v21;
	v21 =	vld [tilespmem:s11+$0x7240]  }
0x12a: {  	v24 =	vld [tilespmem:s11+$0xF240]  }
.Ltmp5:
0x12b: {  	[tilespmem:s11+$0x17210] =	vst v18;
	v18 =	vadd.f32 v17, v20;
	v17 =	vld [tilespmem:s11+$0x7250];
	(pc) =	sbr.rel @p1 .LBB2_9-.Ltmp5, $4  }
0x12c: {  	v19 =	vld [tilespmem:s11+$0xF250]  }
0x12d: {  	[tilespmem:s11+$0x17220] =	vst v18;
	v23 =	vadd.f32 v22, v23;
	v18 =	vld [tilespmem:s11+$0x7260]  }
0x12e: {  	s3 =	sshra.s32 s13, $0x2;
	v20 =	vld [tilespmem:s11+$0xF260]  }
0x12f: {  	s13 =	sadd.s32 $0x200, s13;
	v22 =	vld [tilespmem:s3+$0x7270];
	[tilespmem:s11+$0x17230] =	vst v23;
	v21 =	vadd.f32 v24, v21  }
0x130: {  	v23 =	vld [tilespmem:s3+$0xF270]  }
0x131: {  	v24 =	vld [tilespmem:s3+$0x7200]  }
0x132: {  	v25 =	vld [tilespmem:s3+$0xF200]  }
0x133: {  	v26 =	vld [tilespmem:s3+$0x7210]  }
0x134: {  	v27 =	vld [tilespmem:s3+$0xF210]  }
0x135: {  	v28 =	vld [tilespmem:s3+$0x7220]  }
0x136: {  	v29 =	vld [tilespmem:s3+$0x7230]  }
0x137: {  	v22 =	vadd.f32 v23, v22;
	v23 =	vld [tilespmem:s3+$0xF220]  }
0x138: {  	v58 =	vld [tilespmem:s3+$0x7240]  }
0x139: {  	v59 =	vld [tilespmem:s3+$0xF240]  }
0x13a: {  	v60 =	vld [tilespmem:s3+$0x7250]  }
0x13b: {  	v17 =	vadd.f32 v19, v17;
	[tilespmem:s3+$0x17270] =	vst v22;
	v22 =	vld [tilespmem:s3+$0xF230]  }
0x13c: {  	v61 =	vld [tilespmem:s3+$0xF250];
	[tilespmem:s11+$0x17240] =	vst v21;
	v23 =	vadd.f32 v23, v28  }
0x13d: {  	v19 =	vld [tilespmem:s3+$0xF260];
	v18 =	vadd.f32 v20, v18;
	[tilespmem:s11+$0x17250] =	vst v17  }
0x13e: {  	v24 =	vadd.f32 v25, v24;
	[tilespmem:s3+$0x17220] =	vst v23;
	v23 =	vld [tilespmem:s3+$0x7260]  }
0x13f: {  	v57 =	vadd.f32 v27, v26;
	[tilespmem:s11+$0x17260] =	vst v18  }
0x140: {  	[tilespmem:s3+$0x17200] =	vst v24;
	v17 =	vadd.f32 v22, v29  }
0x141: {  	v18 =	vadd.f32 v59, v58;
	[tilespmem:s3+$0x17210] =	vst v57  }
0x142: {  	[tilespmem:s3+$0x17230] =	vst v17;
	v17 =	vadd.f32 v61, v60  }
0x143: {  	[tilespmem:s3+$0x17240] =	vst v18;
	v18 =	vadd.f32 v19, v23  }
0x144: {  	s11 =	sshll.u32 s12, $0x4;
	[tilespmem:s3+$0x17250] =	vst v17  }
0x145: {  	s22 =	simm.s32 $0x0;
	s12 =	simm.s32 $0x0;
	s13 =	sadd.s32 s4, s11;
	[tilespmem:s3+$0x17260] =	vst v18  }
0x146: {  	[hbm4b:s13+s22] =	stream.linear.scatter [tilespmem:s31], [sflag:$0x6], $0x2000, $0x38;
	[tilespmem:$0x1C4C0] =	vst v63  }
0x147: {  	v17 =	vld [tilespmem:s12+$0x9270]  }
0x148: {  	v18 =	vld [tilespmem:s12+$0x11270]  }
0x149: {  	v19 =	vld [tilespmem:s12+$0x9200]  }
0x14a: {  	v20 =	vld [tilespmem:s12+$0x11200]  }
0x14b: {  	v21 =	vld [tilespmem:s12+$0x9210]  }
0x14c: {  	v22 =	vld [tilespmem:s12+$0x11210]  }
0x14d: {  	v23 =	vld [tilespmem:s12+$0x9220]  }
0x14e: {  	v62 =	vld [tilespmem:s12+$0x9230]  }
0x14f: {  	v17 =	vadd.f32 v18, v17;
	v18 =	vld [tilespmem:s12+$0x11220]  }
0x150: {  	v19 =	vadd.f32 v20, v19;
	v20 =	vld [tilespmem:s12+$0x11230]  }
0x151: {  	v63 =	vld [tilespmem:s12+$0x11240]  }
0x152: {  	[tilespmem:s12+$0x19270] =	vst v17;
	v17 =	vadd.f32 v22, v21;
	v21 =	vld [tilespmem:s12+$0x9240]  }
0x153: {  	[tilespmem:s12+$0x19200] =	vst v19;
	v19 =	vld [tilespmem:s12+$0x11250]  }
0x154: {  	[tilespmem:s12+$0x19210] =	vst v17;
	v17 =	vld [tilespmem:s12+$0x9250];
	v18 =	vadd.f32 v18, v23  }
0x155: {  	v23 =	vadd.f32 v20, v62;
	v20 =	vld [tilespmem:s12+$0x11260]  }
0x156: {  	s3 =	simm.s32 $0x80;
	[tilespmem:s12+$0x19220] =	vst v18;
	v18 =	vld [tilespmem:s12+$0x9260]  }
0x157: {  	s13 =	simm.s32 $0x400;
	v22 =	vld [tilespmem:s3+$0x9270];
	[tilespmem:s12+$0x19230] =	vst v23;
	v21 =	vadd.f32 v63, v21  }
.LBB2_11:
0x158: {  	p1 =	sne.s32 s13, $0x7E00;
	v23 =	vld [tilespmem:s3+$0x11270]  }
0x159: {  	v24 =	vld [tilespmem:s3+$0x9200];
	[tilespmem:s12+$0x19240] =	vst v21;
	v17 =	vadd.f32 v19, v17  }
0x15a: {  	v19 =	vld [tilespmem:s3+$0x11200]  }
0x15b: {  	v21 =	vld [tilespmem:s3+$0x9210];
	[tilespmem:s12+$0x19250] =	vst v17;
	v17 =	vadd.f32 v20, v18  }
0x15c: {  	v18 =	vld [tilespmem:s3+$0x11210]  }
0x15d: {  	v20 =	vld [tilespmem:s3+$0x9220];
	v22 =	vadd.f32 v23, v22;
	[tilespmem:s12+$0x19260] =	vst v17;
	s12 =	smov.u32 s3  }
0x15e: {  	v17 =	vld [tilespmem:s12+$0x11220]  }
0x15f: {  	v19 =	vadd.f32 v19, v24;
	v23 =	vld [tilespmem:s12+$0x9230];
	[tilespmem:s12+$0x19270] =	vst v22  }
0x160: {  	v22 =	vld [tilespmem:s12+$0x11230]  }
0x161: {  	[tilespmem:s12+$0x19200] =	vst v19;
	v18 =	vadd.f32 v18, v21;
	v21 =	vld [tilespmem:s12+$0x9240]  }
0x162: {  	v24 =	vld [tilespmem:s12+$0x11240]  }
.Ltmp6:
0x163: {  	[tilespmem:s12+$0x19210] =	vst v18;
	v18 =	vadd.f32 v17, v20;
	v17 =	vld [tilespmem:s12+$0x9250];
	(pc) =	sbr.rel @p1 .LBB2_11-.Ltmp6, $4  }
0x164: {  	v19 =	vld [tilespmem:s12+$0x11250]  }
0x165: {  	[tilespmem:s12+$0x19220] =	vst v18;
	v23 =	vadd.f32 v22, v23;
	v18 =	vld [tilespmem:s12+$0x9260]  }
0x166: {  	s3 =	sshra.s32 s13, $0x2;
	v20 =	vld [tilespmem:s12+$0x11260]  }
0x167: {  	s13 =	sadd.s32 $0x200, s13;
	v22 =	vld [tilespmem:s3+$0x9270];
	[tilespmem:s12+$0x19230] =	vst v23;
	v21 =	vadd.f32 v24, v21  }
0x168: {  	v23 =	vld [tilespmem:s3+$0x11270]  }
0x169: {  	v24 =	vld [tilespmem:s3+$0x9200]  }
0x16a: {  	v25 =	vld [tilespmem:s3+$0x11200]  }
0x16b: {  	v26 =	vld [tilespmem:s3+$0x9210]  }
0x16c: {  	v27 =	vld [tilespmem:s3+$0x11210]  }
0x16d: {  	v28 =	vld [tilespmem:s3+$0x9220]  }
0x16e: {  	v56 =	vld [tilespmem:s3+$0x11220]  }
0x16f: {  	v29 =	vld [tilespmem:s3+$0x9230]  }
0x170: {  	v57 =	vld [tilespmem:s3+$0x11230]  }
0x171: {  	v59 =	vld [tilespmem:s3+$0x9240]  }
0x172: {  	v60 =	vld [tilespmem:s3+$0x11240];
	v17 =	vadd.f32 v19, v17  }
0x173: {  	v61 =	vld [tilespmem:s3+$0x9250];
	[tilespmem:s12+$0x19240] =	vst v21;
	v18 =	vadd.f32 v20, v18  }
0x174: {  	v62 =	vld [tilespmem:s3+$0x11250];
	[tilespmem:s12+$0x19250] =	vst v17;
	v22 =	vadd.f32 v23, v22  }
0x175: {  	v63 =	vld [tilespmem:s3+$0x9260];
	v24 =	vadd.f32 v25, v24;
	[tilespmem:s12+$0x19260] =	vst v18  }
0x176: {  	v19 =	vld [tilespmem:s3+$0x11260];
	v58 =	vadd.f32 v27, v26;
	[tilespmem:s3+$0x19270] =	vst v22  }
0x177: {  	v23 =	vadd.f32 v56, v28;
	[tilespmem:s3+$0x19200] =	vst v24  }
0x178: {  	v17 =	vadd.f32 v57, v29;
	[tilespmem:s3+$0x19210] =	vst v58  }
0x179: {  	v18 =	vadd.f32 v60, v59;
	[tilespmem:s3+$0x19220] =	vst v23  }
.Ltmp7:
0x17a: {  	[tilespmem:s3+$0x19230] =	vst v17;
	v17 =	vadd.f32 v62, v61;
	(pc) =	sbr.rel @p2 .LBB2_14-.Ltmp7, $4  }
0x17b: {  	[tilespmem:s3+$0x19240] =	vst v18;
	v18 =	vadd.f32 v19, v63  }
0x17c: {  	s11 =	sand.u32 $0x1FFFF800, s11;
	[tilespmem:s3+$0x19250] =	vst v17  }
0x17d: {  	s22 =	sadd.s32 s11, s10;
	[tilespmem:s3+$0x19260] =	vst v18  }
0x17e: {  	[hbm4b:s22+s7] =	stream.linear.scatter [tilespmem:s5], [sflag:$0x6], $0x2000, $0x38;
	[tilespmem:$0x1C4C0] =	vst v63  }
0x17f: {  	s3 =	sshll.u32 s9, $0x7  }
0x180: {  	s9 =	sadd.s32 $0x180, s3  }
0x181: {  	[tilespmem:s21], [sflag:$0x2] =	stream.indirect.gather [hbm4b:s2+s16], $0x80, s9, s16, $0xb8;
	[tilespmem:$0x1C4C0] =	vst v63  }
0x182: {  	s11 =	sadd.s32 s0, s9  }
0x183: {  	v17 =	vor.u32 s11, v0;
	s12 =	sor.u32 $0x10, s11  }
0x184: {  	s3 =	sadd.s32 $0x1C0, s3;
	s22 =	sor.u32 $0x20, s11;
	s13 =	sor.u32 $0x40, s11;
	v18 =	vmulhi.u32 $0x51EB851F, v17;
	v19 =	vor.u32 s12, v0  }
0x185: {  	[tilespmem:s23], [sflag:$0x2] =	stream.indirect.gather [hbm4b:s2+s16], $0x80, s3, s16, $0xb8;
	v21 =	vor.u32 s22, v0;
	v20 =	vmulhi.u32 $0x51EB851F, v19;
	[tilespmem:$0x1C4C0] =	vst v63  }
0x186: {  	s12 =	sor.u32 $0x30, s11;
	v53 =	vor.u32 s13, v0;
	v22 =	vmulhi.u32 $0x51EB851F, v21  }
0x187: {  	s22 =	sor.u32 $0x50, s11;
	v25 =	vor.u32 s12, v0;
	v54 =	vmulhi.u32 $0x51EB851F, v53  }
0x188: {  	s13 =	sor.u32 $0x70, s11;
	v55 =	vor.u32 s22, v0;
	v52 =	vmulhi.u32 $0x51EB851F, v25  }
0x189: {  	s12 =	sor.u32 $0x60, s11;
	v28 =	vor.u32 s13, v0;
	v56 =	vmulhi.u32 $0x51EB851F, v55  }
0x18a: {  	s3 =	sand.u32 $0x3FFFFF80, s9;
	v18 =	vshrl.u32 v18, $0x6;
	v57 =	vor.u32 s12, v0;
	v30 =	vmulhi.u32 $0x51EB851F, v28  }
0x18b: {  	v23 =	vld [tilespmem:s3+$0x1900];
	v18 =	vmul.u32 $0xC8, v18;
	v20 =	vshrl.u32 v20, $0x6;
	v22 =	vshrl.u32 v22, $0x6  }
0x18c: {  	v24 =	vld [tilespmem:s3+$0x1910];
	v27 =	vmulhi.u32 $0x51EB851F, v57;
	v20 =	vmul.u32 $0xC8, v20;
	v60 =	vshrl.u32 v30, $0x6  }
0x18d: {  	v17 =	vsub.s32 v17, v18;
	v18 =	vmul.u32 $0xC8, v22;
	v22 =	vshrl.u32 v54, $0x6  }
0x18e: {  	v27 =	vshrl.u32 v27, $0x6;
	v61 =	vmul.u32 $0xC8, v60;
	v19 =	vsub.s32 v19, v20  }
0x18f: {  	v51 =	vld [tilespmem:s3+$0x1920];
	v17 =	vmul.u32 $0x3, v17;
	v20 =	vshrl.u32 v52, $0x6;
	v19 =	vmul.u32 $0x3, v19  }
0x190: {  	v26 =	vld [tilespmem:s3+$0x1930];
	v22 =	vmul.u32 $0xC8, v22;
	v18 =	vsub.s32 v21, v18;
	v20 =	vmul.u32 $0xC8, v20  }
0x191: {  	v29 =	vld [tilespmem:s3+$0x1940];
	v17 =	vadd.s32 v17, v23;
	v19 =	vadd.s32 v19, v24;
	v24 =	vshrl.u32 v56, $0x6  }
0x192: {  	v31 =	vld [tilespmem:s3+$0x1950];
	v18 =	vmul.u32 $0x3, v18;
	v20 =	vsub.s32 v25, v20;
	v24 =	vmul.u32 $0xC8, v24  }
0x193: {  	v59 =	vld [tilespmem:s3+$0x1960];
	v58 =	vmul.u32 $0xC8, v27;
	[tilespmem:s3+$0x1900] =	vst v17;
	v17 =	vsub.s32 v53, v22;
	v20 =	vmul.u32 $0x3, v20  }
0x194: {  	v62 =	vld [tilespmem:s3+$0x1970];
	v18 =	vadd.s32 v18, v51;
	[tilespmem:s3+$0x1910] =	vst v19;
	v17 =	vmul.u32 $0x3, v17;
	v19 =	vsub.s32 v55, v24  }
0x195: {  	v63 =	vsub.s32 v57, v58;
	[tilespmem:s3+$0x1920] =	vst v18;
	v18 =	vadd.s32 v20, v26;
	v19 =	vmul.u32 $0x3, v19  }
0x196: {  	v17 =	vadd.s32 v17, v29;
	v20 =	vmul.u32 $0x3, v63;
	[tilespmem:s3+$0x1930] =	vst v18;
	v18 =	vsub.s32 v28, v61  }
.Ltmp8:
0x197: {  	[tilespmem:s3+$0x1940] =	vst v17;
	v18 =	vmul.u32 $0x3, v18;
	v17 =	vadd.s32 v19, v31;
	(pc) =	sbr.rel .LBB2_2-.Ltmp8, $4  }
0x198: {  	[tilespmem:s3+$0x1950] =	vst v17;
	v17 =	vadd.s32 v20, v59  }
0x199: {  	[tilespmem:s3+$0x1960] =	vst v17;
	v17 =	vadd.s32 v18, v62  }
0x19a: {  	s8 =	sadd.s32 $0x1, s8;
	s22 =	sadd.s32 $0x1900, s3;
	[tilespmem:s3+$0x1970] =	vst v17  }
0x19b: {  	[tilespmem:s25], [sflag:$0x4] =	stream.indirect.gather [spmem:s6], $0x80, s22, s19, $0xb8;
	[tilespmem:$0x1C4C0] =	vst v63  }
.LBB2_15:
0x19c: {  	_ =	sfence.sel $0x180000  }
0x19d: {  	[bflag:$0x0] =	sbarrier.arrive $0xFFFF  }
0x19e: {  	_ =	strace $0x90000047  }
0x19f: {  	[bflag:$0x2] =	sbarrier.arrive $0xFFFF  }
0x1a0: {  	s0 =	rddreg [dreg:$0x4]  }
0x1a1: {  	s0 =	sadd.s32 @!p0 $0x100000, s0  }
0x1a2: {  	[sflag:s0] =	ssyncadd.tile.s32 @!p0 $0x1;
	_ =	shalt  }
.Lfunc_end2:
_tile_overlayer_lowered:
.L_overlay_start_2:
0x1a3: {  	(tag) =	ssettag $0x2  }
0x1a4: {  	s0 =	rddreg [dreg:$0x0];
	s2 =	stileid.u32  }
0x1a5: {  	s1 =	rddreg [dreg:$0x1];
	p0 =	sne.s32 s2, $0x0  }
0x1a6: {  	s3 =	rddreg [dreg:$0x2];
	[bflag:$0x3] =	sbarrier.arrive $0xFFFF;
	s2 =	simm.s32 @!p0 $0x1C07  }
0x1a7: {  	[timem:s3], [sflag:s2] =	dma.local @!p0 [hbm:s0], s1  }
0x1a8: {  	s0 =	simm.s32 @!p0 $0x7  }
0x1a9: {  	_ =	swait.ge @!p0 [sflag:s0], s1  }
0x1aa: {  	s1 =	ssub.s32 @!p0 $0x0, s1;
	[sflag:s0] =	ssyncset.done @!p0 $0x0  }
0x1ab: {  	[sflag:s0] =	ssyncadd.s32 @!p0 s1  }
0x1ac: {  	[bflag:$0x3] =	sbarrier.arrive $0xFFFF  }
0x1ad: {  	_ =	shalt  }

</sc_bundles>
